<compile_context>
chip_gen: v7x
topology: tpu7x:2x2x1
jax: 0.10.2.dev20260603
libtpu: 0.0.44.dev20260713+nightly
codegen_flags: <defaults>
</compile_context>

<pallas_src>
import functools

import jax
import jax.numpy as jnp
from jax import lax
from jax.experimental import pallas as pl
from jax.experimental.pallas import tpu as pltpu
from jax.experimental.pallas import tpu_sc as plsc

N = 10000
E = 320000
NP = 10240
NC = 2
NS = 16
NW = NC * NS
EPW = E // NW
CH = 80
NROW = E // CH
RPW = NROW // NW
NBUF = 3
ROWS_PER_TILE = NP // NS
DEGW = 16


def _zero_rows(ref, nrows, ncols):
    def row(i, _):
        def col(j, _):
            ref[i, pl.ds(j * 16, 16)] = jnp.zeros((16,), jnp.float32)
            return 0
        return lax.fori_loop(0, ncols // 16, col, 0)
    lax.fori_loop(0, nrows, row, 0)


def _fill_ones(ref, nrows, ncols):
    def row(i, _):
        def col(j, _):
            ref[i, pl.ds(j * 16, 16)] = jnp.ones((16,), jnp.float32)
            return 0
        return lax.fori_loop(0, ncols // 16, col, 0)
    lax.fori_loop(0, nrows, row, 0)


def _sc_mesh():
    return plsc.VectorSubcoreMesh(core_axis_name="c", subcore_axis_name="s")


def _deg_body(dst_hbm, out_hbm, didx, hist_v):
    c = lax.axis_index("c")
    s = lax.axis_index("s")
    wid = s * NC + c

    def zb(k, _):
        hist_v[k, pl.ds(0, 16)] = jnp.zeros((16,), jnp.float32)
        return 0
    lax.fori_loop(0, N // 16, zb, 0)

    ones16 = jnp.ones((16,), jnp.float32)

    def scat(iv):
        rows = lax.shift_right_logical(iv, 4)
        cols = lax.bitwise_and(iv, 15)
        plsc.addupdate_scatter(hist_v, [rows, cols], ones16)

    pltpu.sync_copy(dst_hbm.at[wid], didx)

    def body(j, _):
        def inner(k, _):
            scat(didx[j, pl.ds(k * 16, 16)])
            return 0
        return lax.fori_loop(0, CH // 16, inner, 0)
    lax.fori_loop(0, RPW, body, 0)

    pltpu.sync_copy(hist_v, out_hbm.at[wid])


def _sc_degree(dst3):
    return pl.kernel(
        _deg_body,
        out_type=jax.ShapeDtypeStruct((NW, N // 16, 16), jnp.float32),
        mesh=_sc_mesh(),
        scratch_types=[
            pltpu.VMEM((RPW, CH), jnp.int32),
            pltpu.VMEM((N // 16, 16), jnp.float32),
        ],
        compiler_params=pltpu.CompilerParams(needs_layout_passes=False),
    )(dst3)


def _agg_body(g_hbm, src_hbm, dst_hbm, out_hbm, sidx, *scratch, d):
    didxs = scratch[:NBUF]
    rowss = scratch[NBUF:2 * NBUF]
    acc_sh = scratch[2 * NBUF]
    sems = scratch[2 * NBUF + 1:]
    rows0 = rowss[0]
    c = lax.axis_index("c")
    s = lax.axis_index("s")
    wid = s * NC + c

    pltpu.sync_copy(src_hbm.at[wid], sidx)

    def start(j, rows, didx, sem):
        pltpu.async_copy(dst_hbm.at[wid, pl.ds(j, 1)], didx, sem)
        pltpu.async_copy(g_hbm.at[sidx.at[j]], rows, sem)

    def drain(j, rows, didx, sem):
        pltpu.make_async_copy(dst_hbm.at[wid, pl.ds(j, 1)], didx, sem).wait()
        pltpu.make_async_copy(g_hbm.at[sidx.at[j]], rows, sem).wait()
        pltpu.sync_copy(rows, acc_sh.at[didx.at[0]], add=True)

    bufs = tuple((rowss[t], didxs[t], sems[t]) for t in range(NBUF))

    _zero_rows(rowss[1], CH, d)
    start(0, *bufs[0])
    for k in range(ROWS_PER_TILE // CH):
        pltpu.async_copy(
            rowss[1], acc_sh.at[pl.ds(s * ROWS_PER_TILE + k * CH, CH)],
            sems[1])
    start(2, *bufs[2])
    for k in range(ROWS_PER_TILE // CH):
        pltpu.make_async_copy(
            rowss[1], acc_sh.at[pl.ds(s * ROWS_PER_TILE + k * CH, CH)],
            sems[1]).wait()
    start(1, *bufs[1])
    plsc.subcore_barrier()

    def body(j3, _):
        j = j3 * NBUF
        for t in range(NBUF):
            @pl.when(j + t < RPW)
            def _(t=t):
                drain(j + t, *bufs[t])

                @pl.when(j + t + NBUF < RPW)
                def _():
                    start(j + t + NBUF, *bufs[t])
        return 0
    lax.fori_loop(0, (RPW + NBUF - 1) // NBUF, body, 0)

    plsc.subcore_barrier()

    for k in range(ROWS_PER_TILE // CH):
        base = s * ROWS_PER_TILE + k * CH
        rb, sb = rowss[k % 2], sems[k % 2]
        if k >= 2:
            prev = s * ROWS_PER_TILE + (k - 2) * CH
            pltpu.make_async_copy(rb, out_hbm.at[c, pl.ds(prev, CH)],
                                  sb).wait()
        pltpu.sync_copy(acc_sh.at[pl.ds(base, CH)], rb)
        pltpu.async_copy(rb, out_hbm.at[c, pl.ds(base, CH)], sb)
    for k in range(ROWS_PER_TILE // CH - 2, ROWS_PER_TILE // CH):
        base = s * ROWS_PER_TILE + k * CH
        pltpu.make_async_copy(rowss[k % 2], out_hbm.at[c, pl.ds(base, CH)],
                              sems[k % 2]).wait()


def _sc_agg(g, src3, dst3, d):
    cp = None if d == 128 else pltpu.CompilerParams(use_tc_tiling_on_sc=False)
    return pl.kernel(
        functools.partial(_agg_body, d=d),
        compiler_params=cp,
        out_type=jax.ShapeDtypeStruct((NC, NP, d), jnp.float32),
        mesh=_sc_mesh(),
        scratch_types=(
            [pltpu.VMEM((RPW, CH), jnp.int32)]
            + [pltpu.VMEM((1, CH), jnp.int32) for _ in range(NBUF)]
            + [pltpu.VMEM((CH, d), jnp.float32) for _ in range(NBUF)]
            + [pltpu.VMEM_SHARED((NP, d), jnp.float32)]
            + [pltpu.SemaphoreType.DMA for _ in range(NBUF)]
        ),
    )(g, src3, dst3)


R = 1000


def _tc1_body(x_ref, w1_ref, h1_ref):
    h1_ref[...] = jnp.dot(x_ref[...], w1_ref[...],
                          preferred_element_type=jnp.float32)


def _tc1(x, W1):
    grid = N // R
    return pl.pallas_call(
        _tc1_body,
        grid=(grid,),
        in_specs=[
            pl.BlockSpec((R, 128), lambda i: (i, 0)),
            pl.BlockSpec((128, 128), lambda i: (0, 0)),
        ],
        out_specs=pl.BlockSpec((R, 128), lambda i: (i, 0)),
        out_shape=jax.ShapeDtypeStruct((N, 128), jnp.float32),
    )(x, W1)


def _dinv_scale_body(dp_ref, h1_ref, dinv_ref, g1_ref):
    deg = jnp.sum(dp_ref[...], axis=0) + 1.0
    dinv = lax.rsqrt(deg)[:, None]
    dinv_ref[...] = dinv
    g1_ref[...] = h1_ref[...] * dinv


def _dinv_scale(dp, h1):
    return pl.pallas_call(
        _dinv_scale_body,
        out_shape=[
            jax.ShapeDtypeStruct((N, 1), jnp.float32),
            jax.ShapeDtypeStruct((N, 128), jnp.float32),
        ],
    )(dp, h1)


def _tc2_body(dinv_ref, agg_ref, g1_ref, b1_ref, w2_ref, g2_ref):
    dinv = dinv_ref[...]
    out1 = dinv * (agg_ref[0] + agg_ref[1] + g1_ref[...]) + b1_ref[...]
    out1 = jnp.maximum(out1, 0.0)
    g2_ref[...] = jnp.dot(out1, w2_ref[...],
                          preferred_element_type=jnp.float32) * dinv


def _tc2(dinv, agg1, g1, b1, W2):
    grid = N // R
    return pl.pallas_call(
        _tc2_body,
        grid=(grid,),
        in_specs=[
            pl.BlockSpec((R, 1), lambda i: (i, 0)),
            pl.BlockSpec((NC, R, 128), lambda i: (0, i, 0)),
            pl.BlockSpec((R, 128), lambda i: (i, 0)),
            pl.BlockSpec((1, 128), lambda i: (0, 0)),
            pl.BlockSpec((128, 64), lambda i: (0, 0)),
        ],
        out_specs=pl.BlockSpec((R, 64), lambda i: (i, 0)),
        out_shape=jax.ShapeDtypeStruct((N, 64), jnp.float32),
    )(dinv, agg1, g1, b1.reshape(1, 128), W2)


def _tc3_body(dinv_ref, agg_ref, g2_ref, b2_ref, wd_ref, bd_ref, pred_ref):
    dinv = dinv_ref[...]
    z = dinv * (agg_ref[0] + agg_ref[1] + g2_ref[...]) + b2_ref[...]
    m = jnp.max(z, axis=1, keepdims=True)
    lse = jnp.log(jnp.sum(jnp.exp(z - m), axis=1, keepdims=True)) + m
    embeds = z - lse
    logit = jnp.sum(embeds * wd_ref[...], axis=1, keepdims=True) + bd_ref[0, 0]
    pred_ref[...] = jax.nn.sigmoid(logit)


def _tc3(dinv, agg2, g2, b2, Wd, bd):
    grid = N // R
    return pl.pallas_call(
        _tc3_body,
        grid=(grid,),
        in_specs=[
            pl.BlockSpec((R, 1), lambda i: (i, 0)),
            pl.BlockSpec((NC, R, 64), lambda i: (0, i, 0)),
            pl.BlockSpec((R, 64), lambda i: (i, 0)),
            pl.BlockSpec((1, 64), lambda i: (0, 0)),
            pl.BlockSpec((1, 64), lambda i: (0, 0)),
            pl.BlockSpec((1, 1), lambda i: (0, 0)),
        ],
        out_specs=pl.BlockSpec((R, 1), lambda i: (i, 0)),
        out_shape=jax.ShapeDtypeStruct((N, 1), jnp.float32),
    )(dinv, agg2, g2, b2.reshape(1, 64), Wd.reshape(1, 64), bd.reshape(1, 1))


def kernel(x, edge_index, W1, b1, W2, b2, Wd, bd):
    src3 = edge_index[0].reshape(NW, RPW, CH)
    dst3 = edge_index[1].reshape(NW, RPW, CH)
    dp = _sc_degree(dst3).reshape(NW, N)
    h1 = _tc1(x, W1)
    dinv, g1 = _dinv_scale(dp, h1)
    agg1 = _sc_agg(g1, src3, dst3, 128)
    g2 = _tc2(dinv, agg1, g1, b1, W2)
    agg2 = _sc_agg(g2, src3, dst3, 64)
    return _tc3(dinv, agg2, g2, b2, Wd, bd)

# --- scband reference (transcript-rebuilt; emitter-appended) ---
"""Pipeline reference for scband-gcnonly-23244363006577 (READ-ONLY COPY).

The authoritative reference and input builder live on the scoring server;
editing this copy changes nothing except your own understanding.
"""

import jax, jax.numpy as jnp
import numpy as np

N = 10000
E = 320000
NFEAT = 128
NHID = 128
NOUT = 64


def setup_inputs(seed: int = 0) -> dict:
    key = jax.random.key(seed)
    ks = jax.random.split(key, 9)
    x = jax.random.normal(ks[0], (N, NFEAT), dtype=jnp.float32)
    edge_index = jax.random.randint(ks[1], (2, E), 0, N, dtype=jnp.int32)
    s1 = 1.0 / np.sqrt(NFEAT)
    s2 = 1.0 / np.sqrt(NHID)
    s3 = 1.0 / np.sqrt(NOUT)
    W1 = jax.random.uniform(ks[2], (NFEAT, NHID), jnp.float32, -s1, s1)
    b1 = jax.random.uniform(ks[3], (NHID,), jnp.float32, -s1, s1)
    W2 = jax.random.uniform(ks[4], (NHID, NOUT), jnp.float32, -s2, s2)
    b2 = jax.random.uniform(ks[5], (NOUT,), jnp.float32, -s2, s2)
    Wd = jax.random.uniform(ks[6], (NOUT, 1), jnp.float32, -s3, s3)
    bd = jax.random.uniform(ks[7], (1,), jnp.float32, -s3, s3)
    return {"x": x, "edge_index": edge_index, "W1": W1, "b1": b1, "W2": W2, "b2": b2, "Wd": Wd, "bd": bd}


def gcn_conv(x, edge_index, W, b):
    # PyG-style GCNConv: add self loops + symmetric normalization
    n = x.shape[0]
    src = edge_index[0]
    dst = edge_index[1]
    loop = jnp.arange(n, dtype=src.dtype)
    src = jnp.concatenate([src, loop])
    dst = jnp.concatenate([dst, loop])
    deg = jnp.zeros((n,), x.dtype).at[dst].add(1.0)
    deg_inv_sqrt = jnp.where(deg > 0, 1.0 / jnp.sqrt(deg), 0.0)
    norm = deg_inv_sqrt[src] * deg_inv_sqrt[dst]
    h = x @ W
    msg = h[src] * norm[:, None]
    out = jax.ops.segment_sum(msg, dst, num_segments=n)
    return out + b


def reference(x, edge_index, W1, b1, W2, b2, Wd, bd):
    h = gcn_conv(x, edge_index, W1, b1)
    h = jax.nn.relu(h)
    # dropout is identity in eval mode
    h = gcn_conv(h, edge_index, W2, b2)
    embeds = jax.nn.log_softmax(h, axis=1)
    pred = jax.nn.sigmoid(embeds @ Wd + bd)
    return pred

if __name__ == "__main__":
    import jax
    _d = setup_inputs()
    print(jax.jit(kernel)(*tuple(_d.values())))

</pallas_src>

<mosaic_0001>
#map = affine_map<(d0, d1) -> (0, 0)>
#map1 = affine_map<(d0, d1) -> (0, 0, 0)>
module attributes {stable_mosaic.version = 14 : i64} {
  func.func @_agg_body(%arg0: i32, %arg1: i32, %arg2: memref<10000x64xf32, #tpu.memory_space<hbm>>, %arg3: memref<32x125x80xi32, #tpu.memory_space<hbm>>, %arg4: memref<32x125x80xi32, #tpu.memory_space<hbm>>, %arg5: memref<2x10240x64xf32, #tpu.memory_space<hbm>>, %arg6: memref<125x80xi32, #tpu.memory_space<vmem>>, %arg7: memref<1x80xi32, #tpu.memory_space<vmem>>, %arg8: memref<1x80xi32, #tpu.memory_space<vmem>>, %arg9: memref<1x80xi32, #tpu.memory_space<vmem>>, %arg10: memref<80x64xf32, #tpu.memory_space<vmem>>, %arg11: memref<80x64xf32, #tpu.memory_space<vmem>>, %arg12: memref<80x64xf32, #tpu.memory_space<vmem>>, %arg13: memref<10240x64xf32, #tpu.memory_space<vmem_shared>>, %arg14: memref<!tpu.dma_semaphore, #tpu.memory_space<semaphore_mem>>, %arg15: memref<!tpu.dma_semaphore, #tpu.memory_space<semaphore_mem>>, %arg16: memref<!tpu.dma_semaphore, #tpu.memory_space<semaphore_mem>>) attributes {dimension_semantics = [#tpu.dimension_semantics<core_parallel>, #tpu.dimension_semantics<subcore_parallel>], iteration_bounds = array<i64: 2, 16>, scalar_prefetch = 0 : i64, scratch_operands = 11 : i64, tpu.core_type = #tpu.core_type<sc_vector_subcore>, window_params = [{transform_indices = #map}, {transform_indices = #map1}, {transform_indices = #map1}, {transform_indices = #map1}]} {
    %mul3A = arith.constant 2 : i32
    %mul3A_0 = arith.muli %arg1, %mul3A : i32
    %add3A = arith.addi %mul3A_0, %arg0 : i32
    "tpu.region"() ({
      %run_scoped3A = tpu.sem_alloc : memref<!tpu.dma_semaphore, #tpu.memory_space<semaphore_mem>>
      %dma_start3A_346 = arith.constant 0 : i32
      %dma_start3A_347 = arith.constant 0 : i32
      %dma_start3A_348 = tpu.memref_slice %arg3[%add3A, %dma_start3A_346, %dma_start3A_347] : memref<32x125x80xi32, #tpu.memory_space<hbm>> -> memref<1x125x80xi32, #tpu.memory_space<hbm>>
      %dma_start3A_349 = tpu.memref_squeeze %dma_start3A_348 : memref<1x125x80xi32, #tpu.memory_space<hbm>> -> memref<125x80xi32, #tpu.memory_space<hbm>>
      %dma_start3A_350 = arith.constant 0 : i32
      %dma_start3A_351 = arith.constant 0 : i32
      %dma_start3A_352 = tpu.memref_slice %arg3[%add3A, %dma_start3A_350, %dma_start3A_351] : memref<32x125x80xi32, #tpu.memory_space<hbm>> -> memref<1x125x80xi32, #tpu.memory_space<hbm>>
      %dma_start3A_353 = tpu.memref_squeeze %dma_start3A_352 : memref<1x125x80xi32, #tpu.memory_space<hbm>> -> memref<125x80xi32, #tpu.memory_space<hbm>>
      tpu.enqueue_dma source(%dma_start3A_353 : memref<125x80xi32, #tpu.memory_space<hbm>>) target(%arg6 : memref<125x80xi32, #tpu.memory_space<vmem>>) target_semaphore(%run_scoped3A : memref<!tpu.dma_semaphore, #tpu.memory_space<semaphore_mem>>)
      %dma_wait3A_354 = arith.constant 0 : i32
      %dma_wait3A_355 = arith.constant 0 : i32
      %dma_wait3A_356 = tpu.memref_slice %arg3[%add3A, %dma_wait3A_354, %dma_wait3A_355] : memref<32x125x80xi32, #tpu.memory_space<hbm>> -> memref<1x125x80xi32, #tpu.memory_space<hbm>>
      %dma_wait3A_357 = tpu.memref_squeeze %dma_wait3A_356 : memref<1x125x80xi32, #tpu.memory_space<hbm>> -> memref<125x80xi32, #tpu.memory_space<hbm>>
      %dma_wait3A_358 = arith.constant 0 : i32
      %dma_wait3A_359 = arith.constant 0 : i32
      %dma_wait3A_360 = tpu.memref_slice %arg3[%add3A, %dma_wait3A_358, %dma_wait3A_359] : memref<32x125x80xi32, #tpu.memory_space<hbm>> -> memref<1x125x80xi32, #tpu.memory_space<hbm>>
      %dma_wait3A_361 = tpu.memref_squeeze %dma_wait3A_360 : memref<1x125x80xi32, #tpu.memory_space<hbm>> -> memref<125x80xi32, #tpu.memory_space<hbm>>
      tpu.wait_dma2 semaphore(%run_scoped3A : memref<!tpu.dma_semaphore, #tpu.memory_space<semaphore_mem>>) src(%dma_wait3A_361 : memref<125x80xi32, #tpu.memory_space<hbm>>) dst(%arg6 : memref<125x80xi32, #tpu.memory_space<vmem>>)
      tpu.yield
    }) : () -> ()
    %scan3A = arith.constant 0 : i32
    %scan3A_1 = arith.constant 0 : i32
    %scan3A_2 = arith.constant 80 : i32
    %scan3A_3 = arith.addi %scan3A_1, %scan3A_2 : i32
    %scan3A_4 = arith.constant 1 : i32
    %scan3A_5 = scf.for %scan3A_346 = %scan3A_1 to %scan3A_3 step %scan3A_4 iter_args(%scan3A_347 = %scan3A) -> (i32)  : i32 {
      %scan3A_348 = arith.constant 0 : i32
      %scan3A_349 = arith.constant 0 : i32
      %scan3A_350 = arith.constant 4 : i32
      %scan3A_351 = arith.addi %scan3A_349, %scan3A_350 : i32
      %scan3A_352 = arith.constant 1 : i32
      %scan3A_353 = scf.for %scan3A_355 = %scan3A_349 to %scan3A_351 step %scan3A_352 iter_args(%scan3A_356 = %scan3A_348) -> (i32)  : i32 {
        %broadcast_in_dim3A = arith.constant 0.000000e+00 : f32
        %broadcast_in_dim3A_357 = vector.broadcast %broadcast_in_dim3A : f32 to vector<16xf32>
        %mul3A_358 = arith.constant 16 : i32
        %mul3A_359 = arith.muli %scan3A_355, %mul3A_358 : i32
        %swap3A = arith.index_cast %scan3A_346 : i32 to index
        %swap3A_360 = arith.index_cast %mul3A_359 : i32 to index
        %swap3A_361 = tpu.vector_load %arg11[%swap3A, %swap3A_360] {strides = array<i32>} : memref<80x64xf32, #tpu.memory_space<vmem>>, vector<1x16xf32>,
        %swap3A_362 = vector.shape_cast %swap3A_361 : vector<1x16xf32> to vector<16xf32>
        %swap3A_363 = vector.shape_cast %broadcast_in_dim3A_357 : vector<16xf32> to vector<1x16xf32>
        tpu.vector_store %arg11[%swap3A, %swap3A_360], %swap3A_363 {strides = array<i32>} : memref<80x64xf32, #tpu.memory_space<vmem>>, vector<1x16xf32>,
        %scan3A_364 = arith.constant 0 : i32
        scf.yield %scan3A_364 : i32
      }
      %scan3A_354 = arith.constant 4 : i32
      scf.yield %scan3A_353 : i32
    }
    %scan3A_6 = arith.constant 80 : i32
    %dma_start3A = arith.constant 0 : i32
    %dma_start3A_7 = arith.constant 0 : i32
    %dma_start3A_8 = tpu.memref_slice %arg4[%add3A, %dma_start3A, %dma_start3A_7] : memref<32x125x80xi32, #tpu.memory_space<hbm>> -> memref<1x1x80xi32, #tpu.memory_space<hbm>>
    %dma_start3A_9 = tpu.memref_squeeze %dma_start3A_8 : memref<1x1x80xi32, #tpu.memory_space<hbm>> -> memref<1x80xi32, #tpu.memory_space<hbm>>
    %dma_start3A_10 = arith.constant 0 : i32
    %dma_start3A_11 = arith.constant 0 : i32
    %dma_start3A_12 = tpu.memref_slice %arg4[%add3A, %dma_start3A_10, %dma_start3A_11] : memref<32x125x80xi32, #tpu.memory_space<hbm>> -> memref<1x1x80xi32, #tpu.memory_space<hbm>>
    %dma_start3A_13 = tpu.memref_squeeze %dma_start3A_12 : memref<1x1x80xi32, #tpu.memory_space<hbm>> -> memref<1x80xi32, #tpu.memory_space<hbm>>
    tpu.enqueue_dma source(%dma_start3A_13 : memref<1x80xi32, #tpu.memory_space<hbm>>) target(%arg7 : memref<1x80xi32, #tpu.memory_space<vmem>>) target_semaphore(%arg14 : memref<!tpu.dma_semaphore, #tpu.memory_space<semaphore_mem>>)
    %dma_start3A_14 = arith.constant 0 : i32
    %dma_start3A_15 = arith.constant 0 : i32
    %dma_start3A_16 = tpu.memref_slice %arg6[%dma_start3A_14, %dma_start3A_15] : memref<125x80xi32, #tpu.memory_space<vmem>> -> memref<1x80xi32, #tpu.memory_space<vmem>>
    %dma_start3A_17 = tpu.memref_squeeze %dma_start3A_16 : memref<1x80xi32, #tpu.memory_space<vmem>> -> memref<80xi32, #tpu.memory_space<vmem>>
    %dma_start3A_18 = arith.constant 0 : i32
    %dma_start3A_19 = arith.constant 0 : i32
    %dma_start3A_20 = tpu.memref_slice %arg2[%dma_start3A_18, %dma_start3A_19] : memref<10000x64xf32, #tpu.memory_space<hbm>> -> memref<10000x64xf32, #tpu.memory_space<hbm>>
    tpu.enqueue_indirect_dma source(%dma_start3A_20 : memref<10000x64xf32, #tpu.memory_space<hbm>>) target(%arg10 : memref<80x64xf32, #tpu.memory_space<vmem>>) offsets(%dma_start3A_17 : memref<80xi32, #tpu.memory_space<vmem>>) semaphore(%arg14 : memref<!tpu.dma_semaphore, #tpu.memory_space<semaphore_mem>>)
    %mul3A_21 = arith.constant 640 : i32
    %mul3A_22 = arith.muli %arg1, %mul3A_21 : i32
    %add3A_23 = arith.constant 0 : i32
    %add3A_24 = arith.addi %mul3A_22, %add3A_23 : i32
    %dma_start3A_25 = arith.constant 0 : i32
    %dma_start3A_26 = tpu.memref_slice %arg13[%add3A_24, %dma_start3A_25] : memref<10240x64xf32, #tpu.memory_space<vmem_shared>> -> memref<80x64xf32, #tpu.memory_space<vmem_shared>>
    %dma_start3A_27 = arith.constant 0 : i32
    %dma_start3A_28 = tpu.memref_slice %arg13[%add3A_24, %dma_start3A_27] : memref<10240x64xf32, #tpu.memory_space<vmem_shared>> -> memref<80x64xf32, #tpu.memory_space<vmem_shared>>
    tpu.enqueue_dma source(%arg11 : memref<80x64xf32, #tpu.memory_space<vmem>>) target(%dma_start3A_28 : memref<80x64xf32, #tpu.memory_space<vmem_shared>>) target_semaphore(%arg15 : memref<!tpu.dma_semaphore, #tpu.memory_space<semaphore_mem>>)
    %mul3A_29 = arith.constant 640 : i32
    %mul3A_30 = arith.muli %arg1, %mul3A_29 : i32
    %add3A_31 = arith.constant 80 : i32
    %add3A_32 = arith.addi %mul3A_30, %add3A_31 : i32
    %dma_start3A_33 = arith.constant 0 : i32
    %dma_start3A_34 = tpu.memref_slice %arg13[%add3A_32, %dma_start3A_33] : memref<10240x64xf32, #tpu.memory_space<vmem_shared>> -> memref<80x64xf32, #tpu.memory_space<vmem_shared>>
    %dma_start3A_35 = arith.constant 0 : i32
    %dma_start3A_36 = tpu.memref_slice %arg13[%add3A_32, %dma_start3A_35] : memref<10240x64xf32, #tpu.memory_space<vmem_shared>> -> memref<80x64xf32, #tpu.memory_space<vmem_shared>>
    tpu.enqueue_dma source(%arg11 : memref<80x64xf32, #tpu.memory_space<vmem>>) target(%dma_start3A_36 : memref<80x64xf32, #tpu.memory_space<vmem_shared>>) target_semaphore(%arg15 : memref<!tpu.dma_semaphore, #tpu.memory_space<semaphore_mem>>)
    %mul3A_37 = arith.constant 640 : i32
    %mul3A_38 = arith.muli %arg1, %mul3A_37 : i32
    %add3A_39 = arith.constant 160 : i32
    %add3A_40 = arith.addi %mul3A_38, %add3A_39 : i32
    %dma_start3A_41 = arith.constant 0 : i32
    %dma_start3A_42 = tpu.memref_slice %arg13[%add3A_40, %dma_start3A_41] : memref<10240x64xf32, #tpu.memory_space<vmem_shared>> -> memref<80x64xf32, #tpu.memory_space<vmem_shared>>
    %dma_start3A_43 = arith.constant 0 : i32
    %dma_start3A_44 = tpu.memref_slice %arg13[%add3A_40, %dma_start3A_43] : memref<10240x64xf32, #tpu.memory_space<vmem_shared>> -> memref<80x64xf32, #tpu.memory_space<vmem_shared>>
    tpu.enqueue_dma source(%arg11 : memref<80x64xf32, #tpu.memory_space<vmem>>) target(%dma_start3A_44 : memref<80x64xf32, #tpu.memory_space<vmem_shared>>) target_semaphore(%arg15 : memref<!tpu.dma_semaphore, #tpu.memory_space<semaphore_mem>>)
    %mul3A_45 = arith.constant 640 : i32
    %mul3A_46 = arith.muli %arg1, %mul3A_45 : i32
    %add3A_47 = arith.constant 240 : i32
    %add3A_48 = arith.addi %mul3A_46, %add3A_47 : i32
    %dma_start3A_49 = arith.constant 0 : i32
    %dma_start3A_50 = tpu.memref_slice %arg13[%add3A_48, %dma_start3A_49] : memref<10240x64xf32, #tpu.memory_space<vmem_shared>> -> memref<80x64xf32, #tpu.memory_space<vmem_shared>>
    %dma_start3A_51 = arith.constant 0 : i32
    %dma_start3A_52 = tpu.memref_slice %arg13[%add3A_48, %dma_start3A_51] : memref<10240x64xf32, #tpu.memory_space<vmem_shared>> -> memref<80x64xf32, #tpu.memory_space<vmem_shared>>
    tpu.enqueue_dma source(%arg11 : memref<80x64xf32, #tpu.memory_space<vmem>>) target(%dma_start3A_52 : memref<80x64xf32, #tpu.memory_space<vmem_shared>>) target_semaphore(%arg15 : memref<!tpu.dma_semaphore, #tpu.memory_space<semaphore_mem>>)
    %mul3A_53 = arith.constant 640 : i32
    %mul3A_54 = arith.muli %arg1, %mul3A_53 : i32
    %add3A_55 = arith.constant 320 : i32
    %add3A_56 = arith.addi %mul3A_54, %add3A_55 : i32
    %dma_start3A_57 = arith.constant 0 : i32
    %dma_start3A_58 = tpu.memref_slice %arg13[%add3A_56, %dma_start3A_57] : memref<10240x64xf32, #tpu.memory_space<vmem_shared>> -> memref<80x64xf32, #tpu.memory_space<vmem_shared>>
    %dma_start3A_59 = arith.constant 0 : i32
    %dma_start3A_60 = tpu.memref_slice %arg13[%add3A_56, %dma_start3A_59] : memref<10240x64xf32, #tpu.memory_space<vmem_shared>> -> memref<80x64xf32, #tpu.memory_space<vmem_shared>>
    tpu.enqueue_dma source(%arg11 : memref<80x64xf32, #tpu.memory_space<vmem>>) target(%dma_start3A_60 : memref<80x64xf32, #tpu.memory_space<vmem_shared>>) target_semaphore(%arg15 : memref<!tpu.dma_semaphore, #tpu.memory_space<semaphore_mem>>)
    %mul3A_61 = arith.constant 640 : i32
    %mul3A_62 = arith.muli %arg1, %mul3A_61 : i32
    %add3A_63 = arith.constant 400 : i32
    %add3A_64 = arith.addi %mul3A_62, %add3A_63 : i32
    %dma_start3A_65 = arith.constant 0 : i32
    %dma_start3A_66 = tpu.memref_slice %arg13[%add3A_64, %dma_start3A_65] : memref<10240x64xf32, #tpu.memory_space<vmem_shared>> -> memref<80x64xf32, #tpu.memory_space<vmem_shared>>
    %dma_start3A_67 = arith.constant 0 : i32
    %dma_start3A_68 = tpu.memref_slice %arg13[%add3A_64, %dma_start3A_67] : memref<10240x64xf32, #tpu.memory_space<vmem_shared>> -> memref<80x64xf32, #tpu.memory_space<vmem_shared>>
    tpu.enqueue_dma source(%arg11 : memref<80x64xf32, #tpu.memory_space<vmem>>) target(%dma_start3A_68 : memref<80x64xf32, #tpu.memory_space<vmem_shared>>) target_semaphore(%arg15 : memref<!tpu.dma_semaphore, #tpu.memory_space<semaphore_mem>>)
    %mul3A_69 = arith.constant 640 : i32
    %mul3A_70 = arith.muli %arg1, %mul3A_69 : i32
    %add3A_71 = arith.constant 480 : i32
    %add3A_72 = arith.addi %mul3A_70, %add3A_71 : i32
    %dma_start3A_73 = arith.constant 0 : i32
    %dma_start3A_74 = tpu.memref_slice %arg13[%add3A_72, %dma_start3A_73] : memref<10240x64xf32, #tpu.memory_space<vmem_shared>> -> memref<80x64xf32, #tpu.memory_space<vmem_shared>>
    %dma_start3A_75 = arith.constant 0 : i32
    %dma_start3A_76 = tpu.memref_slice %arg13[%add3A_72, %dma_start3A_75] : memref<10240x64xf32, #tpu.memory_space<vmem_shared>> -> memref<80x64xf32, #tpu.memory_space<vmem_shared>>
    tpu.enqueue_dma source(%arg11 : memref<80x64xf32, #tpu.memory_space<vmem>>) target(%dma_start3A_76 : memref<80x64xf32, #tpu.memory_space<vmem_shared>>) target_semaphore(%arg15 : memref<!tpu.dma_semaphore, #tpu.memory_space<semaphore_mem>>)
    %mul3A_77 = arith.constant 640 : i32
    %mul3A_78 = arith.muli %arg1, %mul3A_77 : i32
    %add3A_79 = arith.constant 560 : i32
    %add3A_80 = arith.addi %mul3A_78, %add3A_79 : i32
    %dma_start3A_81 = arith.constant 0 : i32
    %dma_start3A_82 = tpu.memref_slice %arg13[%add3A_80, %dma_start3A_81] : memref<10240x64xf32, #tpu.memory_space<vmem_shared>> -> memref<80x64xf32, #tpu.memory_space<vmem_shared>>
    %dma_start3A_83 = arith.constant 0 : i32
    %dma_start3A_84 = tpu.memref_slice %arg13[%add3A_80, %dma_start3A_83] : memref<10240x64xf32, #tpu.memory_space<vmem_shared>> -> memref<80x64xf32, #tpu.memory_space<vmem_shared>>
    tpu.enqueue_dma source(%arg11 : memref<80x64xf32, #tpu.memory_space<vmem>>) target(%dma_start3A_84 : memref<80x64xf32, #tpu.memory_space<vmem_shared>>) target_semaphore(%arg15 : memref<!tpu.dma_semaphore, #tpu.memory_space<semaphore_mem>>)
    %dma_start3A_85 = arith.constant 2 : i32
    %dma_start3A_86 = arith.constant 0 : i32
    %dma_start3A_87 = tpu.memref_slice %arg4[%add3A, %dma_start3A_85, %dma_start3A_86] : memref<32x125x80xi32, #tpu.memory_space<hbm>> -> memref<1x1x80xi32, #tpu.memory_space<hbm>>
    %dma_start3A_88 = tpu.memref_squeeze %dma_start3A_87 : memref<1x1x80xi32, #tpu.memory_space<hbm>> -> memref<1x80xi32, #tpu.memory_space<hbm>>
    %dma_start3A_89 = arith.constant 2 : i32
    %dma_start3A_90 = arith.constant 0 : i32
    %dma_start3A_91 = tpu.memref_slice %arg4[%add3A, %dma_start3A_89, %dma_start3A_90] : memref<32x125x80xi32, #tpu.memory_space<hbm>> -> memref<1x1x80xi32, #tpu.memory_space<hbm>>
    %dma_start3A_92 = tpu.memref_squeeze %dma_start3A_91 : memref<1x1x80xi32, #tpu.memory_space<hbm>> -> memref<1x80xi32, #tpu.memory_space<hbm>>
    tpu.enqueue_dma source(%dma_start3A_92 : memref<1x80xi32, #tpu.memory_space<hbm>>) target(%arg9 : memref<1x80xi32, #tpu.memory_space<vmem>>) target_semaphore(%arg16 : memref<!tpu.dma_semaphore, #tpu.memory_space<semaphore_mem>>)
    %dma_start3A_93 = arith.constant 2 : i32
    %dma_start3A_94 = arith.constant 0 : i32
    %dma_start3A_95 = tpu.memref_slice %arg6[%dma_start3A_93, %dma_start3A_94] : memref<125x80xi32, #tpu.memory_space<vmem>> -> memref<1x80xi32, #tpu.memory_space<vmem>>
    %dma_start3A_96 = tpu.memref_squeeze %dma_start3A_95 : memref<1x80xi32, #tpu.memory_space<vmem>> -> memref<80xi32, #tpu.memory_space<vmem>>
    %dma_start3A_97 = arith.constant 0 : i32
    %dma_start3A_98 = arith.constant 0 : i32
    %dma_start3A_99 = tpu.memref_slice %arg2[%dma_start3A_97, %dma_start3A_98] : memref<10000x64xf32, #tpu.memory_space<hbm>> -> memref<10000x64xf32, #tpu.memory_space<hbm>>
    tpu.enqueue_indirect_dma source(%dma_start3A_99 : memref<10000x64xf32, #tpu.memory_space<hbm>>) target(%arg12 : memref<80x64xf32, #tpu.memory_space<vmem>>) offsets(%dma_start3A_96 : memref<80xi32, #tpu.memory_space<vmem>>) semaphore(%arg16 : memref<!tpu.dma_semaphore, #tpu.memory_space<semaphore_mem>>)
    %mul3A_100 = arith.constant 640 : i32
    %mul3A_101 = arith.muli %arg1, %mul3A_100 : i32
    %add3A_102 = arith.constant 0 : i32
    %add3A_103 = arith.addi %mul3A_101, %add3A_102 : i32
    %dma_wait3A = arith.constant 0 : i32
    %dma_wait3A_104 = tpu.memref_slice %arg13[%add3A_103, %dma_wait3A] : memref<10240x64xf32, #tpu.memory_space<vmem_shared>> -> memref<80x64xf32, #tpu.memory_space<vmem_shared>>
    %dma_wait3A_105 = arith.constant 0 : i32
    %dma_wait3A_106 = tpu.memref_slice %arg13[%add3A_103, %dma_wait3A_105] : memref<10240x64xf32, #tpu.memory_space<vmem_shared>> -> memref<80x64xf32, #tpu.memory_space<vmem_shared>>
    tpu.wait_dma2 semaphore(%arg15 : memref<!tpu.dma_semaphore, #tpu.memory_space<semaphore_mem>>) src(%arg11 : memref<80x64xf32, #tpu.memory_space<vmem>>) dst(%dma_wait3A_106 : memref<80x64xf32, #tpu.memory_space<vmem_shared>>)
    %mul3A_107 = arith.constant 640 : i32
    %mul3A_108 = arith.muli %arg1, %mul3A_107 : i32
    %add3A_109 = arith.constant 80 : i32
    %add3A_110 = arith.addi %mul3A_108, %add3A_109 : i32
    %dma_wait3A_111 = arith.constant 0 : i32
    %dma_wait3A_112 = tpu.memref_slice %arg13[%add3A_110, %dma_wait3A_111] : memref<10240x64xf32, #tpu.memory_space<vmem_shared>> -> memref<80x64xf32, #tpu.memory_space<vmem_shared>>
    %dma_wait3A_113 = arith.constant 0 : i32
    %dma_wait3A_114 = tpu.memref_slice %arg13[%add3A_110, %dma_wait3A_113] : memref<10240x64xf32, #tpu.memory_space<vmem_shared>> -> memref<80x64xf32, #tpu.memory_space<vmem_shared>>
    tpu.wait_dma2 semaphore(%arg15 : memref<!tpu.dma_semaphore, #tpu.memory_space<semaphore_mem>>) src(%arg11 : memref<80x64xf32, #tpu.memory_space<vmem>>) dst(%dma_wait3A_114 : memref<80x64xf32, #tpu.memory_space<vmem_shared>>)
    %mul3A_115 = arith.constant 640 : i32
    %mul3A_116 = arith.muli %arg1, %mul3A_115 : i32
    %add3A_117 = arith.constant 160 : i32
    %add3A_118 = arith.addi %mul3A_116, %add3A_117 : i32
    %dma_wait3A_119 = arith.constant 0 : i32
    %dma_wait3A_120 = tpu.memref_slice %arg13[%add3A_118, %dma_wait3A_119] : memref<10240x64xf32, #tpu.memory_space<vmem_shared>> -> memref<80x64xf32, #tpu.memory_space<vmem_shared>>
    %dma_wait3A_121 = arith.constant 0 : i32
    %dma_wait3A_122 = tpu.memref_slice %arg13[%add3A_118, %dma_wait3A_121] : memref<10240x64xf32, #tpu.memory_space<vmem_shared>> -> memref<80x64xf32, #tpu.memory_space<vmem_shared>>
    tpu.wait_dma2 semaphore(%arg15 : memref<!tpu.dma_semaphore, #tpu.memory_space<semaphore_mem>>) src(%arg11 : memref<80x64xf32, #tpu.memory_space<vmem>>) dst(%dma_wait3A_122 : memref<80x64xf32, #tpu.memory_space<vmem_shared>>)
    %mul3A_123 = arith.constant 640 : i32
    %mul3A_124 = arith.muli %arg1, %mul3A_123 : i32
    %add3A_125 = arith.constant 240 : i32
    %add3A_126 = arith.addi %mul3A_124, %add3A_125 : i32
    %dma_wait3A_127 = arith.constant 0 : i32
    %dma_wait3A_128 = tpu.memref_slice %arg13[%add3A_126, %dma_wait3A_127] : memref<10240x64xf32, #tpu.memory_space<vmem_shared>> -> memref<80x64xf32, #tpu.memory_space<vmem_shared>>
    %dma_wait3A_129 = arith.constant 0 : i32
    %dma_wait3A_130 = tpu.memref_slice %arg13[%add3A_126, %dma_wait3A_129] : memref<10240x64xf32, #tpu.memory_space<vmem_shared>> -> memref<80x64xf32, #tpu.memory_space<vmem_shared>>
    tpu.wait_dma2 semaphore(%arg15 : memref<!tpu.dma_semaphore, #tpu.memory_space<semaphore_mem>>) src(%arg11 : memref<80x64xf32, #tpu.memory_space<vmem>>) dst(%dma_wait3A_130 : memref<80x64xf32, #tpu.memory_space<vmem_shared>>)
    %mul3A_131 = arith.constant 640 : i32
    %mul3A_132 = arith.muli %arg1, %mul3A_131 : i32
    %add3A_133 = arith.constant 320 : i32
    %add3A_134 = arith.addi %mul3A_132, %add3A_133 : i32
    %dma_wait3A_135 = arith.constant 0 : i32
    %dma_wait3A_136 = tpu.memref_slice %arg13[%add3A_134, %dma_wait3A_135] : memref<10240x64xf32, #tpu.memory_space<vmem_shared>> -> memref<80x64xf32, #tpu.memory_space<vmem_shared>>
    %dma_wait3A_137 = arith.constant 0 : i32
    %dma_wait3A_138 = tpu.memref_slice %arg13[%add3A_134, %dma_wait3A_137] : memref<10240x64xf32, #tpu.memory_space<vmem_shared>> -> memref<80x64xf32, #tpu.memory_space<vmem_shared>>
    tpu.wait_dma2 semaphore(%arg15 : memref<!tpu.dma_semaphore, #tpu.memory_space<semaphore_mem>>) src(%arg11 : memref<80x64xf32, #tpu.memory_space<vmem>>) dst(%dma_wait3A_138 : memref<80x64xf32, #tpu.memory_space<vmem_shared>>)
    %mul3A_139 = arith.constant 640 : i32
    %mul3A_140 = arith.muli %arg1, %mul3A_139 : i32
    %add3A_141 = arith.constant 400 : i32
    %add3A_142 = arith.addi %mul3A_140, %add3A_141 : i32
    %dma_wait3A_143 = arith.constant 0 : i32
    %dma_wait3A_144 = tpu.memref_slice %arg13[%add3A_142, %dma_wait3A_143] : memref<10240x64xf32, #tpu.memory_space<vmem_shared>> -> memref<80x64xf32, #tpu.memory_space<vmem_shared>>
    %dma_wait3A_145 = arith.constant 0 : i32
    %dma_wait3A_146 = tpu.memref_slice %arg13[%add3A_142, %dma_wait3A_145] : memref<10240x64xf32, #tpu.memory_space<vmem_shared>> -> memref<80x64xf32, #tpu.memory_space<vmem_shared>>
    tpu.wait_dma2 semaphore(%arg15 : memref<!tpu.dma_semaphore, #tpu.memory_space<semaphore_mem>>) src(%arg11 : memref<80x64xf32, #tpu.memory_space<vmem>>) dst(%dma_wait3A_146 : memref<80x64xf32, #tpu.memory_space<vmem_shared>>)
    %mul3A_147 = arith.constant 640 : i32
    %mul3A_148 = arith.muli %arg1, %mul3A_147 : i32
    %add3A_149 = arith.constant 480 : i32
    %add3A_150 = arith.addi %mul3A_148, %add3A_149 : i32
    %dma_wait3A_151 = arith.constant 0 : i32
    %dma_wait3A_152 = tpu.memref_slice %arg13[%add3A_150, %dma_wait3A_151] : memref<10240x64xf32, #tpu.memory_space<vmem_shared>> -> memref<80x64xf32, #tpu.memory_space<vmem_shared>>
    %dma_wait3A_153 = arith.constant 0 : i32
    %dma_wait3A_154 = tpu.memref_slice %arg13[%add3A_150, %dma_wait3A_153] : memref<10240x64xf32, #tpu.memory_space<vmem_shared>> -> memref<80x64xf32, #tpu.memory_space<vmem_shared>>
    tpu.wait_dma2 semaphore(%arg15 : memref<!tpu.dma_semaphore, #tpu.memory_space<semaphore_mem>>) src(%arg11 : memref<80x64xf32, #tpu.memory_space<vmem>>) dst(%dma_wait3A_154 : memref<80x64xf32, #tpu.memory_space<vmem_shared>>)
    %mul3A_155 = arith.constant 640 : i32
    %mul3A_156 = arith.muli %arg1, %mul3A_155 : i32
    %add3A_157 = arith.constant 560 : i32
    %add3A_158 = arith.addi %mul3A_156, %add3A_157 : i32
    %dma_wait3A_159 = arith.constant 0 : i32
    %dma_wait3A_160 = tpu.memref_slice %arg13[%add3A_158, %dma_wait3A_159] : memref<10240x64xf32, #tpu.memory_space<vmem_shared>> -> memref<80x64xf32, #tpu.memory_space<vmem_shared>>
    %dma_wait3A_161 = arith.constant 0 : i32
    %dma_wait3A_162 = tpu.memref_slice %arg13[%add3A_158, %dma_wait3A_161] : memref<10240x64xf32, #tpu.memory_space<vmem_shared>> -> memref<80x64xf32, #tpu.memory_space<vmem_shared>>
    tpu.wait_dma2 semaphore(%arg15 : memref<!tpu.dma_semaphore, #tpu.memory_space<semaphore_mem>>) src(%arg11 : memref<80x64xf32, #tpu.memory_space<vmem>>) dst(%dma_wait3A_162 : memref<80x64xf32, #tpu.memory_space<vmem_shared>>)
    %dma_start3A_163 = arith.constant 1 : i32
    %dma_start3A_164 = arith.constant 0 : i32
    %dma_start3A_165 = tpu.memref_slice %arg4[%add3A, %dma_start3A_163, %dma_start3A_164] : memref<32x125x80xi32, #tpu.memory_space<hbm>> -> memref<1x1x80xi32, #tpu.memory_space<hbm>>
    %dma_start3A_166 = tpu.memref_squeeze %dma_start3A_165 : memref<1x1x80xi32, #tpu.memory_space<hbm>> -> memref<1x80xi32, #tpu.memory_space<hbm>>
    %dma_start3A_167 = arith.constant 1 : i32
    %dma_start3A_168 = arith.constant 0 : i32
    %dma_start3A_169 = tpu.memref_slice %arg4[%add3A, %dma_start3A_167, %dma_start3A_168] : memref<32x125x80xi32, #tpu.memory_space<hbm>> -> memref<1x1x80xi32, #tpu.memory_space<hbm>>
    %dma_start3A_170 = tpu.memref_squeeze %dma_start3A_169 : memref<1x1x80xi32, #tpu.memory_space<hbm>> -> memref<1x80xi32, #tpu.memory_space<hbm>>
    tpu.enqueue_dma source(%dma_start3A_170 : memref<1x80xi32, #tpu.memory_space<hbm>>) target(%arg8 : memref<1x80xi32, #tpu.memory_space<vmem>>) target_semaphore(%arg15 : memref<!tpu.dma_semaphore, #tpu.memory_space<semaphore_mem>>)
    %dma_start3A_171 = arith.constant 1 : i32
    %dma_start3A_172 = arith.constant 0 : i32
    %dma_start3A_173 = tpu.memref_slice %arg6[%dma_start3A_171, %dma_start3A_172] : memref<125x80xi32, #tpu.memory_space<vmem>> -> memref<1x80xi32, #tpu.memory_space<vmem>>
    %dma_start3A_174 = tpu.memref_squeeze %dma_start3A_173 : memref<1x80xi32, #tpu.memory_space<vmem>> -> memref<80xi32, #tpu.memory_space<vmem>>
    %dma_start3A_175 = arith.constant 0 : i32
    %dma_start3A_176 = arith.constant 0 : i32
    %dma_start3A_177 = tpu.memref_slice %arg2[%dma_start3A_175, %dma_start3A_176] : memref<10000x64xf32, #tpu.memory_space<hbm>> -> memref<10000x64xf32, #tpu.memory_space<hbm>>
    tpu.enqueue_indirect_dma source(%dma_start3A_177 : memref<10000x64xf32, #tpu.memory_space<hbm>>) target(%arg11 : memref<80x64xf32, #tpu.memory_space<vmem>>) offsets(%dma_start3A_174 : memref<80xi32, #tpu.memory_space<vmem>>) semaphore(%arg15 : memref<!tpu.dma_semaphore, #tpu.memory_space<semaphore_mem>>)
    %barrier3A = arith.constant 0 : index
    tpu.barrier barrier_id(%barrier3A)
    %scan3A_178 = arith.constant 0 : i32
    %scan3A_179 = arith.constant 0 : i32
    %scan3A_180 = arith.constant 42 : i32
    %scan3A_181 = arith.addi %scan3A_179, %scan3A_180 : i32
    %scan3A_182 = arith.constant 1 : i32
    %scan3A_183 = scf.for %scan3A_346 = %scan3A_179 to %scan3A_181 step %scan3A_182 iter_args(%scan3A_347 = %scan3A_178) -> (i32)  : i32 {
      %mul3A_348 = arith.constant 3 : i32
      %mul3A_349 = arith.muli %scan3A_346, %mul3A_348 : i32
      %add3A_350 = arith.constant 0 : i32
      %add3A_351 = arith.addi %mul3A_349, %add3A_350 : i32
      %lt3A = arith.constant 125 : i32
      %lt3A_352 = arith.cmpi slt, %add3A_351, %lt3A : i32
      %convert_element_type3A = arith.extui %lt3A_352 : i1 to i32
      %cond3A = arith.constant 0 : i32
      %cond3A_353 = arith.cmpi ne, %convert_element_type3A, %cond3A : i32
      scf.if %cond3A_353 {
        %add3A_369 = arith.constant 0 : i32
        %add3A_370 = arith.addi %mul3A_349, %add3A_369 : i32
        %dma_wait3A_371 = arith.constant 0 : i32
        %dma_wait3A_372 = tpu.memref_slice %arg4[%add3A, %add3A_370, %dma_wait3A_371] : memref<32x125x80xi32, #tpu.memory_space<hbm>> -> memref<1x1x80xi32, #tpu.memory_space<hbm>>
        %dma_wait3A_373 = tpu.memref_squeeze %dma_wait3A_372 : memref<1x1x80xi32, #tpu.memory_space<hbm>> -> memref<1x80xi32, #tpu.memory_space<hbm>>
        %dma_wait3A_374 = arith.constant 0 : i32
        %dma_wait3A_375 = tpu.memref_slice %arg4[%add3A, %add3A_370, %dma_wait3A_374] : memref<32x125x80xi32, #tpu.memory_space<hbm>> -> memref<1x1x80xi32, #tpu.memory_space<hbm>>
        %dma_wait3A_376 = tpu.memref_squeeze %dma_wait3A_375 : memref<1x1x80xi32, #tpu.memory_space<hbm>> -> memref<1x80xi32, #tpu.memory_space<hbm>>
        tpu.wait_dma2 semaphore(%arg14 : memref<!tpu.dma_semaphore, #tpu.memory_space<semaphore_mem>>) src(%dma_wait3A_376 : memref<1x80xi32, #tpu.memory_space<hbm>>) dst(%arg7 : memref<1x80xi32, #tpu.memory_space<vmem>>)
        %dma_wait3A_377 = arith.constant 0 : i32
        %dma_wait3A_378 = tpu.memref_slice %arg6[%add3A_370, %dma_wait3A_377] : memref<125x80xi32, #tpu.memory_space<vmem>> -> memref<1x80xi32, #tpu.memory_space<vmem>>
        %dma_wait3A_379 = tpu.memref_squeeze %dma_wait3A_378 : memref<1x80xi32, #tpu.memory_space<vmem>> -> memref<80xi32, #tpu.memory_space<vmem>>
        %dma_wait3A_380 = arith.constant 0 : i32
        %dma_wait3A_381 = arith.constant 0 : i32
        %dma_wait3A_382 = tpu.memref_slice %arg2[%dma_wait3A_380, %dma_wait3A_381] : memref<10000x64xf32, #tpu.memory_space<hbm>> -> memref<10000x64xf32, #tpu.memory_space<hbm>>
        tpu.wait_indirect_dma semaphore(%arg14 : memref<!tpu.dma_semaphore, #tpu.memory_space<semaphore_mem>>) src(%dma_wait3A_382 : memref<10000x64xf32, #tpu.memory_space<hbm>>) dst(%arg10 : memref<80x64xf32, #tpu.memory_space<vmem>>)
        %run_scoped3A = arith.constant 0 : i32
        "tpu.region"() ({
          %run_scoped3A_392 = tpu.sem_alloc : memref<!tpu.dma_semaphore, #tpu.memory_space<semaphore_mem>>
          %dma_start3A_393 = arith.constant 0 : i32
          %dma_start3A_394 = tpu.memref_slice %arg7[%run_scoped3A, %dma_start3A_393] : memref<1x80xi32, #tpu.memory_space<vmem>> -> memref<1x80xi32, #tpu.memory_space<vmem>>
          %dma_start3A_395 = tpu.memref_squeeze %dma_start3A_394 : memref<1x80xi32, #tpu.memory_space<vmem>> -> memref<80xi32, #tpu.memory_space<vmem>>
          %dma_start3A_396 = arith.constant 0 : i32
          %dma_start3A_397 = arith.constant 0 : i32
          %dma_start3A_398 = tpu.memref_slice %arg13[%dma_start3A_396, %dma_start3A_397] : memref<10240x64xf32, #tpu.memory_space<vmem_shared>> -> memref<10240x64xf32, #tpu.memory_space<vmem_shared>>
          tpu.enqueue_indirect_dma source(%arg10 : memref<80x64xf32, #tpu.memory_space<vmem>>) target(%dma_start3A_398 : memref<10240x64xf32, #tpu.memory_space<vmem_shared>>) offsets(%dma_start3A_395 : memref<80xi32, #tpu.memory_space<vmem>>) semaphore(%run_scoped3A_392 : memref<!tpu.dma_semaphore, #tpu.memory_space<semaphore_mem>>) {add = true}
          %dma_wait3A_399 = arith.constant 0 : i32
          %dma_wait3A_400 = tpu.memref_slice %arg7[%run_scoped3A, %dma_wait3A_399] : memref<1x80xi32, #tpu.memory_space<vmem>> -> memref<1x80xi32, #tpu.memory_space<vmem>>
          %dma_wait3A_401 = tpu.memref_squeeze %dma_wait3A_400 : memref<1x80xi32, #tpu.memory_space<vmem>> -> memref<80xi32, #tpu.memory_space<vmem>>
          %dma_wait3A_402 = arith.constant 0 : i32
          %dma_wait3A_403 = arith.constant 0 : i32
          %dma_wait3A_404 = tpu.memref_slice %arg13[%dma_wait3A_402, %dma_wait3A_403] : memref<10240x64xf32, #tpu.memory_space<vmem_shared>> -> memref<10240x64xf32, #tpu.memory_space<vmem_shared>>
          tpu.wait_indirect_dma semaphore(%run_scoped3A_392 : memref<!tpu.dma_semaphore, #tpu.memory_space<semaphore_mem>>) src(%arg10 : memref<80x64xf32, #tpu.memory_space<vmem>>) dst(%dma_wait3A_404 : memref<10240x64xf32, #tpu.memory_space<vmem_shared>>)
          tpu.yield
        }) : () -> ()
        %add3A_383 = arith.constant 0 : i32
        %add3A_384 = arith.addi %mul3A_349, %add3A_383 : i32
        %add3A_385 = arith.constant 3 : i32
        %add3A_386 = arith.addi %add3A_384, %add3A_385 : i32
        %lt3A_387 = arith.constant 125 : i32
        %lt3A_388 = arith.cmpi slt, %add3A_386, %lt3A_387 : i32
        %convert_element_type3A_389 = arith.extui %lt3A_388 : i1 to i32
        %cond3A_390 = arith.constant 0 : i32
        %cond3A_391 = arith.cmpi ne, %convert_element_type3A_389, %cond3A_390 : i32
        scf.if %cond3A_391 {
          %add3A_392 = arith.constant 0 : i32
          %add3A_393 = arith.addi %mul3A_349, %add3A_392 : i32
          %add3A_394 = arith.constant 3 : i32
          %add3A_395 = arith.addi %add3A_393, %add3A_394 : i32
          %dma_start3A_396 = arith.constant 0 : i32
          %dma_start3A_397 = tpu.memref_slice %arg4[%add3A, %add3A_395, %dma_start3A_396] : memref<32x125x80xi32, #tpu.memory_space<hbm>> -> memref<1x1x80xi32, #tpu.memory_space<hbm>>
          %dma_start3A_398 = tpu.memref_squeeze %dma_start3A_397 : memref<1x1x80xi32, #tpu.memory_space<hbm>> -> memref<1x80xi32, #tpu.memory_space<hbm>>
          %dma_start3A_399 = arith.constant 0 : i32
          %dma_start3A_400 = tpu.memref_slice %arg4[%add3A, %add3A_395, %dma_start3A_399] : memref<32x125x80xi32, #tpu.memory_space<hbm>> -> memref<1x1x80xi32, #tpu.memory_space<hbm>>
          %dma_start3A_401 = tpu.memref_squeeze %dma_start3A_400 : memref<1x1x80xi32, #tpu.memory_space<hbm>> -> memref<1x80xi32, #tpu.memory_space<hbm>>
          tpu.enqueue_dma source(%dma_start3A_401 : memref<1x80xi32, #tpu.memory_space<hbm>>) target(%arg7 : memref<1x80xi32, #tpu.memory_space<vmem>>) target_semaphore(%arg14 : memref<!tpu.dma_semaphore, #tpu.memory_space<semaphore_mem>>)
          %dma_start3A_402 = arith.constant 0 : i32
          %dma_start3A_403 = tpu.memref_slice %arg6[%add3A_395, %dma_start3A_402] : memref<125x80xi32, #tpu.memory_space<vmem>> -> memref<1x80xi32, #tpu.memory_space<vmem>>
          %dma_start3A_404 = tpu.memref_squeeze %dma_start3A_403 : memref<1x80xi32, #tpu.memory_space<vmem>> -> memref<80xi32, #tpu.memory_space<vmem>>
          %dma_start3A_405 = arith.constant 0 : i32
          %dma_start3A_406 = arith.constant 0 : i32
          %dma_start3A_407 = tpu.memref_slice %arg2[%dma_start3A_405, %dma_start3A_406] : memref<10000x64xf32, #tpu.memory_space<hbm>> -> memref<10000x64xf32, #tpu.memory_space<hbm>>
          tpu.enqueue_indirect_dma source(%dma_start3A_407 : memref<10000x64xf32, #tpu.memory_space<hbm>>) target(%arg10 : memref<80x64xf32, #tpu.memory_space<vmem>>) offsets(%dma_start3A_404 : memref<80xi32, #tpu.memory_space<vmem>>) semaphore(%arg14 : memref<!tpu.dma_semaphore, #tpu.memory_space<semaphore_mem>>)
        } else {
        }
      } else {
      }
      %add3A_354 = arith.constant 1 : i32
      %add3A_355 = arith.addi %mul3A_349, %add3A_354 : i32
      %lt3A_356 = arith.constant 125 : i32
      %lt3A_357 = arith.cmpi slt, %add3A_355, %lt3A_356 : i32
      %convert_element_type3A_358 = arith.extui %lt3A_357 : i1 to i32
      %cond3A_359 = arith.constant 0 : i32
      %cond3A_360 = arith.cmpi ne, %convert_element_type3A_358, %cond3A_359 : i32
      scf.if %cond3A_360 {
        %add3A_369 = arith.constant 1 : i32
        %add3A_370 = arith.addi %mul3A_349, %add3A_369 : i32
        %dma_wait3A_371 = arith.constant 0 : i32
        %dma_wait3A_372 = tpu.memref_slice %arg4[%add3A, %add3A_370, %dma_wait3A_371] : memref<32x125x80xi32, #tpu.memory_space<hbm>> -> memref<1x1x80xi32, #tpu.memory_space<hbm>>
        %dma_wait3A_373 = tpu.memref_squeeze %dma_wait3A_372 : memref<1x1x80xi32, #tpu.memory_space<hbm>> -> memref<1x80xi32, #tpu.memory_space<hbm>>
        %dma_wait3A_374 = arith.constant 0 : i32
        %dma_wait3A_375 = tpu.memref_slice %arg4[%add3A, %add3A_370, %dma_wait3A_374] : memref<32x125x80xi32, #tpu.memory_space<hbm>> -> memref<1x1x80xi32, #tpu.memory_space<hbm>>
        %dma_wait3A_376 = tpu.memref_squeeze %dma_wait3A_375 : memref<1x1x80xi32, #tpu.memory_space<hbm>> -> memref<1x80xi32, #tpu.memory_space<hbm>>
        tpu.wait_dma2 semaphore(%arg15 : memref<!tpu.dma_semaphore, #tpu.memory_space<semaphore_mem>>) src(%dma_wait3A_376 : memref<1x80xi32, #tpu.memory_space<hbm>>) dst(%arg8 : memref<1x80xi32, #tpu.memory_space<vmem>>)
        %dma_wait3A_377 = arith.constant 0 : i32
        %dma_wait3A_378 = tpu.memref_slice %arg6[%add3A_370, %dma_wait3A_377] : memref<125x80xi32, #tpu.memory_space<vmem>> -> memref<1x80xi32, #tpu.memory_space<vmem>>
        %dma_wait3A_379 = tpu.memref_squeeze %dma_wait3A_378 : memref<1x80xi32, #tpu.memory_space<vmem>> -> memref<80xi32, #tpu.memory_space<vmem>>
        %dma_wait3A_380 = arith.constant 0 : i32
        %dma_wait3A_381 = arith.constant 0 : i32
        %dma_wait3A_382 = tpu.memref_slice %arg2[%dma_wait3A_380, %dma_wait3A_381] : memref<10000x64xf32, #tpu.memory_space<hbm>> -> memref<10000x64xf32, #tpu.memory_space<hbm>>
        tpu.wait_indirect_dma semaphore(%arg15 : memref<!tpu.dma_semaphore, #tpu.memory_space<semaphore_mem>>) src(%dma_wait3A_382 : memref<10000x64xf32, #tpu.memory_space<hbm>>) dst(%arg11 : memref<80x64xf32, #tpu.memory_space<vmem>>)
        %run_scoped3A = arith.constant 0 : i32
        "tpu.region"() ({
          %run_scoped3A_392 = tpu.sem_alloc : memref<!tpu.dma_semaphore, #tpu.memory_space<semaphore_mem>>
          %dma_start3A_393 = arith.constant 0 : i32
          %dma_start3A_394 = tpu.memref_slice %arg8[%run_scoped3A, %dma_start3A_393] : memref<1x80xi32, #tpu.memory_space<vmem>> -> memref<1x80xi32, #tpu.memory_space<vmem>>
          %dma_start3A_395 = tpu.memref_squeeze %dma_start3A_394 : memref<1x80xi32, #tpu.memory_space<vmem>> -> memref<80xi32, #tpu.memory_space<vmem>>
          %dma_start3A_396 = arith.constant 0 : i32
          %dma_start3A_397 = arith.constant 0 : i32
          %dma_start3A_398 = tpu.memref_slice %arg13[%dma_start3A_396, %dma_start3A_397] : memref<10240x64xf32, #tpu.memory_space<vmem_shared>> -> memref<10240x64xf32, #tpu.memory_space<vmem_shared>>
          tpu.enqueue_indirect_dma source(%arg11 : memref<80x64xf32, #tpu.memory_space<vmem>>) target(%dma_start3A_398 : memref<10240x64xf32, #tpu.memory_space<vmem_shared>>) offsets(%dma_start3A_395 : memref<80xi32, #tpu.memory_space<vmem>>) semaphore(%run_scoped3A_392 : memref<!tpu.dma_semaphore, #tpu.memory_space<semaphore_mem>>) {add = true}
          %dma_wait3A_399 = arith.constant 0 : i32
          %dma_wait3A_400 = tpu.memref_slice %arg8[%run_scoped3A, %dma_wait3A_399] : memref<1x80xi32, #tpu.memory_space<vmem>> -> memref<1x80xi32, #tpu.memory_space<vmem>>
          %dma_wait3A_401 = tpu.memref_squeeze %dma_wait3A_400 : memref<1x80xi32, #tpu.memory_space<vmem>> -> memref<80xi32, #tpu.memory_space<vmem>>
          %dma_wait3A_402 = arith.constant 0 : i32
          %dma_wait3A_403 = arith.constant 0 : i32
          %dma_wait3A_404 = tpu.memref_slice %arg13[%dma_wait3A_402, %dma_wait3A_403] : memref<10240x64xf32, #tpu.memory_space<vmem_shared>> -> memref<10240x64xf32, #tpu.memory_space<vmem_shared>>
          tpu.wait_indirect_dma semaphore(%run_scoped3A_392 : memref<!tpu.dma_semaphore, #tpu.memory_space<semaphore_mem>>) src(%arg11 : memref<80x64xf32, #tpu.memory_space<vmem>>) dst(%dma_wait3A_404 : memref<10240x64xf32, #tpu.memory_space<vmem_shared>>)
          tpu.yield
        }) : () -> ()
        %add3A_383 = arith.constant 1 : i32
        %add3A_384 = arith.addi %mul3A_349, %add3A_383 : i32
        %add3A_385 = arith.constant 3 : i32
        %add3A_386 = arith.addi %add3A_384, %add3A_385 : i32
        %lt3A_387 = arith.constant 125 : i32
        %lt3A_388 = arith.cmpi slt, %add3A_386, %lt3A_387 : i32
        %convert_element_type3A_389 = arith.extui %lt3A_388 : i1 to i32
        %cond3A_390 = arith.constant 0 : i32
        %cond3A_391 = arith.cmpi ne, %convert_element_type3A_389, %cond3A_390 : i32
        scf.if %cond3A_391 {
          %add3A_392 = arith.constant 1 : i32
          %add3A_393 = arith.addi %mul3A_349, %add3A_392 : i32
          %add3A_394 = arith.constant 3 : i32
          %add3A_395 = arith.addi %add3A_393, %add3A_394 : i32
          %dma_start3A_396 = arith.constant 0 : i32
          %dma_start3A_397 = tpu.memref_slice %arg4[%add3A, %add3A_395, %dma_start3A_396] : memref<32x125x80xi32, #tpu.memory_space<hbm>> -> memref<1x1x80xi32, #tpu.memory_space<hbm>>
          %dma_start3A_398 = tpu.memref_squeeze %dma_start3A_397 : memref<1x1x80xi32, #tpu.memory_space<hbm>> -> memref<1x80xi32, #tpu.memory_space<hbm>>
          %dma_start3A_399 = arith.constant 0 : i32
          %dma_start3A_400 = tpu.memref_slice %arg4[%add3A, %add3A_395, %dma_start3A_399] : memref<32x125x80xi32, #tpu.memory_space<hbm>> -> memref<1x1x80xi32, #tpu.memory_space<hbm>>
          %dma_start3A_401 = tpu.memref_squeeze %dma_start3A_400 : memref<1x1x80xi32, #tpu.memory_space<hbm>> -> memref<1x80xi32, #tpu.memory_space<hbm>>
          tpu.enqueue_dma source(%dma_start3A_401 : memref<1x80xi32, #tpu.memory_space<hbm>>) target(%arg8 : memref<1x80xi32, #tpu.memory_space<vmem>>) target_semaphore(%arg15 : memref<!tpu.dma_semaphore, #tpu.memory_space<semaphore_mem>>)
          %dma_start3A_402 = arith.constant 0 : i32
          %dma_start3A_403 = tpu.memref_slice %arg6[%add3A_395, %dma_start3A_402] : memref<125x80xi32, #tpu.memory_space<vmem>> -> memref<1x80xi32, #tpu.memory_space<vmem>>
          %dma_start3A_404 = tpu.memref_squeeze %dma_start3A_403 : memref<1x80xi32, #tpu.memory_space<vmem>> -> memref<80xi32, #tpu.memory_space<vmem>>
          %dma_start3A_405 = arith.constant 0 : i32
          %dma_start3A_406 = arith.constant 0 : i32
          %dma_start3A_407 = tpu.memref_slice %arg2[%dma_start3A_405, %dma_start3A_406] : memref<10000x64xf32, #tpu.memory_space<hbm>> -> memref<10000x64xf32, #tpu.memory_space<hbm>>
          tpu.enqueue_indirect_dma source(%dma_start3A_407 : memref<10000x64xf32, #tpu.memory_space<hbm>>) target(%arg11 : memref<80x64xf32, #tpu.memory_space<vmem>>) offsets(%dma_start3A_404 : memref<80xi32, #tpu.memory_space<vmem>>) semaphore(%arg15 : memref<!tpu.dma_semaphore, #tpu.memory_space<semaphore_mem>>)
        } else {
        }
      } else {
      }
      %add3A_361 = arith.constant 2 : i32
      %add3A_362 = arith.addi %mul3A_349, %add3A_361 : i32
      %lt3A_363 = arith.constant 125 : i32
      %lt3A_364 = arith.cmpi slt, %add3A_362, %lt3A_363 : i32
      %convert_element_type3A_365 = arith.extui %lt3A_364 : i1 to i32
      %cond3A_366 = arith.constant 0 : i32
      %cond3A_367 = arith.cmpi ne, %convert_element_type3A_365, %cond3A_366 : i32
      scf.if %cond3A_367 {
        %add3A_369 = arith.constant 2 : i32
        %add3A_370 = arith.addi %mul3A_349, %add3A_369 : i32
        %dma_wait3A_371 = arith.constant 0 : i32
        %dma_wait3A_372 = tpu.memref_slice %arg4[%add3A, %add3A_370, %dma_wait3A_371] : memref<32x125x80xi32, #tpu.memory_space<hbm>> -> memref<1x1x80xi32, #tpu.memory_space<hbm>>
        %dma_wait3A_373 = tpu.memref_squeeze %dma_wait3A_372 : memref<1x1x80xi32, #tpu.memory_space<hbm>> -> memref<1x80xi32, #tpu.memory_space<hbm>>
        %dma_wait3A_374 = arith.constant 0 : i32
        %dma_wait3A_375 = tpu.memref_slice %arg4[%add3A, %add3A_370, %dma_wait3A_374] : memref<32x125x80xi32, #tpu.memory_space<hbm>> -> memref<1x1x80xi32, #tpu.memory_space<hbm>>
        %dma_wait3A_376 = tpu.memref_squeeze %dma_wait3A_375 : memref<1x1x80xi32, #tpu.memory_space<hbm>> -> memref<1x80xi32, #tpu.memory_space<hbm>>
        tpu.wait_dma2 semaphore(%arg16 : memref<!tpu.dma_semaphore, #tpu.memory_space<semaphore_mem>>) src(%dma_wait3A_376 : memref<1x80xi32, #tpu.memory_space<hbm>>) dst(%arg9 : memref<1x80xi32, #tpu.memory_space<vmem>>)
        %dma_wait3A_377 = arith.constant 0 : i32
        %dma_wait3A_378 = tpu.memref_slice %arg6[%add3A_370, %dma_wait3A_377] : memref<125x80xi32, #tpu.memory_space<vmem>> -> memref<1x80xi32, #tpu.memory_space<vmem>>
        %dma_wait3A_379 = tpu.memref_squeeze %dma_wait3A_378 : memref<1x80xi32, #tpu.memory_space<vmem>> -> memref<80xi32, #tpu.memory_space<vmem>>
        %dma_wait3A_380 = arith.constant 0 : i32
        %dma_wait3A_381 = arith.constant 0 : i32
        %dma_wait3A_382 = tpu.memref_slice %arg2[%dma_wait3A_380, %dma_wait3A_381] : memref<10000x64xf32, #tpu.memory_space<hbm>> -> memref<10000x64xf32, #tpu.memory_space<hbm>>
        tpu.wait_indirect_dma semaphore(%arg16 : memref<!tpu.dma_semaphore, #tpu.memory_space<semaphore_mem>>) src(%dma_wait3A_382 : memref<10000x64xf32, #tpu.memory_space<hbm>>) dst(%arg12 : memref<80x64xf32, #tpu.memory_space<vmem>>)
        %run_scoped3A = arith.constant 0 : i32
        "tpu.region"() ({
          %run_scoped3A_392 = tpu.sem_alloc : memref<!tpu.dma_semaphore, #tpu.memory_space<semaphore_mem>>
          %dma_start3A_393 = arith.constant 0 : i32
          %dma_start3A_394 = tpu.memref_slice %arg9[%run_scoped3A, %dma_start3A_393] : memref<1x80xi32, #tpu.memory_space<vmem>> -> memref<1x80xi32, #tpu.memory_space<vmem>>
          %dma_start3A_395 = tpu.memref_squeeze %dma_start3A_394 : memref<1x80xi32, #tpu.memory_space<vmem>> -> memref<80xi32, #tpu.memory_space<vmem>>
          %dma_start3A_396 = arith.constant 0 : i32
          %dma_start3A_397 = arith.constant 0 : i32
          %dma_start3A_398 = tpu.memref_slice %arg13[%dma_start3A_396, %dma_start3A_397] : memref<10240x64xf32, #tpu.memory_space<vmem_shared>> -> memref<10240x64xf32, #tpu.memory_space<vmem_shared>>
          tpu.enqueue_indirect_dma source(%arg12 : memref<80x64xf32, #tpu.memory_space<vmem>>) target(%dma_start3A_398 : memref<10240x64xf32, #tpu.memory_space<vmem_shared>>) offsets(%dma_start3A_395 : memref<80xi32, #tpu.memory_space<vmem>>) semaphore(%run_scoped3A_392 : memref<!tpu.dma_semaphore, #tpu.memory_space<semaphore_mem>>) {add = true}
          %dma_wait3A_399 = arith.constant 0 : i32
          %dma_wait3A_400 = tpu.memref_slice %arg9[%run_scoped3A, %dma_wait3A_399] : memref<1x80xi32, #tpu.memory_space<vmem>> -> memref<1x80xi32, #tpu.memory_space<vmem>>
          %dma_wait3A_401 = tpu.memref_squeeze %dma_wait3A_400 : memref<1x80xi32, #tpu.memory_space<vmem>> -> memref<80xi32, #tpu.memory_space<vmem>>
          %dma_wait3A_402 = arith.constant 0 : i32
          %dma_wait3A_403 = arith.constant 0 : i32
          %dma_wait3A_404 = tpu.memref_slice %arg13[%dma_wait3A_402, %dma_wait3A_403] : memref<10240x64xf32, #tpu.memory_space<vmem_shared>> -> memref<10240x64xf32, #tpu.memory_space<vmem_shared>>
          tpu.wait_indirect_dma semaphore(%run_scoped3A_392 : memref<!tpu.dma_semaphore, #tpu.memory_space<semaphore_mem>>) src(%arg12 : memref<80x64xf32, #tpu.memory_space<vmem>>) dst(%dma_wait3A_404 : memref<10240x64xf32, #tpu.memory_space<vmem_shared>>)
          tpu.yield
        }) : () -> ()
        %add3A_383 = arith.constant 2 : i32
        %add3A_384 = arith.addi %mul3A_349, %add3A_383 : i32
        %add3A_385 = arith.constant 3 : i32
        %add3A_386 = arith.addi %add3A_384, %add3A_385 : i32
        %lt3A_387 = arith.constant 125 : i32
        %lt3A_388 = arith.cmpi slt, %add3A_386, %lt3A_387 : i32
        %convert_element_type3A_389 = arith.extui %lt3A_388 : i1 to i32
        %cond3A_390 = arith.constant 0 : i32
        %cond3A_391 = arith.cmpi ne, %convert_element_type3A_389, %cond3A_390 : i32
        scf.if %cond3A_391 {
          %add3A_392 = arith.constant 2 : i32
          %add3A_393 = arith.addi %mul3A_349, %add3A_392 : i32
          %add3A_394 = arith.constant 3 : i32
          %add3A_395 = arith.addi %add3A_393, %add3A_394 : i32
          %dma_start3A_396 = arith.constant 0 : i32
          %dma_start3A_397 = tpu.memref_slice %arg4[%add3A, %add3A_395, %dma_start3A_396] : memref<32x125x80xi32, #tpu.memory_space<hbm>> -> memref<1x1x80xi32, #tpu.memory_space<hbm>>
          %dma_start3A_398 = tpu.memref_squeeze %dma_start3A_397 : memref<1x1x80xi32, #tpu.memory_space<hbm>> -> memref<1x80xi32, #tpu.memory_space<hbm>>
          %dma_start3A_399 = arith.constant 0 : i32
          %dma_start3A_400 = tpu.memref_slice %arg4[%add3A, %add3A_395, %dma_start3A_399] : memref<32x125x80xi32, #tpu.memory_space<hbm>> -> memref<1x1x80xi32, #tpu.memory_space<hbm>>
          %dma_start3A_401 = tpu.memref_squeeze %dma_start3A_400 : memref<1x1x80xi32, #tpu.memory_space<hbm>> -> memref<1x80xi32, #tpu.memory_space<hbm>>
          tpu.enqueue_dma source(%dma_start3A_401 : memref<1x80xi32, #tpu.memory_space<hbm>>) target(%arg9 : memref<1x80xi32, #tpu.memory_space<vmem>>) target_semaphore(%arg16 : memref<!tpu.dma_semaphore, #tpu.memory_space<semaphore_mem>>)
          %dma_start3A_402 = arith.constant 0 : i32
          %dma_start3A_403 = tpu.memref_slice %arg6[%add3A_395, %dma_start3A_402] : memref<125x80xi32, #tpu.memory_space<vmem>> -> memref<1x80xi32, #tpu.memory_space<vmem>>
          %dma_start3A_404 = tpu.memref_squeeze %dma_start3A_403 : memref<1x80xi32, #tpu.memory_space<vmem>> -> memref<80xi32, #tpu.memory_space<vmem>>
          %dma_start3A_405 = arith.constant 0 : i32
          %dma_start3A_406 = arith.constant 0 : i32
          %dma_start3A_407 = tpu.memref_slice %arg2[%dma_start3A_405, %dma_start3A_406] : memref<10000x64xf32, #tpu.memory_space<hbm>> -> memref<10000x64xf32, #tpu.memory_space<hbm>>
          tpu.enqueue_indirect_dma source(%dma_start3A_407 : memref<10000x64xf32, #tpu.memory_space<hbm>>) target(%arg12 : memref<80x64xf32, #tpu.memory_space<vmem>>) offsets(%dma_start3A_404 : memref<80xi32, #tpu.memory_space<vmem>>) semaphore(%arg16 : memref<!tpu.dma_semaphore, #tpu.memory_space<semaphore_mem>>)
        } else {
        }
      } else {
      }
      %scan3A_368 = arith.constant 0 : i32
      scf.yield %scan3A_368 : i32
    }
    %scan3A_184 = arith.constant 42 : i32
    %barrier3A_185 = arith.constant 0 : index
    tpu.barrier barrier_id(%barrier3A_185)
    %mul3A_186 = arith.constant 640 : i32
    %mul3A_187 = arith.muli %arg1, %mul3A_186 : i32
    %add3A_188 = arith.constant 0 : i32
    %add3A_189 = arith.addi %mul3A_187, %add3A_188 : i32
    "tpu.region"() ({
      %run_scoped3A = tpu.sem_alloc : memref<!tpu.dma_semaphore, #tpu.memory_space<semaphore_mem>>
      %dma_start3A_346 = arith.constant 0 : i32
      %dma_start3A_347 = tpu.memref_slice %arg13[%add3A_189, %dma_start3A_346] : memref<10240x64xf32, #tpu.memory_space<vmem_shared>> -> memref<80x64xf32, #tpu.memory_space<vmem_shared>>
      %dma_start3A_348 = arith.constant 0 : i32
      %dma_start3A_349 = tpu.memref_slice %arg13[%add3A_189, %dma_start3A_348] : memref<10240x64xf32, #tpu.memory_space<vmem_shared>> -> memref<80x64xf32, #tpu.memory_space<vmem_shared>>
      tpu.enqueue_dma source(%dma_start3A_349 : memref<80x64xf32, #tpu.memory_space<vmem_shared>>) target(%arg10 : memref<80x64xf32, #tpu.memory_space<vmem>>) target_semaphore(%run_scoped3A : memref<!tpu.dma_semaphore, #tpu.memory_space<semaphore_mem>>)
      %dma_wait3A_350 = arith.constant 0 : i32
      %dma_wait3A_351 = tpu.memref_slice %arg13[%add3A_189, %dma_wait3A_350] : memref<10240x64xf32, #tpu.memory_space<vmem_shared>> -> memref<80x64xf32, #tpu.memory_space<vmem_shared>>
      %dma_wait3A_352 = arith.constant 0 : i32
      %dma_wait3A_353 = tpu.memref_slice %arg13[%add3A_189, %dma_wait3A_352] : memref<10240x64xf32, #tpu.memory_space<vmem_shared>> -> memref<80x64xf32, #tpu.memory_space<vmem_shared>>
      tpu.wait_dma2 semaphore(%run_scoped3A : memref<!tpu.dma_semaphore, #tpu.memory_space<semaphore_mem>>) src(%dma_wait3A_353 : memref<80x64xf32, #tpu.memory_space<vmem_shared>>) dst(%arg10 : memref<80x64xf32, #tpu.memory_space<vmem>>)
      tpu.yield
    }) : () -> ()
    %dma_start3A_190 = arith.constant 0 : i32
    %dma_start3A_191 = tpu.memref_slice %arg5[%arg0, %add3A_189, %dma_start3A_190] : memref<2x10240x64xf32, #tpu.memory_space<hbm>> -> memref<1x80x64xf32, #tpu.memory_space<hbm>>
    %dma_start3A_192 = tpu.memref_squeeze %dma_start3A_191 : memref<1x80x64xf32, #tpu.memory_space<hbm>> -> memref<80x64xf32, #tpu.memory_space<hbm>>
    %dma_start3A_193 = arith.constant 0 : i32
    %dma_start3A_194 = tpu.memref_slice %arg5[%arg0, %add3A_189, %dma_start3A_193] : memref<2x10240x64xf32, #tpu.memory_space<hbm>> -> memref<1x80x64xf32, #tpu.memory_space<hbm>>
    %dma_start3A_195 = tpu.memref_squeeze %dma_start3A_194 : memref<1x80x64xf32, #tpu.memory_space<hbm>> -> memref<80x64xf32, #tpu.memory_space<hbm>>
    tpu.enqueue_dma source(%arg10 : memref<80x64xf32, #tpu.memory_space<vmem>>) target(%dma_start3A_195 : memref<80x64xf32, #tpu.memory_space<hbm>>) target_semaphore(%arg14 : memref<!tpu.dma_semaphore, #tpu.memory_space<semaphore_mem>>)
    %mul3A_196 = arith.constant 640 : i32
    %mul3A_197 = arith.muli %arg1, %mul3A_196 : i32
    %add3A_198 = arith.constant 80 : i32
    %add3A_199 = arith.addi %mul3A_197, %add3A_198 : i32
    "tpu.region"() ({
      %run_scoped3A = tpu.sem_alloc : memref<!tpu.dma_semaphore, #tpu.memory_space<semaphore_mem>>
      %dma_start3A_346 = arith.constant 0 : i32
      %dma_start3A_347 = tpu.memref_slice %arg13[%add3A_199, %dma_start3A_346] : memref<10240x64xf32, #tpu.memory_space<vmem_shared>> -> memref<80x64xf32, #tpu.memory_space<vmem_shared>>
      %dma_start3A_348 = arith.constant 0 : i32
      %dma_start3A_349 = tpu.memref_slice %arg13[%add3A_199, %dma_start3A_348] : memref<10240x64xf32, #tpu.memory_space<vmem_shared>> -> memref<80x64xf32, #tpu.memory_space<vmem_shared>>
      tpu.enqueue_dma source(%dma_start3A_349 : memref<80x64xf32, #tpu.memory_space<vmem_shared>>) target(%arg11 : memref<80x64xf32, #tpu.memory_space<vmem>>) target_semaphore(%run_scoped3A : memref<!tpu.dma_semaphore, #tpu.memory_space<semaphore_mem>>)
      %dma_wait3A_350 = arith.constant 0 : i32
      %dma_wait3A_351 = tpu.memref_slice %arg13[%add3A_199, %dma_wait3A_350] : memref<10240x64xf32, #tpu.memory_space<vmem_shared>> -> memref<80x64xf32, #tpu.memory_space<vmem_shared>>
      %dma_wait3A_352 = arith.constant 0 : i32
      %dma_wait3A_353 = tpu.memref_slice %arg13[%add3A_199, %dma_wait3A_352] : memref<10240x64xf32, #tpu.memory_space<vmem_shared>> -> memref<80x64xf32, #tpu.memory_space<vmem_shared>>
      tpu.wait_dma2 semaphore(%run_scoped3A : memref<!tpu.dma_semaphore, #tpu.memory_space<semaphore_mem>>) src(%dma_wait3A_353 : memref<80x64xf32, #tpu.memory_space<vmem_shared>>) dst(%arg11 : memref<80x64xf32, #tpu.memory_space<vmem>>)
      tpu.yield
    }) : () -> ()
    %dma_start3A_200 = arith.constant 0 : i32
    %dma_start3A_201 = tpu.memref_slice %arg5[%arg0, %add3A_199, %dma_start3A_200] : memref<2x10240x64xf32, #tpu.memory_space<hbm>> -> memref<1x80x64xf32, #tpu.memory_space<hbm>>
    %dma_start3A_202 = tpu.memref_squeeze %dma_start3A_201 : memref<1x80x64xf32, #tpu.memory_space<hbm>> -> memref<80x64xf32, #tpu.memory_space<hbm>>
    %dma_start3A_203 = arith.constant 0 : i32
    %dma_start3A_204 = tpu.memref_slice %arg5[%arg0, %add3A_199, %dma_start3A_203] : memref<2x10240x64xf32, #tpu.memory_space<hbm>> -> memref<1x80x64xf32, #tpu.memory_space<hbm>>
    %dma_start3A_205 = tpu.memref_squeeze %dma_start3A_204 : memref<1x80x64xf32, #tpu.memory_space<hbm>> -> memref<80x64xf32, #tpu.memory_space<hbm>>
    tpu.enqueue_dma source(%arg11 : memref<80x64xf32, #tpu.memory_space<vmem>>) target(%dma_start3A_205 : memref<80x64xf32, #tpu.memory_space<hbm>>) target_semaphore(%arg15 : memref<!tpu.dma_semaphore, #tpu.memory_space<semaphore_mem>>)
    %mul3A_206 = arith.constant 640 : i32
    %mul3A_207 = arith.muli %arg1, %mul3A_206 : i32
    %add3A_208 = arith.constant 160 : i32
    %add3A_209 = arith.addi %mul3A_207, %add3A_208 : i32
    %mul3A_210 = arith.constant 640 : i32
    %mul3A_211 = arith.muli %arg1, %mul3A_210 : i32
    %add3A_212 = arith.constant 0 : i32
    %add3A_213 = arith.addi %mul3A_211, %add3A_212 : i32
    %dma_wait3A_214 = arith.constant 0 : i32
    %dma_wait3A_215 = tpu.memref_slice %arg5[%arg0, %add3A_213, %dma_wait3A_214] : memref<2x10240x64xf32, #tpu.memory_space<hbm>> -> memref<1x80x64xf32, #tpu.memory_space<hbm>>
    %dma_wait3A_216 = tpu.memref_squeeze %dma_wait3A_215 : memref<1x80x64xf32, #tpu.memory_space<hbm>> -> memref<80x64xf32, #tpu.memory_space<hbm>>
    %dma_wait3A_217 = arith.constant 0 : i32
    %dma_wait3A_218 = tpu.memref_slice %arg5[%arg0, %add3A_213, %dma_wait3A_217] : memref<2x10240x64xf32, #tpu.memory_space<hbm>> -> memref<1x80x64xf32, #tpu.memory_space<hbm>>
    %dma_wait3A_219 = tpu.memref_squeeze %dma_wait3A_218 : memref<1x80x64xf32, #tpu.memory_space<hbm>> -> memref<80x64xf32, #tpu.memory_space<hbm>>
    tpu.wait_dma2 semaphore(%arg14 : memref<!tpu.dma_semaphore, #tpu.memory_space<semaphore_mem>>) src(%arg10 : memref<80x64xf32, #tpu.memory_space<vmem>>) dst(%dma_wait3A_219 : memref<80x64xf32, #tpu.memory_space<hbm>>)
    "tpu.region"() ({
      %run_scoped3A = tpu.sem_alloc : memref<!tpu.dma_semaphore, #tpu.memory_space<semaphore_mem>>
      %dma_start3A_346 = arith.constant 0 : i32
      %dma_start3A_347 = tpu.memref_slice %arg13[%add3A_209, %dma_start3A_346] : memref<10240x64xf32, #tpu.memory_space<vmem_shared>> -> memref<80x64xf32, #tpu.memory_space<vmem_shared>>
      %dma_start3A_348 = arith.constant 0 : i32
      %dma_start3A_349 = tpu.memref_slice %arg13[%add3A_209, %dma_start3A_348] : memref<10240x64xf32, #tpu.memory_space<vmem_shared>> -> memref<80x64xf32, #tpu.memory_space<vmem_shared>>
      tpu.enqueue_dma source(%dma_start3A_349 : memref<80x64xf32, #tpu.memory_space<vmem_shared>>) target(%arg10 : memref<80x64xf32, #tpu.memory_space<vmem>>) target_semaphore(%run_scoped3A : memref<!tpu.dma_semaphore, #tpu.memory_space<semaphore_mem>>)
      %dma_wait3A_350 = arith.constant 0 : i32
      %dma_wait3A_351 = tpu.memref_slice %arg13[%add3A_209, %dma_wait3A_350] : memref<10240x64xf32, #tpu.memory_space<vmem_shared>> -> memref<80x64xf32, #tpu.memory_space<vmem_shared>>
      %dma_wait3A_352 = arith.constant 0 : i32
      %dma_wait3A_353 = tpu.memref_slice %arg13[%add3A_209, %dma_wait3A_352] : memref<10240x64xf32, #tpu.memory_space<vmem_shared>> -> memref<80x64xf32, #tpu.memory_space<vmem_shared>>
      tpu.wait_dma2 semaphore(%run_scoped3A : memref<!tpu.dma_semaphore, #tpu.memory_space<semaphore_mem>>) src(%dma_wait3A_353 : memref<80x64xf32, #tpu.memory_space<vmem_shared>>) dst(%arg10 : memref<80x64xf32, #tpu.memory_space<vmem>>)
      tpu.yield
    }) : () -> ()
    %dma_start3A_220 = arith.constant 0 : i32
    %dma_start3A_221 = tpu.memref_slice %arg5[%arg0, %add3A_209, %dma_start3A_220] : memref<2x10240x64xf32, #tpu.memory_space<hbm>> -> memref<1x80x64xf32, #tpu.memory_space<hbm>>
    %dma_start3A_222 = tpu.memref_squeeze %dma_start3A_221 : memref<1x80x64xf32, #tpu.memory_space<hbm>> -> memref<80x64xf32, #tpu.memory_space<hbm>>
    %dma_start3A_223 = arith.constant 0 : i32
    %dma_start3A_224 = tpu.memref_slice %arg5[%arg0, %add3A_209, %dma_start3A_223] : memref<2x10240x64xf32, #tpu.memory_space<hbm>> -> memref<1x80x64xf32, #tpu.memory_space<hbm>>
    %dma_start3A_225 = tpu.memref_squeeze %dma_start3A_224 : memref<1x80x64xf32, #tpu.memory_space<hbm>> -> memref<80x64xf32, #tpu.memory_space<hbm>>
    tpu.enqueue_dma source(%arg10 : memref<80x64xf32, #tpu.memory_space<vmem>>) target(%dma_start3A_225 : memref<80x64xf32, #tpu.memory_space<hbm>>) target_semaphore(%arg14 : memref<!tpu.dma_semaphore, #tpu.memory_space<semaphore_mem>>)
    %mul3A_226 = arith.constant 640 : i32
    %mul3A_227 = arith.muli %arg1, %mul3A_226 : i32
    %add3A_228 = arith.constant 240 : i32
    %add3A_229 = arith.addi %mul3A_227, %add3A_228 : i32
    %mul3A_230 = arith.constant 640 : i32
    %mul3A_231 = arith.muli %arg1, %mul3A_230 : i32
    %add3A_232 = arith.constant 80 : i32
    %add3A_233 = arith.addi %mul3A_231, %add3A_232 : i32
    %dma_wait3A_234 = arith.constant 0 : i32
    %dma_wait3A_235 = tpu.memref_slice %arg5[%arg0, %add3A_233, %dma_wait3A_234] : memref<2x10240x64xf32, #tpu.memory_space<hbm>> -> memref<1x80x64xf32, #tpu.memory_space<hbm>>
    %dma_wait3A_236 = tpu.memref_squeeze %dma_wait3A_235 : memref<1x80x64xf32, #tpu.memory_space<hbm>> -> memref<80x64xf32, #tpu.memory_space<hbm>>
    %dma_wait3A_237 = arith.constant 0 : i32
    %dma_wait3A_238 = tpu.memref_slice %arg5[%arg0, %add3A_233, %dma_wait3A_237] : memref<2x10240x64xf32, #tpu.memory_space<hbm>> -> memref<1x80x64xf32, #tpu.memory_space<hbm>>
    %dma_wait3A_239 = tpu.memref_squeeze %dma_wait3A_238 : memref<1x80x64xf32, #tpu.memory_space<hbm>> -> memref<80x64xf32, #tpu.memory_space<hbm>>
    tpu.wait_dma2 semaphore(%arg15 : memref<!tpu.dma_semaphore, #tpu.memory_space<semaphore_mem>>) src(%arg11 : memref<80x64xf32, #tpu.memory_space<vmem>>) dst(%dma_wait3A_239 : memref<80x64xf32, #tpu.memory_space<hbm>>)
    "tpu.region"() ({
      %run_scoped3A = tpu.sem_alloc : memref<!tpu.dma_semaphore, #tpu.memory_space<semaphore_mem>>
      %dma_start3A_346 = arith.constant 0 : i32
      %dma_start3A_347 = tpu.memref_slice %arg13[%add3A_229, %dma_start3A_346] : memref<10240x64xf32, #tpu.memory_space<vmem_shared>> -> memref<80x64xf32, #tpu.memory_space<vmem_shared>>
      %dma_start3A_348 = arith.constant 0 : i32
      %dma_start3A_349 = tpu.memref_slice %arg13[%add3A_229, %dma_start3A_348] : memref<10240x64xf32, #tpu.memory_space<vmem_shared>> -> memref<80x64xf32, #tpu.memory_space<vmem_shared>>
      tpu.enqueue_dma source(%dma_start3A_349 : memref<80x64xf32, #tpu.memory_space<vmem_shared>>) target(%arg11 : memref<80x64xf32, #tpu.memory_space<vmem>>) target_semaphore(%run_scoped3A : memref<!tpu.dma_semaphore, #tpu.memory_space<semaphore_mem>>)
      %dma_wait3A_350 = arith.constant 0 : i32
      %dma_wait3A_351 = tpu.memref_slice %arg13[%add3A_229, %dma_wait3A_350] : memref<10240x64xf32, #tpu.memory_space<vmem_shared>> -> memref<80x64xf32, #tpu.memory_space<vmem_shared>>
      %dma_wait3A_352 = arith.constant 0 : i32
      %dma_wait3A_353 = tpu.memref_slice %arg13[%add3A_229, %dma_wait3A_352] : memref<10240x64xf32, #tpu.memory_space<vmem_shared>> -> memref<80x64xf32, #tpu.memory_space<vmem_shared>>
      tpu.wait_dma2 semaphore(%run_scoped3A : memref<!tpu.dma_semaphore, #tpu.memory_space<semaphore_mem>>) src(%dma_wait3A_353 : memref<80x64xf32, #tpu.memory_space<vmem_shared>>) dst(%arg11 : memref<80x64xf32, #tpu.memory_space<vmem>>)
      tpu.yield
    }) : () -> ()
    %dma_start3A_240 = arith.constant 0 : i32
    %dma_start3A_241 = tpu.memref_slice %arg5[%arg0, %add3A_229, %dma_start3A_240] : memref<2x10240x64xf32, #tpu.memory_space<hbm>> -> memref<1x80x64xf32, #tpu.memory_space<hbm>>
    %dma_start3A_242 = tpu.memref_squeeze %dma_start3A_241 : memref<1x80x64xf32, #tpu.memory_space<hbm>> -> memref<80x64xf32, #tpu.memory_space<hbm>>
    %dma_start3A_243 = arith.constant 0 : i32
    %dma_start3A_244 = tpu.memref_slice %arg5[%arg0, %add3A_229, %dma_start3A_243] : memref<2x10240x64xf32, #tpu.memory_space<hbm>> -> memref<1x80x64xf32, #tpu.memory_space<hbm>>
    %dma_start3A_245 = tpu.memref_squeeze %dma_start3A_244 : memref<1x80x64xf32, #tpu.memory_space<hbm>> -> memref<80x64xf32, #tpu.memory_space<hbm>>
    tpu.enqueue_dma source(%arg11 : memref<80x64xf32, #tpu.memory_space<vmem>>) target(%dma_start3A_245 : memref<80x64xf32, #tpu.memory_space<hbm>>) target_semaphore(%arg15 : memref<!tpu.dma_semaphore, #tpu.memory_space<semaphore_mem>>)
    %mul3A_246 = arith.constant 640 : i32
    %mul3A_247 = arith.muli %arg1, %mul3A_246 : i32
    %add3A_248 = arith.constant 320 : i32
    %add3A_249 = arith.addi %mul3A_247, %add3A_248 : i32
    %mul3A_250 = arith.constant 640 : i32
    %mul3A_251 = arith.muli %arg1, %mul3A_250 : i32
    %add3A_252 = arith.constant 160 : i32
    %add3A_253 = arith.addi %mul3A_251, %add3A_252 : i32
    %dma_wait3A_254 = arith.constant 0 : i32
    %dma_wait3A_255 = tpu.memref_slice %arg5[%arg0, %add3A_253, %dma_wait3A_254] : memref<2x10240x64xf32, #tpu.memory_space<hbm>> -> memref<1x80x64xf32, #tpu.memory_space<hbm>>
    %dma_wait3A_256 = tpu.memref_squeeze %dma_wait3A_255 : memref<1x80x64xf32, #tpu.memory_space<hbm>> -> memref<80x64xf32, #tpu.memory_space<hbm>>
    %dma_wait3A_257 = arith.constant 0 : i32
    %dma_wait3A_258 = tpu.memref_slice %arg5[%arg0, %add3A_253, %dma_wait3A_257] : memref<2x10240x64xf32, #tpu.memory_space<hbm>> -> memref<1x80x64xf32, #tpu.memory_space<hbm>>
    %dma_wait3A_259 = tpu.memref_squeeze %dma_wait3A_258 : memref<1x80x64xf32, #tpu.memory_space<hbm>> -> memref<80x64xf32, #tpu.memory_space<hbm>>
    tpu.wait_dma2 semaphore(%arg14 : memref<!tpu.dma_semaphore, #tpu.memory_space<semaphore_mem>>) src(%arg10 : memref<80x64xf32, #tpu.memory_space<vmem>>) dst(%dma_wait3A_259 : memref<80x64xf32, #tpu.memory_space<hbm>>)
    "tpu.region"() ({
      %run_scoped3A = tpu.sem_alloc : memref<!tpu.dma_semaphore, #tpu.memory_space<semaphore_mem>>
      %dma_start3A_346 = arith.constant 0 : i32
      %dma_start3A_347 = tpu.memref_slice %arg13[%add3A_249, %dma_start3A_346] : memref<10240x64xf32, #tpu.memory_space<vmem_shared>> -> memref<80x64xf32, #tpu.memory_space<vmem_shared>>
      %dma_start3A_348 = arith.constant 0 : i32
      %dma_start3A_349 = tpu.memref_slice %arg13[%add3A_249, %dma_start3A_348] : memref<10240x64xf32, #tpu.memory_space<vmem_shared>> -> memref<80x64xf32, #tpu.memory_space<vmem_shared>>
      tpu.enqueue_dma source(%dma_start3A_349 : memref<80x64xf32, #tpu.memory_space<vmem_shared>>) target(%arg10 : memref<80x64xf32, #tpu.memory_space<vmem>>) target_semaphore(%run_scoped3A : memref<!tpu.dma_semaphore, #tpu.memory_space<semaphore_mem>>)
      %dma_wait3A_350 = arith.constant 0 : i32
      %dma_wait3A_351 = tpu.memref_slice %arg13[%add3A_249, %dma_wait3A_350] : memref<10240x64xf32, #tpu.memory_space<vmem_shared>> -> memref<80x64xf32, #tpu.memory_space<vmem_shared>>
      %dma_wait3A_352 = arith.constant 0 : i32
      %dma_wait3A_353 = tpu.memref_slice %arg13[%add3A_249, %dma_wait3A_352] : memref<10240x64xf32, #tpu.memory_space<vmem_shared>> -> memref<80x64xf32, #tpu.memory_space<vmem_shared>>
      tpu.wait_dma2 semaphore(%run_scoped3A : memref<!tpu.dma_semaphore, #tpu.memory_space<semaphore_mem>>) src(%dma_wait3A_353 : memref<80x64xf32, #tpu.memory_space<vmem_shared>>) dst(%arg10 : memref<80x64xf32, #tpu.memory_space<vmem>>)
      tpu.yield
    }) : () -> ()
    %dma_start3A_260 = arith.constant 0 : i32
    %dma_start3A_261 = tpu.memref_slice %arg5[%arg0, %add3A_249, %dma_start3A_260] : memref<2x10240x64xf32, #tpu.memory_space<hbm>> -> memref<1x80x64xf32, #tpu.memory_space<hbm>>
    %dma_start3A_262 = tpu.memref_squeeze %dma_start3A_261 : memref<1x80x64xf32, #tpu.memory_space<hbm>> -> memref<80x64xf32, #tpu.memory_space<hbm>>
    %dma_start3A_263 = arith.constant 0 : i32
    %dma_start3A_264 = tpu.memref_slice %arg5[%arg0, %add3A_249, %dma_start3A_263] : memref<2x10240x64xf32, #tpu.memory_space<hbm>> -> memref<1x80x64xf32, #tpu.memory_space<hbm>>
    %dma_start3A_265 = tpu.memref_squeeze %dma_start3A_264 : memref<1x80x64xf32, #tpu.memory_space<hbm>> -> memref<80x64xf32, #tpu.memory_space<hbm>>
    tpu.enqueue_dma source(%arg10 : memref<80x64xf32, #tpu.memory_space<vmem>>) target(%dma_start3A_265 : memref<80x64xf32, #tpu.memory_space<hbm>>) target_semaphore(%arg14 : memref<!tpu.dma_semaphore, #tpu.memory_space<semaphore_mem>>)
    %mul3A_266 = arith.constant 640 : i32
    %mul3A_267 = arith.muli %arg1, %mul3A_266 : i32
    %add3A_268 = arith.constant 400 : i32
    %add3A_269 = arith.addi %mul3A_267, %add3A_268 : i32
    %mul3A_270 = arith.constant 640 : i32
    %mul3A_271 = arith.muli %arg1, %mul3A_270 : i32
    %add3A_272 = arith.constant 240 : i32
    %add3A_273 = arith.addi %mul3A_271, %add3A_272 : i32
    %dma_wait3A_274 = arith.constant 0 : i32
    %dma_wait3A_275 = tpu.memref_slice %arg5[%arg0, %add3A_273, %dma_wait3A_274] : memref<2x10240x64xf32, #tpu.memory_space<hbm>> -> memref<1x80x64xf32, #tpu.memory_space<hbm>>
    %dma_wait3A_276 = tpu.memref_squeeze %dma_wait3A_275 : memref<1x80x64xf32, #tpu.memory_space<hbm>> -> memref<80x64xf32, #tpu.memory_space<hbm>>
    %dma_wait3A_277 = arith.constant 0 : i32
    %dma_wait3A_278 = tpu.memref_slice %arg5[%arg0, %add3A_273, %dma_wait3A_277] : memref<2x10240x64xf32, #tpu.memory_space<hbm>> -> memref<1x80x64xf32, #tpu.memory_space<hbm>>
    %dma_wait3A_279 = tpu.memref_squeeze %dma_wait3A_278 : memref<1x80x64xf32, #tpu.memory_space<hbm>> -> memref<80x64xf32, #tpu.memory_space<hbm>>
    tpu.wait_dma2 semaphore(%arg15 : memref<!tpu.dma_semaphore, #tpu.memory_space<semaphore_mem>>) src(%arg11 : memref<80x64xf32, #tpu.memory_space<vmem>>) dst(%dma_wait3A_279 : memref<80x64xf32, #tpu.memory_space<hbm>>)
    "tpu.region"() ({
      %run_scoped3A = tpu.sem_alloc : memref<!tpu.dma_semaphore, #tpu.memory_space<semaphore_mem>>
      %dma_start3A_346 = arith.constant 0 : i32
      %dma_start3A_347 = tpu.memref_slice %arg13[%add3A_269, %dma_start3A_346] : memref<10240x64xf32, #tpu.memory_space<vmem_shared>> -> memref<80x64xf32, #tpu.memory_space<vmem_shared>>
      %dma_start3A_348 = arith.constant 0 : i32
      %dma_start3A_349 = tpu.memref_slice %arg13[%add3A_269, %dma_start3A_348] : memref<10240x64xf32, #tpu.memory_space<vmem_shared>> -> memref<80x64xf32, #tpu.memory_space<vmem_shared>>
      tpu.enqueue_dma source(%dma_start3A_349 : memref<80x64xf32, #tpu.memory_space<vmem_shared>>) target(%arg11 : memref<80x64xf32, #tpu.memory_space<vmem>>) target_semaphore(%run_scoped3A : memref<!tpu.dma_semaphore, #tpu.memory_space<semaphore_mem>>)
      %dma_wait3A_350 = arith.constant 0 : i32
      %dma_wait3A_351 = tpu.memref_slice %arg13[%add3A_269, %dma_wait3A_350] : memref<10240x64xf32, #tpu.memory_space<vmem_shared>> -> memref<80x64xf32, #tpu.memory_space<vmem_shared>>
      %dma_wait3A_352 = arith.constant 0 : i32
      %dma_wait3A_353 = tpu.memref_slice %arg13[%add3A_269, %dma_wait3A_352] : memref<10240x64xf32, #tpu.memory_space<vmem_shared>> -> memref<80x64xf32, #tpu.memory_space<vmem_shared>>
      tpu.wait_dma2 semaphore(%run_scoped3A : memref<!tpu.dma_semaphore, #tpu.memory_space<semaphore_mem>>) src(%dma_wait3A_353 : memref<80x64xf32, #tpu.memory_space<vmem_shared>>) dst(%arg11 : memref<80x64xf32, #tpu.memory_space<vmem>>)
      tpu.yield
    }) : () -> ()
    %dma_start3A_280 = arith.constant 0 : i32
    %dma_start3A_281 = tpu.memref_slice %arg5[%arg0, %add3A_269, %dma_start3A_280] : memref<2x10240x64xf32, #tpu.memory_space<hbm>> -> memref<1x80x64xf32, #tpu.memory_space<hbm>>
    %dma_start3A_282 = tpu.memref_squeeze %dma_start3A_281 : memref<1x80x64xf32, #tpu.memory_space<hbm>> -> memref<80x64xf32, #tpu.memory_space<hbm>>
    %dma_start3A_283 = arith.constant 0 : i32
    %dma_start3A_284 = tpu.memref_slice %arg5[%arg0, %add3A_269, %dma_start3A_283] : memref<2x10240x64xf32, #tpu.memory_space<hbm>> -> memref<1x80x64xf32, #tpu.memory_space<hbm>>
    %dma_start3A_285 = tpu.memref_squeeze %dma_start3A_284 : memref<1x80x64xf32, #tpu.memory_space<hbm>> -> memref<80x64xf32, #tpu.memory_space<hbm>>
    tpu.enqueue_dma source(%arg11 : memref<80x64xf32, #tpu.memory_space<vmem>>) target(%dma_start3A_285 : memref<80x64xf32, #tpu.memory_space<hbm>>) target_semaphore(%arg15 : memref<!tpu.dma_semaphore, #tpu.memory_space<semaphore_mem>>)
    %mul3A_286 = arith.constant 640 : i32
    %mul3A_287 = arith.muli %arg1, %mul3A_286 : i32
    %add3A_288 = arith.constant 480 : i32
    %add3A_289 = arith.addi %mul3A_287, %add3A_288 : i32
    %mul3A_290 = arith.constant 640 : i32
    %mul3A_291 = arith.muli %arg1, %mul3A_290 : i32
    %add3A_292 = arith.constant 320 : i32
    %add3A_293 = arith.addi %mul3A_291, %add3A_292 : i32
    %dma_wait3A_294 = arith.constant 0 : i32
    %dma_wait3A_295 = tpu.memref_slice %arg5[%arg0, %add3A_293, %dma_wait3A_294] : memref<2x10240x64xf32, #tpu.memory_space<hbm>> -> memref<1x80x64xf32, #tpu.memory_space<hbm>>
    %dma_wait3A_296 = tpu.memref_squeeze %dma_wait3A_295 : memref<1x80x64xf32, #tpu.memory_space<hbm>> -> memref<80x64xf32, #tpu.memory_space<hbm>>
    %dma_wait3A_297 = arith.constant 0 : i32
    %dma_wait3A_298 = tpu.memref_slice %arg5[%arg0, %add3A_293, %dma_wait3A_297] : memref<2x10240x64xf32, #tpu.memory_space<hbm>> -> memref<1x80x64xf32, #tpu.memory_space<hbm>>
    %dma_wait3A_299 = tpu.memref_squeeze %dma_wait3A_298 : memref<1x80x64xf32, #tpu.memory_space<hbm>> -> memref<80x64xf32, #tpu.memory_space<hbm>>
    tpu.wait_dma2 semaphore(%arg14 : memref<!tpu.dma_semaphore, #tpu.memory_space<semaphore_mem>>) src(%arg10 : memref<80x64xf32, #tpu.memory_space<vmem>>) dst(%dma_wait3A_299 : memref<80x64xf32, #tpu.memory_space<hbm>>)
    "tpu.region"() ({
      %run_scoped3A = tpu.sem_alloc : memref<!tpu.dma_semaphore, #tpu.memory_space<semaphore_mem>>
      %dma_start3A_346 = arith.constant 0 : i32
      %dma_start3A_347 = tpu.memref_slice %arg13[%add3A_289, %dma_start3A_346] : memref<10240x64xf32, #tpu.memory_space<vmem_shared>> -> memref<80x64xf32, #tpu.memory_space<vmem_shared>>
      %dma_start3A_348 = arith.constant 0 : i32
      %dma_start3A_349 = tpu.memref_slice %arg13[%add3A_289, %dma_start3A_348] : memref<10240x64xf32, #tpu.memory_space<vmem_shared>> -> memref<80x64xf32, #tpu.memory_space<vmem_shared>>
      tpu.enqueue_dma source(%dma_start3A_349 : memref<80x64xf32, #tpu.memory_space<vmem_shared>>) target(%arg10 : memref<80x64xf32, #tpu.memory_space<vmem>>) target_semaphore(%run_scoped3A : memref<!tpu.dma_semaphore, #tpu.memory_space<semaphore_mem>>)
      %dma_wait3A_350 = arith.constant 0 : i32
      %dma_wait3A_351 = tpu.memref_slice %arg13[%add3A_289, %dma_wait3A_350] : memref<10240x64xf32, #tpu.memory_space<vmem_shared>> -> memref<80x64xf32, #tpu.memory_space<vmem_shared>>
      %dma_wait3A_352 = arith.constant 0 : i32
      %dma_wait3A_353 = tpu.memref_slice %arg13[%add3A_289, %dma_wait3A_352] : memref<10240x64xf32, #tpu.memory_space<vmem_shared>> -> memref<80x64xf32, #tpu.memory_space<vmem_shared>>
      tpu.wait_dma2 semaphore(%run_scoped3A : memref<!tpu.dma_semaphore, #tpu.memory_space<semaphore_mem>>) src(%dma_wait3A_353 : memref<80x64xf32, #tpu.memory_space<vmem_shared>>) dst(%arg10 : memref<80x64xf32, #tpu.memory_space<vmem>>)
      tpu.yield
    }) : () -> ()
    %dma_start3A_300 = arith.constant 0 : i32
    %dma_start3A_301 = tpu.memref_slice %arg5[%arg0, %add3A_289, %dma_start3A_300] : memref<2x10240x64xf32, #tpu.memory_space<hbm>> -> memref<1x80x64xf32, #tpu.memory_space<hbm>>
    %dma_start3A_302 = tpu.memref_squeeze %dma_start3A_301 : memref<1x80x64xf32, #tpu.memory_space<hbm>> -> memref<80x64xf32, #tpu.memory_space<hbm>>
    %dma_start3A_303 = arith.constant 0 : i32
    %dma_start3A_304 = tpu.memref_slice %arg5[%arg0, %add3A_289, %dma_start3A_303] : memref<2x10240x64xf32, #tpu.memory_space<hbm>> -> memref<1x80x64xf32, #tpu.memory_space<hbm>>
    %dma_start3A_305 = tpu.memref_squeeze %dma_start3A_304 : memref<1x80x64xf32, #tpu.memory_space<hbm>> -> memref<80x64xf32, #tpu.memory_space<hbm>>
    tpu.enqueue_dma source(%arg10 : memref<80x64xf32, #tpu.memory_space<vmem>>) target(%dma_start3A_305 : memref<80x64xf32, #tpu.memory_space<hbm>>) target_semaphore(%arg14 : memref<!tpu.dma_semaphore, #tpu.memory_space<semaphore_mem>>)
    %mul3A_306 = arith.constant 640 : i32
    %mul3A_307 = arith.muli %arg1, %mul3A_306 : i32
    %add3A_308 = arith.constant 560 : i32
    %add3A_309 = arith.addi %mul3A_307, %add3A_308 : i32
    %mul3A_310 = arith.constant 640 : i32
    %mul3A_311 = arith.muli %arg1, %mul3A_310 : i32
    %add3A_312 = arith.constant 400 : i32
    %add3A_313 = arith.addi %mul3A_311, %add3A_312 : i32
    %dma_wait3A_314 = arith.constant 0 : i32
    %dma_wait3A_315 = tpu.memref_slice %arg5[%arg0, %add3A_313, %dma_wait3A_314] : memref<2x10240x64xf32, #tpu.memory_space<hbm>> -> memref<1x80x64xf32, #tpu.memory_space<hbm>>
    %dma_wait3A_316 = tpu.memref_squeeze %dma_wait3A_315 : memref<1x80x64xf32, #tpu.memory_space<hbm>> -> memref<80x64xf32, #tpu.memory_space<hbm>>
    %dma_wait3A_317 = arith.constant 0 : i32
    %dma_wait3A_318 = tpu.memref_slice %arg5[%arg0, %add3A_313, %dma_wait3A_317] : memref<2x10240x64xf32, #tpu.memory_space<hbm>> -> memref<1x80x64xf32, #tpu.memory_space<hbm>>
    %dma_wait3A_319 = tpu.memref_squeeze %dma_wait3A_318 : memref<1x80x64xf32, #tpu.memory_space<hbm>> -> memref<80x64xf32, #tpu.memory_space<hbm>>
    tpu.wait_dma2 semaphore(%arg15 : memref<!tpu.dma_semaphore, #tpu.memory_space<semaphore_mem>>) src(%arg11 : memref<80x64xf32, #tpu.memory_space<vmem>>) dst(%dma_wait3A_319 : memref<80x64xf32, #tpu.memory_space<hbm>>)
    "tpu.region"() ({
      %run_scoped3A = tpu.sem_alloc : memref<!tpu.dma_semaphore, #tpu.memory_space<semaphore_mem>>
      %dma_start3A_346 = arith.constant 0 : i32
      %dma_start3A_347 = tpu.memref_slice %arg13[%add3A_309, %dma_start3A_346] : memref<10240x64xf32, #tpu.memory_space<vmem_shared>> -> memref<80x64xf32, #tpu.memory_space<vmem_shared>>
      %dma_start3A_348 = arith.constant 0 : i32
      %dma_start3A_349 = tpu.memref_slice %arg13[%add3A_309, %dma_start3A_348] : memref<10240x64xf32, #tpu.memory_space<vmem_shared>> -> memref<80x64xf32, #tpu.memory_space<vmem_shared>>
      tpu.enqueue_dma source(%dma_start3A_349 : memref<80x64xf32, #tpu.memory_space<vmem_shared>>) target(%arg11 : memref<80x64xf32, #tpu.memory_space<vmem>>) target_semaphore(%run_scoped3A : memref<!tpu.dma_semaphore, #tpu.memory_space<semaphore_mem>>)
      %dma_wait3A_350 = arith.constant 0 : i32
      %dma_wait3A_351 = tpu.memref_slice %arg13[%add3A_309, %dma_wait3A_350] : memref<10240x64xf32, #tpu.memory_space<vmem_shared>> -> memref<80x64xf32, #tpu.memory_space<vmem_shared>>
      %dma_wait3A_352 = arith.constant 0 : i32
      %dma_wait3A_353 = tpu.memref_slice %arg13[%add3A_309, %dma_wait3A_352] : memref<10240x64xf32, #tpu.memory_space<vmem_shared>> -> memref<80x64xf32, #tpu.memory_space<vmem_shared>>
      tpu.wait_dma2 semaphore(%run_scoped3A : memref<!tpu.dma_semaphore, #tpu.memory_space<semaphore_mem>>) src(%dma_wait3A_353 : memref<80x64xf32, #tpu.memory_space<vmem_shared>>) dst(%arg11 : memref<80x64xf32, #tpu.memory_space<vmem>>)
      tpu.yield
    }) : () -> ()
    %dma_start3A_320 = arith.constant 0 : i32
    %dma_start3A_321 = tpu.memref_slice %arg5[%arg0, %add3A_309, %dma_start3A_320] : memref<2x10240x64xf32, #tpu.memory_space<hbm>> -> memref<1x80x64xf32, #tpu.memory_space<hbm>>
    %dma_start3A_322 = tpu.memref_squeeze %dma_start3A_321 : memref<1x80x64xf32, #tpu.memory_space<hbm>> -> memref<80x64xf32, #tpu.memory_space<hbm>>
    %dma_start3A_323 = arith.constant 0 : i32
    %dma_start3A_324 = tpu.memref_slice %arg5[%arg0, %add3A_309, %dma_start3A_323] : memref<2x10240x64xf32, #tpu.memory_space<hbm>> -> memref<1x80x64xf32, #tpu.memory_space<hbm>>
    %dma_start3A_325 = tpu.memref_squeeze %dma_start3A_324 : memref<1x80x64xf32, #tpu.memory_space<hbm>> -> memref<80x64xf32, #tpu.memory_space<hbm>>
    tpu.enqueue_dma source(%arg11 : memref<80x64xf32, #tpu.memory_space<vmem>>) target(%dma_start3A_325 : memref<80x64xf32, #tpu.memory_space<hbm>>) target_semaphore(%arg15 : memref<!tpu.dma_semaphore, #tpu.memory_space<semaphore_mem>>)
    %mul3A_326 = arith.constant 640 : i32
    %mul3A_327 = arith.muli %arg1, %mul3A_326 : i32
    %add3A_328 = arith.constant 480 : i32
    %add3A_329 = arith.addi %mul3A_327, %add3A_328 : i32
    %dma_wait3A_330 = arith.constant 0 : i32
    %dma_wait3A_331 = tpu.memref_slice %arg5[%arg0, %add3A_329, %dma_wait3A_330] : memref<2x10240x64xf32, #tpu.memory_space<hbm>> -> memref<1x80x64xf32, #tpu.memory_space<hbm>>
    %dma_wait3A_332 = tpu.memref_squeeze %dma_wait3A_331 : memref<1x80x64xf32, #tpu.memory_space<hbm>> -> memref<80x64xf32, #tpu.memory_space<hbm>>
    %dma_wait3A_333 = arith.constant 0 : i32
    %dma_wait3A_334 = tpu.memref_slice %arg5[%arg0, %add3A_329, %dma_wait3A_333] : memref<2x10240x64xf32, #tpu.memory_space<hbm>> -> memref<1x80x64xf32, #tpu.memory_space<hbm>>
    %dma_wait3A_335 = tpu.memref_squeeze %dma_wait3A_334 : memref<1x80x64xf32, #tpu.memory_space<hbm>> -> memref<80x64xf32, #tpu.memory_space<hbm>>
    tpu.wait_dma2 semaphore(%arg14 : memref<!tpu.dma_semaphore, #tpu.memory_space<semaphore_mem>>) src(%arg10 : memref<80x64xf32, #tpu.memory_space<vmem>>) dst(%dma_wait3A_335 : memref<80x64xf32, #tpu.memory_space<hbm>>)
    %mul3A_336 = arith.constant 640 : i32
    %mul3A_337 = arith.muli %arg1, %mul3A_336 : i32
    %add3A_338 = arith.constant 560 : i32
    %add3A_339 = arith.addi %mul3A_337, %add3A_338 : i32
    %dma_wait3A_340 = arith.constant 0 : i32
    %dma_wait3A_341 = tpu.memref_slice %arg5[%arg0, %add3A_339, %dma_wait3A_340] : memref<2x10240x64xf32, #tpu.memory_space<hbm>> -> memref<1x80x64xf32, #tpu.memory_space<hbm>>
    %dma_wait3A_342 = tpu.memref_squeeze %dma_wait3A_341 : memref<1x80x64xf32, #tpu.memory_space<hbm>> -> memref<80x64xf32, #tpu.memory_space<hbm>>
    %dma_wait3A_343 = arith.constant 0 : i32
    %dma_wait3A_344 = tpu.memref_slice %arg5[%arg0, %add3A_339, %dma_wait3A_343] : memref<2x10240x64xf32, #tpu.memory_space<hbm>> -> memref<1x80x64xf32, #tpu.memory_space<hbm>>
    %dma_wait3A_345 = tpu.memref_squeeze %dma_wait3A_344 : memref<1x80x64xf32, #tpu.memory_space<hbm>> -> memref<80x64xf32, #tpu.memory_space<hbm>>
    tpu.wait_dma2 semaphore(%arg15 : memref<!tpu.dma_semaphore, #tpu.memory_space<semaphore_mem>>) src(%arg11 : memref<80x64xf32, #tpu.memory_space<vmem>>) dst(%dma_wait3A_345 : memref<80x64xf32, #tpu.memory_space<hbm>>)
    return
  }
}

#map = affine_map<(d0, d1) -> (0, 0, 0)>
module attributes {stable_mosaic.version = 14 : i64} {
  func.func @_deg_body(%arg0: i32, %arg1: i32, %arg2: memref<32x125x80xi32, #tpu.memory_space<hbm>>, %arg3: memref<32x625x16xf32, #tpu.memory_space<hbm>>, %arg4: memref<125x80xi32, #tpu.memory_space<vmem>>, %arg5: memref<625x16xf32, #tpu.memory_space<vmem>>) attributes {dimension_semantics = [#tpu.dimension_semantics<core_parallel>, #tpu.dimension_semantics<subcore_parallel>], iteration_bounds = array<i64: 2, 16>, scalar_prefetch = 0 : i64, scratch_operands = 2 : i64, tpu.core_type = #tpu.core_type<sc_vector_subcore>, window_params = [{transform_indices = #map}, {transform_indices = #map}]} {
    %mul3A = arith.constant 2 : i32
    %mul3A_0 = arith.muli %arg1, %mul3A : i32
    %add3A = arith.addi %mul3A_0, %arg0 : i32
    %scan3A = arith.constant 0 : i32
    %scan3A_1 = arith.constant 0 : i32
    %scan3A_2 = arith.constant 625 : i32
    %scan3A_3 = arith.addi %scan3A_1, %scan3A_2 : i32
    %scan3A_4 = arith.constant 1 : i32
    %scan3A_5 = scf.for %scan3A_15 = %scan3A_1 to %scan3A_3 step %scan3A_4 iter_args(%scan3A_16 = %scan3A) -> (i32)  : i32 {
      %broadcast_in_dim3A_17 = arith.constant 0.000000e+00 : f32
      %broadcast_in_dim3A_18 = vector.broadcast %broadcast_in_dim3A_17 : f32 to vector<16xf32>
      %swap3A = arith.index_cast %scan3A_15 : i32 to index
      %swap3A_19 = arith.constant 0 : index
      %swap3A_20 = tpu.vector_load %arg5[%swap3A, %swap3A_19] {strides = array<i32>} : memref<625x16xf32, #tpu.memory_space<vmem>>, vector<16xf32>,
      tpu.vector_store %arg5[%swap3A, %swap3A_19], %broadcast_in_dim3A_18 {strides = array<i32>} : memref<625x16xf32, #tpu.memory_space<vmem>>, vector<16xf32>,
      %scan3A_21 = arith.constant 0 : i32
      scf.yield %scan3A_21 : i32
    }
    %scan3A_6 = arith.constant 625 : i32
    %broadcast_in_dim3A = arith.constant 1.000000e+00 : f32
    %broadcast_in_dim3A_7 = vector.broadcast %broadcast_in_dim3A : f32 to vector<16xf32>
    "tpu.region"() ({
      %run_scoped3A = tpu.sem_alloc : memref<!tpu.dma_semaphore, #tpu.memory_space<semaphore_mem>>
      %dma_start3A = arith.constant 0 : i32
      %dma_start3A_15 = arith.constant 0 : i32
      %dma_start3A_16 = tpu.memref_slice %arg2[%add3A, %dma_start3A, %dma_start3A_15] : memref<32x125x80xi32, #tpu.memory_space<hbm>> -> memref<1x125x80xi32, #tpu.memory_space<hbm>>
      %dma_start3A_17 = tpu.memref_squeeze %dma_start3A_16 : memref<1x125x80xi32, #tpu.memory_space<hbm>> -> memref<125x80xi32, #tpu.memory_space<hbm>>
      %dma_start3A_18 = arith.constant 0 : i32
      %dma_start3A_19 = arith.constant 0 : i32
      %dma_start3A_20 = tpu.memref_slice %arg2[%add3A, %dma_start3A_18, %dma_start3A_19] : memref<32x125x80xi32, #tpu.memory_space<hbm>> -> memref<1x125x80xi32, #tpu.memory_space<hbm>>
      %dma_start3A_21 = tpu.memref_squeeze %dma_start3A_20 : memref<1x125x80xi32, #tpu.memory_space<hbm>> -> memref<125x80xi32, #tpu.memory_space<hbm>>
      tpu.enqueue_dma source(%dma_start3A_21 : memref<125x80xi32, #tpu.memory_space<hbm>>) target(%arg4 : memref<125x80xi32, #tpu.memory_space<vmem>>) target_semaphore(%run_scoped3A : memref<!tpu.dma_semaphore, #tpu.memory_space<semaphore_mem>>)
      %dma_wait3A = arith.constant 0 : i32
      %dma_wait3A_22 = arith.constant 0 : i32
      %dma_wait3A_23 = tpu.memref_slice %arg2[%add3A, %dma_wait3A, %dma_wait3A_22] : memref<32x125x80xi32, #tpu.memory_space<hbm>> -> memref<1x125x80xi32, #tpu.memory_space<hbm>>
      %dma_wait3A_24 = tpu.memref_squeeze %dma_wait3A_23 : memref<1x125x80xi32, #tpu.memory_space<hbm>> -> memref<125x80xi32, #tpu.memory_space<hbm>>
      %dma_wait3A_25 = arith.constant 0 : i32
      %dma_wait3A_26 = arith.constant 0 : i32
      %dma_wait3A_27 = tpu.memref_slice %arg2[%add3A, %dma_wait3A_25, %dma_wait3A_26] : memref<32x125x80xi32, #tpu.memory_space<hbm>> -> memref<1x125x80xi32, #tpu.memory_space<hbm>>
      %dma_wait3A_28 = tpu.memref_squeeze %dma_wait3A_27 : memref<1x125x80xi32, #tpu.memory_space<hbm>> -> memref<125x80xi32, #tpu.memory_space<hbm>>
      tpu.wait_dma2 semaphore(%run_scoped3A : memref<!tpu.dma_semaphore, #tpu.memory_space<semaphore_mem>>) src(%dma_wait3A_28 : memref<125x80xi32, #tpu.memory_space<hbm>>) dst(%arg4 : memref<125x80xi32, #tpu.memory_space<vmem>>)
      tpu.yield
    }) : () -> ()
    %scan3A_8 = arith.constant 0 : i32
    %scan3A_9 = arith.constant 0 : i32
    %scan3A_10 = arith.constant 125 : i32
    %scan3A_11 = arith.addi %scan3A_9, %scan3A_10 : i32
    %scan3A_12 = arith.constant 1 : i32
    %scan3A_13 = scf.for %scan3A_15 = %scan3A_9 to %scan3A_11 step %scan3A_12 iter_args(%scan3A_16 = %scan3A_8) -> (i32)  : i32 {
      %scan3A_17 = arith.constant 0 : i32
      %scan3A_18 = arith.constant 0 : i32
      %scan3A_19 = arith.constant 5 : i32
      %scan3A_20 = arith.addi %scan3A_18, %scan3A_19 : i32
      %scan3A_21 = arith.constant 1 : i32
      %scan3A_22 = scf.for %scan3A_24 = %scan3A_18 to %scan3A_20 step %scan3A_21 iter_args(%scan3A_25 = %scan3A_17) -> (i32)  : i32 {
        %mul3A_26 = arith.constant 16 : i32
        %mul3A_27 = arith.muli %scan3A_24, %mul3A_26 : i32
        %get3A = arith.index_cast %scan3A_15 : i32 to index
        %get3A_28 = arith.index_cast %mul3A_27 : i32 to index
        %get3A_29 = tpu.vector_load %arg4[%get3A, %get3A_28] {strides = array<i32>} : memref<125x80xi32, #tpu.memory_space<vmem>>, vector<16xi32>,
        %shift_right_logical3A = arith.constant 4 : i32
        %shift_right_logical3A_30 = vector.broadcast %shift_right_logical3A : i32 to vector<16xi32>
        %shift_right_logical3A_31 = arith.shrui %get3A_29, %shift_right_logical3A_30 : vector<16xi32>
        %and3A = arith.constant 15 : i32
        %and3A_32 = vector.broadcast %and3A : i32 to vector<16xi32>
        %and3A_33 = arith.andi %get3A_29, %and3A_32 : vector<16xi32>
        tpu.vector_store_idx %arg5[%shift_right_logical3A_31, %and3A_33], %broadcast_in_dim3A_7 {add = true} : memref<625x16xf32, #tpu.memory_space<vmem>>[vector<16xi32>, vector<16xi32>], vector<16xf32>,
        %scan3A_34 = arith.constant 0 : i32
        scf.yield %scan3A_34 : i32
      }
      %scan3A_23 = arith.constant 5 : i32
      scf.yield %scan3A_22 : i32
    }
    %scan3A_14 = arith.constant 125 : i32
    "tpu.region"() ({
      %run_scoped3A = tpu.sem_alloc : memref<!tpu.dma_semaphore, #tpu.memory_space<semaphore_mem>>
      %dma_start3A = arith.constant 0 : i32
      %dma_start3A_15 = arith.constant 0 : i32
      %dma_start3A_16 = tpu.memref_slice %arg3[%add3A, %dma_start3A, %dma_start3A_15] : memref<32x625x16xf32, #tpu.memory_space<hbm>> -> memref<1x625x16xf32, #tpu.memory_space<hbm>>
      %dma_start3A_17 = tpu.memref_squeeze %dma_start3A_16 : memref<1x625x16xf32, #tpu.memory_space<hbm>> -> memref<625x16xf32, #tpu.memory_space<hbm>>
      %dma_start3A_18 = arith.constant 0 : i32
      %dma_start3A_19 = arith.constant 0 : i32
      %dma_start3A_20 = tpu.memref_slice %arg3[%add3A, %dma_start3A_18, %dma_start3A_19] : memref<32x625x16xf32, #tpu.memory_space<hbm>> -> memref<1x625x16xf32, #tpu.memory_space<hbm>>
      %dma_start3A_21 = tpu.memref_squeeze %dma_start3A_20 : memref<1x625x16xf32, #tpu.memory_space<hbm>> -> memref<625x16xf32, #tpu.memory_space<hbm>>
      tpu.enqueue_dma source(%arg5 : memref<625x16xf32, #tpu.memory_space<vmem>>) target(%dma_start3A_21 : memref<625x16xf32, #tpu.memory_space<hbm>>) target_semaphore(%run_scoped3A : memref<!tpu.dma_semaphore, #tpu.memory_space<semaphore_mem>>)
      %dma_wait3A = arith.constant 0 : i32
      %dma_wait3A_22 = arith.constant 0 : i32
      %dma_wait3A_23 = tpu.memref_slice %arg3[%add3A, %dma_wait3A, %dma_wait3A_22] : memref<32x625x16xf32, #tpu.memory_space<hbm>> -> memref<1x625x16xf32, #tpu.memory_space<hbm>>
      %dma_wait3A_24 = tpu.memref_squeeze %dma_wait3A_23 : memref<1x625x16xf32, #tpu.memory_space<hbm>> -> memref<625x16xf32, #tpu.memory_space<hbm>>
      %dma_wait3A_25 = arith.constant 0 : i32
      %dma_wait3A_26 = arith.constant 0 : i32
      %dma_wait3A_27 = tpu.memref_slice %arg3[%add3A, %dma_wait3A_25, %dma_wait3A_26] : memref<32x625x16xf32, #tpu.memory_space<hbm>> -> memref<1x625x16xf32, #tpu.memory_space<hbm>>
      %dma_wait3A_28 = tpu.memref_squeeze %dma_wait3A_27 : memref<1x625x16xf32, #tpu.memory_space<hbm>> -> memref<625x16xf32, #tpu.memory_space<hbm>>
      tpu.wait_dma2 semaphore(%run_scoped3A : memref<!tpu.dma_semaphore, #tpu.memory_space<semaphore_mem>>) src(%arg5 : memref<625x16xf32, #tpu.memory_space<vmem>>) dst(%dma_wait3A_28 : memref<625x16xf32, #tpu.memory_space<hbm>>)
      tpu.yield
    }) : () -> ()
    return
  }
}

#map = affine_map<(d0, d1) -> (0, 0)>
#map1 = affine_map<(d0, d1) -> (0, 0, 0)>
module attributes {stable_mosaic.version = 14 : i64} {
  func.func @_agg_body(%arg0: i32, %arg1: i32, %arg2: memref<10000x128xf32, #tpu.memory_space<hbm>>, %arg3: memref<32x125x80xi32, #tpu.memory_space<hbm>>, %arg4: memref<32x125x80xi32, #tpu.memory_space<hbm>>, %arg5: memref<2x10240x128xf32, #tpu.memory_space<hbm>>, %arg6: memref<125x80xi32, #tpu.memory_space<vmem>>, %arg7: memref<1x80xi32, #tpu.memory_space<vmem>>, %arg8: memref<1x80xi32, #tpu.memory_space<vmem>>, %arg9: memref<1x80xi32, #tpu.memory_space<vmem>>, %arg10: memref<80x128xf32, #tpu.memory_space<vmem>>, %arg11: memref<80x128xf32, #tpu.memory_space<vmem>>, %arg12: memref<80x128xf32, #tpu.memory_space<vmem>>, %arg13: memref<10240x128xf32, #tpu.memory_space<vmem_shared>>, %arg14: memref<!tpu.dma_semaphore, #tpu.memory_space<semaphore_mem>>, %arg15: memref<!tpu.dma_semaphore, #tpu.memory_space<semaphore_mem>>, %arg16: memref<!tpu.dma_semaphore, #tpu.memory_space<semaphore_mem>>) attributes {dimension_semantics = [#tpu.dimension_semantics<core_parallel>, #tpu.dimension_semantics<subcore_parallel>], iteration_bounds = array<i64: 2, 16>, scalar_prefetch = 0 : i64, scratch_operands = 11 : i64, tpu.core_type = #tpu.core_type<sc_vector_subcore>, window_params = [{transform_indices = #map}, {transform_indices = #map1}, {transform_indices = #map1}, {transform_indices = #map1}]} {
    %mul3A = arith.constant 2 : i32
    %mul3A_0 = arith.muli %arg1, %mul3A : i32
    %add3A = arith.addi %mul3A_0, %arg0 : i32
    "tpu.region"() ({
      %run_scoped3A = tpu.sem_alloc : memref<!tpu.dma_semaphore, #tpu.memory_space<semaphore_mem>>
      %dma_start3A_346 = arith.constant 0 : i32
      %dma_start3A_347 = arith.constant 0 : i32
      %dma_start3A_348 = tpu.memref_slice %arg3[%add3A, %dma_start3A_346, %dma_start3A_347] : memref<32x125x80xi32, #tpu.memory_space<hbm>> -> memref<1x125x80xi32, #tpu.memory_space<hbm>>
      %dma_start3A_349 = tpu.memref_squeeze %dma_start3A_348 : memref<1x125x80xi32, #tpu.memory_space<hbm>> -> memref<125x80xi32, #tpu.memory_space<hbm>>
      %dma_start3A_350 = arith.constant 0 : i32
      %dma_start3A_351 = arith.constant 0 : i32
      %dma_start3A_352 = tpu.memref_slice %arg3[%add3A, %dma_start3A_350, %dma_start3A_351] : memref<32x125x80xi32, #tpu.memory_space<hbm>> -> memref<1x125x80xi32, #tpu.memory_space<hbm>>
      %dma_start3A_353 = tpu.memref_squeeze %dma_start3A_352 : memref<1x125x80xi32, #tpu.memory_space<hbm>> -> memref<125x80xi32, #tpu.memory_space<hbm>>
      tpu.enqueue_dma source(%dma_start3A_353 : memref<125x80xi32, #tpu.memory_space<hbm>>) target(%arg6 : memref<125x80xi32, #tpu.memory_space<vmem>>) target_semaphore(%run_scoped3A : memref<!tpu.dma_semaphore, #tpu.memory_space<semaphore_mem>>)
      %dma_wait3A_354 = arith.constant 0 : i32
      %dma_wait3A_355 = arith.constant 0 : i32
      %dma_wait3A_356 = tpu.memref_slice %arg3[%add3A, %dma_wait3A_354, %dma_wait3A_355] : memref<32x125x80xi32, #tpu.memory_space<hbm>> -> memref<1x125x80xi32, #tpu.memory_space<hbm>>
      %dma_wait3A_357 = tpu.memref_squeeze %dma_wait3A_356 : memref<1x125x80xi32, #tpu.memory_space<hbm>> -> memref<125x80xi32, #tpu.memory_space<hbm>>
      %dma_wait3A_358 = arith.constant 0 : i32
      %dma_wait3A_359 = arith.constant 0 : i32
      %dma_wait3A_360 = tpu.memref_slice %arg3[%add3A, %dma_wait3A_358, %dma_wait3A_359] : memref<32x125x80xi32, #tpu.memory_space<hbm>> -> memref<1x125x80xi32, #tpu.memory_space<hbm>>
      %dma_wait3A_361 = tpu.memref_squeeze %dma_wait3A_360 : memref<1x125x80xi32, #tpu.memory_space<hbm>> -> memref<125x80xi32, #tpu.memory_space<hbm>>
      tpu.wait_dma2 semaphore(%run_scoped3A : memref<!tpu.dma_semaphore, #tpu.memory_space<semaphore_mem>>) src(%dma_wait3A_361 : memref<125x80xi32, #tpu.memory_space<hbm>>) dst(%arg6 : memref<125x80xi32, #tpu.memory_space<vmem>>)
      tpu.yield
    }) : () -> ()
    %scan3A = arith.constant 0 : i32
    %scan3A_1 = arith.constant 0 : i32
    %scan3A_2 = arith.constant 80 : i32
    %scan3A_3 = arith.addi %scan3A_1, %scan3A_2 : i32
    %scan3A_4 = arith.constant 1 : i32
    %scan3A_5 = scf.for %scan3A_346 = %scan3A_1 to %scan3A_3 step %scan3A_4 iter_args(%scan3A_347 = %scan3A) -> (i32)  : i32 {
      %scan3A_348 = arith.constant 0 : i32
      %scan3A_349 = arith.constant 0 : i32
      %scan3A_350 = arith.constant 8 : i32
      %scan3A_351 = arith.addi %scan3A_349, %scan3A_350 : i32
      %scan3A_352 = arith.constant 1 : i32
      %scan3A_353 = scf.for %scan3A_355 = %scan3A_349 to %scan3A_351 step %scan3A_352 iter_args(%scan3A_356 = %scan3A_348) -> (i32)  : i32 {
        %broadcast_in_dim3A = arith.constant 0.000000e+00 : f32
        %broadcast_in_dim3A_357 = vector.broadcast %broadcast_in_dim3A : f32 to vector<16xf32>
        %mul3A_358 = arith.constant 16 : i32
        %mul3A_359 = arith.muli %scan3A_355, %mul3A_358 : i32
        %swap3A = arith.index_cast %scan3A_346 : i32 to index
        %swap3A_360 = arith.index_cast %mul3A_359 : i32 to index
        %swap3A_361 = tpu.vector_load %arg11[%swap3A, %swap3A_360] {strides = array<i32>} : memref<80x128xf32, #tpu.memory_space<vmem>>, vector<1x16xf32>,
        %swap3A_362 = vector.shape_cast %swap3A_361 : vector<1x16xf32> to vector<16xf32>
        %swap3A_363 = vector.shape_cast %broadcast_in_dim3A_357 : vector<16xf32> to vector<1x16xf32>
        tpu.vector_store %arg11[%swap3A, %swap3A_360], %swap3A_363 {strides = array<i32>} : memref<80x128xf32, #tpu.memory_space<vmem>>, vector<1x16xf32>,
        %scan3A_364 = arith.constant 0 : i32
        scf.yield %scan3A_364 : i32
      }
      %scan3A_354 = arith.constant 8 : i32
      scf.yield %scan3A_353 : i32
    }
    %scan3A_6 = arith.constant 80 : i32
    %dma_start3A = arith.constant 0 : i32
    %dma_start3A_7 = arith.constant 0 : i32
    %dma_start3A_8 = tpu.memref_slice %arg4[%add3A, %dma_start3A, %dma_start3A_7] : memref<32x125x80xi32, #tpu.memory_space<hbm>> -> memref<1x1x80xi32, #tpu.memory_space<hbm>>
    %dma_start3A_9 = tpu.memref_squeeze %dma_start3A_8 : memref<1x1x80xi32, #tpu.memory_space<hbm>> -> memref<1x80xi32, #tpu.memory_space<hbm>>
    %dma_start3A_10 = arith.constant 0 : i32
    %dma_start3A_11 = arith.constant 0 : i32
    %dma_start3A_12 = tpu.memref_slice %arg4[%add3A, %dma_start3A_10, %dma_start3A_11] : memref<32x125x80xi32, #tpu.memory_space<hbm>> -> memref<1x1x80xi32, #tpu.memory_space<hbm>>
    %dma_start3A_13 = tpu.memref_squeeze %dma_start3A_12 : memref<1x1x80xi32, #tpu.memory_space<hbm>> -> memref<1x80xi32, #tpu.memory_space<hbm>>
    tpu.enqueue_dma source(%dma_start3A_13 : memref<1x80xi32, #tpu.memory_space<hbm>>) target(%arg7 : memref<1x80xi32, #tpu.memory_space<vmem>>) target_semaphore(%arg14 : memref<!tpu.dma_semaphore, #tpu.memory_space<semaphore_mem>>)
    %dma_start3A_14 = arith.constant 0 : i32
    %dma_start3A_15 = arith.constant 0 : i32
    %dma_start3A_16 = tpu.memref_slice %arg6[%dma_start3A_14, %dma_start3A_15] : memref<125x80xi32, #tpu.memory_space<vmem>> -> memref<1x80xi32, #tpu.memory_space<vmem>>
    %dma_start3A_17 = tpu.memref_squeeze %dma_start3A_16 : memref<1x80xi32, #tpu.memory_space<vmem>> -> memref<80xi32, #tpu.memory_space<vmem>>
    %dma_start3A_18 = arith.constant 0 : i32
    %dma_start3A_19 = arith.constant 0 : i32
    %dma_start3A_20 = tpu.memref_slice %arg2[%dma_start3A_18, %dma_start3A_19] : memref<10000x128xf32, #tpu.memory_space<hbm>> -> memref<10000x128xf32, #tpu.memory_space<hbm>>
    tpu.enqueue_indirect_dma source(%dma_start3A_20 : memref<10000x128xf32, #tpu.memory_space<hbm>>) target(%arg10 : memref<80x128xf32, #tpu.memory_space<vmem>>) offsets(%dma_start3A_17 : memref<80xi32, #tpu.memory_space<vmem>>) semaphore(%arg14 : memref<!tpu.dma_semaphore, #tpu.memory_space<semaphore_mem>>)
    %mul3A_21 = arith.constant 640 : i32
    %mul3A_22 = arith.muli %arg1, %mul3A_21 : i32
    %add3A_23 = arith.constant 0 : i32
    %add3A_24 = arith.addi %mul3A_22, %add3A_23 : i32
    %dma_start3A_25 = arith.constant 0 : i32
    %dma_start3A_26 = tpu.memref_slice %arg13[%add3A_24, %dma_start3A_25] : memref<10240x128xf32, #tpu.memory_space<vmem_shared>> -> memref<80x128xf32, #tpu.memory_space<vmem_shared>>
    %dma_start3A_27 = arith.constant 0 : i32
    %dma_start3A_28 = tpu.memref_slice %arg13[%add3A_24, %dma_start3A_27] : memref<10240x128xf32, #tpu.memory_space<vmem_shared>> -> memref<80x128xf32, #tpu.memory_space<vmem_shared>>
    tpu.enqueue_dma source(%arg11 : memref<80x128xf32, #tpu.memory_space<vmem>>) target(%dma_start3A_28 : memref<80x128xf32, #tpu.memory_space<vmem_shared>>) target_semaphore(%arg15 : memref<!tpu.dma_semaphore, #tpu.memory_space<semaphore_mem>>)
    %mul3A_29 = arith.constant 640 : i32
    %mul3A_30 = arith.muli %arg1, %mul3A_29 : i32
    %add3A_31 = arith.constant 80 : i32
    %add3A_32 = arith.addi %mul3A_30, %add3A_31 : i32
    %dma_start3A_33 = arith.constant 0 : i32
    %dma_start3A_34 = tpu.memref_slice %arg13[%add3A_32, %dma_start3A_33] : memref<10240x128xf32, #tpu.memory_space<vmem_shared>> -> memref<80x128xf32, #tpu.memory_space<vmem_shared>>
    %dma_start3A_35 = arith.constant 0 : i32
    %dma_start3A_36 = tpu.memref_slice %arg13[%add3A_32, %dma_start3A_35] : memref<10240x128xf32, #tpu.memory_space<vmem_shared>> -> memref<80x128xf32, #tpu.memory_space<vmem_shared>>
    tpu.enqueue_dma source(%arg11 : memref<80x128xf32, #tpu.memory_space<vmem>>) target(%dma_start3A_36 : memref<80x128xf32, #tpu.memory_space<vmem_shared>>) target_semaphore(%arg15 : memref<!tpu.dma_semaphore, #tpu.memory_space<semaphore_mem>>)
    %mul3A_37 = arith.constant 640 : i32
    %mul3A_38 = arith.muli %arg1, %mul3A_37 : i32
    %add3A_39 = arith.constant 160 : i32
    %add3A_40 = arith.addi %mul3A_38, %add3A_39 : i32
    %dma_start3A_41 = arith.constant 0 : i32
    %dma_start3A_42 = tpu.memref_slice %arg13[%add3A_40, %dma_start3A_41] : memref<10240x128xf32, #tpu.memory_space<vmem_shared>> -> memref<80x128xf32, #tpu.memory_space<vmem_shared>>
    %dma_start3A_43 = arith.constant 0 : i32
    %dma_start3A_44 = tpu.memref_slice %arg13[%add3A_40, %dma_start3A_43] : memref<10240x128xf32, #tpu.memory_space<vmem_shared>> -> memref<80x128xf32, #tpu.memory_space<vmem_shared>>
    tpu.enqueue_dma source(%arg11 : memref<80x128xf32, #tpu.memory_space<vmem>>) target(%dma_start3A_44 : memref<80x128xf32, #tpu.memory_space<vmem_shared>>) target_semaphore(%arg15 : memref<!tpu.dma_semaphore, #tpu.memory_space<semaphore_mem>>)
    %mul3A_45 = arith.constant 640 : i32
    %mul3A_46 = arith.muli %arg1, %mul3A_45 : i32
    %add3A_47 = arith.constant 240 : i32
    %add3A_48 = arith.addi %mul3A_46, %add3A_47 : i32
    %dma_start3A_49 = arith.constant 0 : i32
    %dma_start3A_50 = tpu.memref_slice %arg13[%add3A_48, %dma_start3A_49] : memref<10240x128xf32, #tpu.memory_space<vmem_shared>> -> memref<80x128xf32, #tpu.memory_space<vmem_shared>>
    %dma_start3A_51 = arith.constant 0 : i32
    %dma_start3A_52 = tpu.memref_slice %arg13[%add3A_48, %dma_start3A_51] : memref<10240x128xf32, #tpu.memory_space<vmem_shared>> -> memref<80x128xf32, #tpu.memory_space<vmem_shared>>
    tpu.enqueue_dma source(%arg11 : memref<80x128xf32, #tpu.memory_space<vmem>>) target(%dma_start3A_52 : memref<80x128xf32, #tpu.memory_space<vmem_shared>>) target_semaphore(%arg15 : memref<!tpu.dma_semaphore, #tpu.memory_space<semaphore_mem>>)
    %mul3A_53 = arith.constant 640 : i32
    %mul3A_54 = arith.muli %arg1, %mul3A_53 : i32
    %add3A_55 = arith.constant 320 : i32
    %add3A_56 = arith.addi %mul3A_54, %add3A_55 : i32
    %dma_start3A_57 = arith.constant 0 : i32
    %dma_start3A_58 = tpu.memref_slice %arg13[%add3A_56, %dma_start3A_57] : memref<10240x128xf32, #tpu.memory_space<vmem_shared>> -> memref<80x128xf32, #tpu.memory_space<vmem_shared>>
    %dma_start3A_59 = arith.constant 0 : i32
    %dma_start3A_60 = tpu.memref_slice %arg13[%add3A_56, %dma_start3A_59] : memref<10240x128xf32, #tpu.memory_space<vmem_shared>> -> memref<80x128xf32, #tpu.memory_space<vmem_shared>>
    tpu.enqueue_dma source(%arg11 : memref<80x128xf32, #tpu.memory_space<vmem>>) target(%dma_start3A_60 : memref<80x128xf32, #tpu.memory_space<vmem_shared>>) target_semaphore(%arg15 : memref<!tpu.dma_semaphore, #tpu.memory_space<semaphore_mem>>)
    %mul3A_61 = arith.constant 640 : i32
    %mul3A_62 = arith.muli %arg1, %mul3A_61 : i32
    %add3A_63 = arith.constant 400 : i32
    %add3A_64 = arith.addi %mul3A_62, %add3A_63 : i32
    %dma_start3A_65 = arith.constant 0 : i32
    %dma_start3A_66 = tpu.memref_slice %arg13[%add3A_64, %dma_start3A_65] : memref<10240x128xf32, #tpu.memory_space<vmem_shared>> -> memref<80x128xf32, #tpu.memory_space<vmem_shared>>
    %dma_start3A_67 = arith.constant 0 : i32
    %dma_start3A_68 = tpu.memref_slice %arg13[%add3A_64, %dma_start3A_67] : memref<10240x128xf32, #tpu.memory_space<vmem_shared>> -> memref<80x128xf32, #tpu.memory_space<vmem_shared>>
    tpu.enqueue_dma source(%arg11 : memref<80x128xf32, #tpu.memory_space<vmem>>) target(%dma_start3A_68 : memref<80x128xf32, #tpu.memory_space<vmem_shared>>) target_semaphore(%arg15 : memref<!tpu.dma_semaphore, #tpu.memory_space<semaphore_mem>>)
    %mul3A_69 = arith.constant 640 : i32
    %mul3A_70 = arith.muli %arg1, %mul3A_69 : i32
    %add3A_71 = arith.constant 480 : i32
    %add3A_72 = arith.addi %mul3A_70, %add3A_71 : i32
    %dma_start3A_73 = arith.constant 0 : i32
    %dma_start3A_74 = tpu.memref_slice %arg13[%add3A_72, %dma_start3A_73] : memref<10240x128xf32, #tpu.memory_space<vmem_shared>> -> memref<80x128xf32, #tpu.memory_space<vmem_shared>>
    %dma_start3A_75 = arith.constant 0 : i32
    %dma_start3A_76 = tpu.memref_slice %arg13[%add3A_72, %dma_start3A_75] : memref<10240x128xf32, #tpu.memory_space<vmem_shared>> -> memref<80x128xf32, #tpu.memory_space<vmem_shared>>
    tpu.enqueue_dma source(%arg11 : memref<80x128xf32, #tpu.memory_space<vmem>>) target(%dma_start3A_76 : memref<80x128xf32, #tpu.memory_space<vmem_shared>>) target_semaphore(%arg15 : memref<!tpu.dma_semaphore, #tpu.memory_space<semaphore_mem>>)
    %mul3A_77 = arith.constant 640 : i32
    %mul3A_78 = arith.muli %arg1, %mul3A_77 : i32
    %add3A_79 = arith.constant 560 : i32
    %add3A_80 = arith.addi %mul3A_78, %add3A_79 : i32
    %dma_start3A_81 = arith.constant 0 : i32
    %dma_start3A_82 = tpu.memref_slice %arg13[%add3A_80, %dma_start3A_81] : memref<10240x128xf32, #tpu.memory_space<vmem_shared>> -> memref<80x128xf32, #tpu.memory_space<vmem_shared>>
    %dma_start3A_83 = arith.constant 0 : i32
    %dma_start3A_84 = tpu.memref_slice %arg13[%add3A_80, %dma_start3A_83] : memref<10240x128xf32, #tpu.memory_space<vmem_shared>> -> memref<80x128xf32, #tpu.memory_space<vmem_shared>>
    tpu.enqueue_dma source(%arg11 : memref<80x128xf32, #tpu.memory_space<vmem>>) target(%dma_start3A_84 : memref<80x128xf32, #tpu.memory_space<vmem_shared>>) target_semaphore(%arg15 : memref<!tpu.dma_semaphore, #tpu.memory_space<semaphore_mem>>)
    %dma_start3A_85 = arith.constant 2 : i32
    %dma_start3A_86 = arith.constant 0 : i32
    %dma_start3A_87 = tpu.memref_slice %arg4[%add3A, %dma_start3A_85, %dma_start3A_86] : memref<32x125x80xi32, #tpu.memory_space<hbm>> -> memref<1x1x80xi32, #tpu.memory_space<hbm>>
    %dma_start3A_88 = tpu.memref_squeeze %dma_start3A_87 : memref<1x1x80xi32, #tpu.memory_space<hbm>> -> memref<1x80xi32, #tpu.memory_space<hbm>>
    %dma_start3A_89 = arith.constant 2 : i32
    %dma_start3A_90 = arith.constant 0 : i32
    %dma_start3A_91 = tpu.memref_slice %arg4[%add3A, %dma_start3A_89, %dma_start3A_90] : memref<32x125x80xi32, #tpu.memory_space<hbm>> -> memref<1x1x80xi32, #tpu.memory_space<hbm>>
    %dma_start3A_92 = tpu.memref_squeeze %dma_start3A_91 : memref<1x1x80xi32, #tpu.memory_space<hbm>> -> memref<1x80xi32, #tpu.memory_space<hbm>>
    tpu.enqueue_dma source(%dma_start3A_92 : memref<1x80xi32, #tpu.memory_space<hbm>>) target(%arg9 : memref<1x80xi32, #tpu.memory_space<vmem>>) target_semaphore(%arg16 : memref<!tpu.dma_semaphore, #tpu.memory_space<semaphore_mem>>)
    %dma_start3A_93 = arith.constant 2 : i32
    %dma_start3A_94 = arith.constant 0 : i32
    %dma_start3A_95 = tpu.memref_slice %arg6[%dma_start3A_93, %dma_start3A_94] : memref<125x80xi32, #tpu.memory_space<vmem>> -> memref<1x80xi32, #tpu.memory_space<vmem>>
    %dma_start3A_96 = tpu.memref_squeeze %dma_start3A_95 : memref<1x80xi32, #tpu.memory_space<vmem>> -> memref<80xi32, #tpu.memory_space<vmem>>
    %dma_start3A_97 = arith.constant 0 : i32
    %dma_start3A_98 = arith.constant 0 : i32
    %dma_start3A_99 = tpu.memref_slice %arg2[%dma_start3A_97, %dma_start3A_98] : memref<10000x128xf32, #tpu.memory_space<hbm>> -> memref<10000x128xf32, #tpu.memory_space<hbm>>
    tpu.enqueue_indirect_dma source(%dma_start3A_99 : memref<10000x128xf32, #tpu.memory_space<hbm>>) target(%arg12 : memref<80x128xf32, #tpu.memory_space<vmem>>) offsets(%dma_start3A_96 : memref<80xi32, #tpu.memory_space<vmem>>) semaphore(%arg16 : memref<!tpu.dma_semaphore, #tpu.memory_space<semaphore_mem>>)
    %mul3A_100 = arith.constant 640 : i32
    %mul3A_101 = arith.muli %arg1, %mul3A_100 : i32
    %add3A_102 = arith.constant 0 : i32
    %add3A_103 = arith.addi %mul3A_101, %add3A_102 : i32
    %dma_wait3A = arith.constant 0 : i32
    %dma_wait3A_104 = tpu.memref_slice %arg13[%add3A_103, %dma_wait3A] : memref<10240x128xf32, #tpu.memory_space<vmem_shared>> -> memref<80x128xf32, #tpu.memory_space<vmem_shared>>
    %dma_wait3A_105 = arith.constant 0 : i32
    %dma_wait3A_106 = tpu.memref_slice %arg13[%add3A_103, %dma_wait3A_105] : memref<10240x128xf32, #tpu.memory_space<vmem_shared>> -> memref<80x128xf32, #tpu.memory_space<vmem_shared>>
    tpu.wait_dma2 semaphore(%arg15 : memref<!tpu.dma_semaphore, #tpu.memory_space<semaphore_mem>>) src(%arg11 : memref<80x128xf32, #tpu.memory_space<vmem>>) dst(%dma_wait3A_106 : memref<80x128xf32, #tpu.memory_space<vmem_shared>>)
    %mul3A_107 = arith.constant 640 : i32
    %mul3A_108 = arith.muli %arg1, %mul3A_107 : i32
    %add3A_109 = arith.constant 80 : i32
    %add3A_110 = arith.addi %mul3A_108, %add3A_109 : i32
    %dma_wait3A_111 = arith.constant 0 : i32
    %dma_wait3A_112 = tpu.memref_slice %arg13[%add3A_110, %dma_wait3A_111] : memref<10240x128xf32, #tpu.memory_space<vmem_shared>> -> memref<80x128xf32, #tpu.memory_space<vmem_shared>>
    %dma_wait3A_113 = arith.constant 0 : i32
    %dma_wait3A_114 = tpu.memref_slice %arg13[%add3A_110, %dma_wait3A_113] : memref<10240x128xf32, #tpu.memory_space<vmem_shared>> -> memref<80x128xf32, #tpu.memory_space<vmem_shared>>
    tpu.wait_dma2 semaphore(%arg15 : memref<!tpu.dma_semaphore, #tpu.memory_space<semaphore_mem>>) src(%arg11 : memref<80x128xf32, #tpu.memory_space<vmem>>) dst(%dma_wait3A_114 : memref<80x128xf32, #tpu.memory_space<vmem_shared>>)
    %mul3A_115 = arith.constant 640 : i32
    %mul3A_116 = arith.muli %arg1, %mul3A_115 : i32
    %add3A_117 = arith.constant 160 : i32
    %add3A_118 = arith.addi %mul3A_116, %add3A_117 : i32
    %dma_wait3A_119 = arith.constant 0 : i32
    %dma_wait3A_120 = tpu.memref_slice %arg13[%add3A_118, %dma_wait3A_119] : memref<10240x128xf32, #tpu.memory_space<vmem_shared>> -> memref<80x128xf32, #tpu.memory_space<vmem_shared>>
    %dma_wait3A_121 = arith.constant 0 : i32
    %dma_wait3A_122 = tpu.memref_slice %arg13[%add3A_118, %dma_wait3A_121] : memref<10240x128xf32, #tpu.memory_space<vmem_shared>> -> memref<80x128xf32, #tpu.memory_space<vmem_shared>>
    tpu.wait_dma2 semaphore(%arg15 : memref<!tpu.dma_semaphore, #tpu.memory_space<semaphore_mem>>) src(%arg11 : memref<80x128xf32, #tpu.memory_space<vmem>>) dst(%dma_wait3A_122 : memref<80x128xf32, #tpu.memory_space<vmem_shared>>)
    %mul3A_123 = arith.constant 640 : i32
    %mul3A_124 = arith.muli %arg1, %mul3A_123 : i32
    %add3A_125 = arith.constant 240 : i32
    %add3A_126 = arith.addi %mul3A_124, %add3A_125 : i32
    %dma_wait3A_127 = arith.constant 0 : i32
    %dma_wait3A_128 = tpu.memref_slice %arg13[%add3A_126, %dma_wait3A_127] : memref<10240x128xf32, #tpu.memory_space<vmem_shared>> -> memref<80x128xf32, #tpu.memory_space<vmem_shared>>
    %dma_wait3A_129 = arith.constant 0 : i32
    %dma_wait3A_130 = tpu.memref_slice %arg13[%add3A_126, %dma_wait3A_129] : memref<10240x128xf32, #tpu.memory_space<vmem_shared>> -> memref<80x128xf32, #tpu.memory_space<vmem_shared>>
    tpu.wait_dma2 semaphore(%arg15 : memref<!tpu.dma_semaphore, #tpu.memory_space<semaphore_mem>>) src(%arg11 : memref<80x128xf32, #tpu.memory_space<vmem>>) dst(%dma_wait3A_130 : memref<80x128xf32, #tpu.memory_space<vmem_shared>>)
    %mul3A_131 = arith.constant 640 : i32
    %mul3A_132 = arith.muli %arg1, %mul3A_131 : i32
    %add3A_133 = arith.constant 320 : i32
    %add3A_134 = arith.addi %mul3A_132, %add3A_133 : i32
    %dma_wait3A_135 = arith.constant 0 : i32
    %dma_wait3A_136 = tpu.memref_slice %arg13[%add3A_134, %dma_wait3A_135] : memref<10240x128xf32, #tpu.memory_space<vmem_shared>> -> memref<80x128xf32, #tpu.memory_space<vmem_shared>>
    %dma_wait3A_137 = arith.constant 0 : i32
    %dma_wait3A_138 = tpu.memref_slice %arg13[%add3A_134, %dma_wait3A_137] : memref<10240x128xf32, #tpu.memory_space<vmem_shared>> -> memref<80x128xf32, #tpu.memory_space<vmem_shared>>
    tpu.wait_dma2 semaphore(%arg15 : memref<!tpu.dma_semaphore, #tpu.memory_space<semaphore_mem>>) src(%arg11 : memref<80x128xf32, #tpu.memory_space<vmem>>) dst(%dma_wait3A_138 : memref<80x128xf32, #tpu.memory_space<vmem_shared>>)
    %mul3A_139 = arith.constant 640 : i32
    %mul3A_140 = arith.muli %arg1, %mul3A_139 : i32
    %add3A_141 = arith.constant 400 : i32
    %add3A_142 = arith.addi %mul3A_140, %add3A_141 : i32
    %dma_wait3A_143 = arith.constant 0 : i32
    %dma_wait3A_144 = tpu.memref_slice %arg13[%add3A_142, %dma_wait3A_143] : memref<10240x128xf32, #tpu.memory_space<vmem_shared>> -> memref<80x128xf32, #tpu.memory_space<vmem_shared>>
    %dma_wait3A_145 = arith.constant 0 : i32
    %dma_wait3A_146 = tpu.memref_slice %arg13[%add3A_142, %dma_wait3A_145] : memref<10240x128xf32, #tpu.memory_space<vmem_shared>> -> memref<80x128xf32, #tpu.memory_space<vmem_shared>>
    tpu.wait_dma2 semaphore(%arg15 : memref<!tpu.dma_semaphore, #tpu.memory_space<semaphore_mem>>) src(%arg11 : memref<80x128xf32, #tpu.memory_space<vmem>>) dst(%dma_wait3A_146 : memref<80x128xf32, #tpu.memory_space<vmem_shared>>)
    %mul3A_147 = arith.constant 640 : i32
    %mul3A_148 = arith.muli %arg1, %mul3A_147 : i32
    %add3A_149 = arith.constant 480 : i32
    %add3A_150 = arith.addi %mul3A_148, %add3A_149 : i32
    %dma_wait3A_151 = arith.constant 0 : i32
    %dma_wait3A_152 = tpu.memref_slice %arg13[%add3A_150, %dma_wait3A_151] : memref<10240x128xf32, #tpu.memory_space<vmem_shared>> -> memref<80x128xf32, #tpu.memory_space<vmem_shared>>
    %dma_wait3A_153 = arith.constant 0 : i32
    %dma_wait3A_154 = tpu.memref_slice %arg13[%add3A_150, %dma_wait3A_153] : memref<10240x128xf32, #tpu.memory_space<vmem_shared>> -> memref<80x128xf32, #tpu.memory_space<vmem_shared>>
    tpu.wait_dma2 semaphore(%arg15 : memref<!tpu.dma_semaphore, #tpu.memory_space<semaphore_mem>>) src(%arg11 : memref<80x128xf32, #tpu.memory_space<vmem>>) dst(%dma_wait3A_154 : memref<80x128xf32, #tpu.memory_space<vmem_shared>>)
    %mul3A_155 = arith.constant 640 : i32
    %mul3A_156 = arith.muli %arg1, %mul3A_155 : i32
    %add3A_157 = arith.constant 560 : i32
    %add3A_158 = arith.addi %mul3A_156, %add3A_157 : i32
    %dma_wait3A_159 = arith.constant 0 : i32
    %dma_wait3A_160 = tpu.memref_slice %arg13[%add3A_158, %dma_wait3A_159] : memref<10240x128xf32, #tpu.memory_space<vmem_shared>> -> memref<80x128xf32, #tpu.memory_space<vmem_shared>>
    %dma_wait3A_161 = arith.constant 0 : i32
    %dma_wait3A_162 = tpu.memref_slice %arg13[%add3A_158, %dma_wait3A_161] : memref<10240x128xf32, #tpu.memory_space<vmem_shared>> -> memref<80x128xf32, #tpu.memory_space<vmem_shared>>
    tpu.wait_dma2 semaphore(%arg15 : memref<!tpu.dma_semaphore, #tpu.memory_space<semaphore_mem>>) src(%arg11 : memref<80x128xf32, #tpu.memory_space<vmem>>) dst(%dma_wait3A_162 : memref<80x128xf32, #tpu.memory_space<vmem_shared>>)
    %dma_start3A_163 = arith.constant 1 : i32
    %dma_start3A_164 = arith.constant 0 : i32
    %dma_start3A_165 = tpu.memref_slice %arg4[%add3A, %dma_start3A_163, %dma_start3A_164] : memref<32x125x80xi32, #tpu.memory_space<hbm>> -> memref<1x1x80xi32, #tpu.memory_space<hbm>>
    %dma_start3A_166 = tpu.memref_squeeze %dma_start3A_165 : memref<1x1x80xi32, #tpu.memory_space<hbm>> -> memref<1x80xi32, #tpu.memory_space<hbm>>
    %dma_start3A_167 = arith.constant 1 : i32
    %dma_start3A_168 = arith.constant 0 : i32
    %dma_start3A_169 = tpu.memref_slice %arg4[%add3A, %dma_start3A_167, %dma_start3A_168] : memref<32x125x80xi32, #tpu.memory_space<hbm>> -> memref<1x1x80xi32, #tpu.memory_space<hbm>>
    %dma_start3A_170 = tpu.memref_squeeze %dma_start3A_169 : memref<1x1x80xi32, #tpu.memory_space<hbm>> -> memref<1x80xi32, #tpu.memory_space<hbm>>
    tpu.enqueue_dma source(%dma_start3A_170 : memref<1x80xi32, #tpu.memory_space<hbm>>) target(%arg8 : memref<1x80xi32, #tpu.memory_space<vmem>>) target_semaphore(%arg15 : memref<!tpu.dma_semaphore, #tpu.memory_space<semaphore_mem>>)
    %dma_start3A_171 = arith.constant 1 : i32
    %dma_start3A_172 = arith.constant 0 : i32
    %dma_start3A_173 = tpu.memref_slice %arg6[%dma_start3A_171, %dma_start3A_172] : memref<125x80xi32, #tpu.memory_space<vmem>> -> memref<1x80xi32, #tpu.memory_space<vmem>>
    %dma_start3A_174 = tpu.memref_squeeze %dma_start3A_173 : memref<1x80xi32, #tpu.memory_space<vmem>> -> memref<80xi32, #tpu.memory_space<vmem>>
    %dma_start3A_175 = arith.constant 0 : i32
    %dma_start3A_176 = arith.constant 0 : i32
    %dma_start3A_177 = tpu.memref_slice %arg2[%dma_start3A_175, %dma_start3A_176] : memref<10000x128xf32, #tpu.memory_space<hbm>> -> memref<10000x128xf32, #tpu.memory_space<hbm>>
    tpu.enqueue_indirect_dma source(%dma_start3A_177 : memref<10000x128xf32, #tpu.memory_space<hbm>>) target(%arg11 : memref<80x128xf32, #tpu.memory_space<vmem>>) offsets(%dma_start3A_174 : memref<80xi32, #tpu.memory_space<vmem>>) semaphore(%arg15 : memref<!tpu.dma_semaphore, #tpu.memory_space<semaphore_mem>>)
    %barrier3A = arith.constant 0 : index
    tpu.barrier barrier_id(%barrier3A)
    %scan3A_178 = arith.constant 0 : i32
    %scan3A_179 = arith.constant 0 : i32
    %scan3A_180 = arith.constant 42 : i32
    %scan3A_181 = arith.addi %scan3A_179, %scan3A_180 : i32
    %scan3A_182 = arith.constant 1 : i32
    %scan3A_183 = scf.for %scan3A_346 = %scan3A_179 to %scan3A_181 step %scan3A_182 iter_args(%scan3A_347 = %scan3A_178) -> (i32)  : i32 {
      %mul3A_348 = arith.constant 3 : i32
      %mul3A_349 = arith.muli %scan3A_346, %mul3A_348 : i32
      %add3A_350 = arith.constant 0 : i32
      %add3A_351 = arith.addi %mul3A_349, %add3A_350 : i32
      %lt3A = arith.constant 125 : i32
      %lt3A_352 = arith.cmpi slt, %add3A_351, %lt3A : i32
      %convert_element_type3A = arith.extui %lt3A_352 : i1 to i32
      %cond3A = arith.constant 0 : i32
      %cond3A_353 = arith.cmpi ne, %convert_element_type3A, %cond3A : i32
      scf.if %cond3A_353 {
        %add3A_369 = arith.constant 0 : i32
        %add3A_370 = arith.addi %mul3A_349, %add3A_369 : i32
        %dma_wait3A_371 = arith.constant 0 : i32
        %dma_wait3A_372 = tpu.memref_slice %arg4[%add3A, %add3A_370, %dma_wait3A_371] : memref<32x125x80xi32, #tpu.memory_space<hbm>> -> memref<1x1x80xi32, #tpu.memory_space<hbm>>
        %dma_wait3A_373 = tpu.memref_squeeze %dma_wait3A_372 : memref<1x1x80xi32, #tpu.memory_space<hbm>> -> memref<1x80xi32, #tpu.memory_space<hbm>>
        %dma_wait3A_374 = arith.constant 0 : i32
        %dma_wait3A_375 = tpu.memref_slice %arg4[%add3A, %add3A_370, %dma_wait3A_374] : memref<32x125x80xi32, #tpu.memory_space<hbm>> -> memref<1x1x80xi32, #tpu.memory_space<hbm>>
        %dma_wait3A_376 = tpu.memref_squeeze %dma_wait3A_375 : memref<1x1x80xi32, #tpu.memory_space<hbm>> -> memref<1x80xi32, #tpu.memory_space<hbm>>
        tpu.wait_dma2 semaphore(%arg14 : memref<!tpu.dma_semaphore, #tpu.memory_space<semaphore_mem>>) src(%dma_wait3A_376 : memref<1x80xi32, #tpu.memory_space<hbm>>) dst(%arg7 : memref<1x80xi32, #tpu.memory_space<vmem>>)
        %dma_wait3A_377 = arith.constant 0 : i32
        %dma_wait3A_378 = tpu.memref_slice %arg6[%add3A_370, %dma_wait3A_377] : memref<125x80xi32, #tpu.memory_space<vmem>> -> memref<1x80xi32, #tpu.memory_space<vmem>>
        %dma_wait3A_379 = tpu.memref_squeeze %dma_wait3A_378 : memref<1x80xi32, #tpu.memory_space<vmem>> -> memref<80xi32, #tpu.memory_space<vmem>>
        %dma_wait3A_380 = arith.constant 0 : i32
        %dma_wait3A_381 = arith.constant 0 : i32
        %dma_wait3A_382 = tpu.memref_slice %arg2[%dma_wait3A_380, %dma_wait3A_381] : memref<10000x128xf32, #tpu.memory_space<hbm>> -> memref<10000x128xf32, #tpu.memory_space<hbm>>
        tpu.wait_indirect_dma semaphore(%arg14 : memref<!tpu.dma_semaphore, #tpu.memory_space<semaphore_mem>>) src(%dma_wait3A_382 : memref<10000x128xf32, #tpu.memory_space<hbm>>) dst(%arg10 : memref<80x128xf32, #tpu.memory_space<vmem>>)
        %run_scoped3A = arith.constant 0 : i32
        "tpu.region"() ({
          %run_scoped3A_392 = tpu.sem_alloc : memref<!tpu.dma_semaphore, #tpu.memory_space<semaphore_mem>>
          %dma_start3A_393 = arith.constant 0 : i32
          %dma_start3A_394 = tpu.memref_slice %arg7[%run_scoped3A, %dma_start3A_393] : memref<1x80xi32, #tpu.memory_space<vmem>> -> memref<1x80xi32, #tpu.memory_space<vmem>>
          %dma_start3A_395 = tpu.memref_squeeze %dma_start3A_394 : memref<1x80xi32, #tpu.memory_space<vmem>> -> memref<80xi32, #tpu.memory_space<vmem>>
          %dma_start3A_396 = arith.constant 0 : i32
          %dma_start3A_397 = arith.constant 0 : i32
          %dma_start3A_398 = tpu.memref_slice %arg13[%dma_start3A_396, %dma_start3A_397] : memref<10240x128xf32, #tpu.memory_space<vmem_shared>> -> memref<10240x128xf32, #tpu.memory_space<vmem_shared>>
          tpu.enqueue_indirect_dma source(%arg10 : memref<80x128xf32, #tpu.memory_space<vmem>>) target(%dma_start3A_398 : memref<10240x128xf32, #tpu.memory_space<vmem_shared>>) offsets(%dma_start3A_395 : memref<80xi32, #tpu.memory_space<vmem>>) semaphore(%run_scoped3A_392 : memref<!tpu.dma_semaphore, #tpu.memory_space<semaphore_mem>>) {add = true}
          %dma_wait3A_399 = arith.constant 0 : i32
          %dma_wait3A_400 = tpu.memref_slice %arg7[%run_scoped3A, %dma_wait3A_399] : memref<1x80xi32, #tpu.memory_space<vmem>> -> memref<1x80xi32, #tpu.memory_space<vmem>>
          %dma_wait3A_401 = tpu.memref_squeeze %dma_wait3A_400 : memref<1x80xi32, #tpu.memory_space<vmem>> -> memref<80xi32, #tpu.memory_space<vmem>>
          %dma_wait3A_402 = arith.constant 0 : i32
          %dma_wait3A_403 = arith.constant 0 : i32
          %dma_wait3A_404 = tpu.memref_slice %arg13[%dma_wait3A_402, %dma_wait3A_403] : memref<10240x128xf32, #tpu.memory_space<vmem_shared>> -> memref<10240x128xf32, #tpu.memory_space<vmem_shared>>
          tpu.wait_indirect_dma semaphore(%run_scoped3A_392 : memref<!tpu.dma_semaphore, #tpu.memory_space<semaphore_mem>>) src(%arg10 : memref<80x128xf32, #tpu.memory_space<vmem>>) dst(%dma_wait3A_404 : memref<10240x128xf32, #tpu.memory_space<vmem_shared>>)
          tpu.yield
        }) : () -> ()
        %add3A_383 = arith.constant 0 : i32
        %add3A_384 = arith.addi %mul3A_349, %add3A_383 : i32
        %add3A_385 = arith.constant 3 : i32
        %add3A_386 = arith.addi %add3A_384, %add3A_385 : i32
        %lt3A_387 = arith.constant 125 : i32
        %lt3A_388 = arith.cmpi slt, %add3A_386, %lt3A_387 : i32
        %convert_element_type3A_389 = arith.extui %lt3A_388 : i1 to i32
        %cond3A_390 = arith.constant 0 : i32
        %cond3A_391 = arith.cmpi ne, %convert_element_type3A_389, %cond3A_390 : i32
        scf.if %cond3A_391 {
          %add3A_392 = arith.constant 0 : i32
          %add3A_393 = arith.addi %mul3A_349, %add3A_392 : i32
          %add3A_394 = arith.constant 3 : i32
          %add3A_395 = arith.addi %add3A_393, %add3A_394 : i32
          %dma_start3A_396 = arith.constant 0 : i32
          %dma_start3A_397 = tpu.memref_slice %arg4[%add3A, %add3A_395, %dma_start3A_396] : memref<32x125x80xi32, #tpu.memory_space<hbm>> -> memref<1x1x80xi32, #tpu.memory_space<hbm>>
          %dma_start3A_398 = tpu.memref_squeeze %dma_start3A_397 : memref<1x1x80xi32, #tpu.memory_space<hbm>> -> memref<1x80xi32, #tpu.memory_space<hbm>>
          %dma_start3A_399 = arith.constant 0 : i32
          %dma_start3A_400 = tpu.memref_slice %arg4[%add3A, %add3A_395, %dma_start3A_399] : memref<32x125x80xi32, #tpu.memory_space<hbm>> -> memref<1x1x80xi32, #tpu.memory_space<hbm>>
          %dma_start3A_401 = tpu.memref_squeeze %dma_start3A_400 : memref<1x1x80xi32, #tpu.memory_space<hbm>> -> memref<1x80xi32, #tpu.memory_space<hbm>>
          tpu.enqueue_dma source(%dma_start3A_401 : memref<1x80xi32, #tpu.memory_space<hbm>>) target(%arg7 : memref<1x80xi32, #tpu.memory_space<vmem>>) target_semaphore(%arg14 : memref<!tpu.dma_semaphore, #tpu.memory_space<semaphore_mem>>)
          %dma_start3A_402 = arith.constant 0 : i32
          %dma_start3A_403 = tpu.memref_slice %arg6[%add3A_395, %dma_start3A_402] : memref<125x80xi32, #tpu.memory_space<vmem>> -> memref<1x80xi32, #tpu.memory_space<vmem>>
          %dma_start3A_404 = tpu.memref_squeeze %dma_start3A_403 : memref<1x80xi32, #tpu.memory_space<vmem>> -> memref<80xi32, #tpu.memory_space<vmem>>
          %dma_start3A_405 = arith.constant 0 : i32
          %dma_start3A_406 = arith.constant 0 : i32
          %dma_start3A_407 = tpu.memref_slice %arg2[%dma_start3A_405, %dma_start3A_406] : memref<10000x128xf32, #tpu.memory_space<hbm>> -> memref<10000x128xf32, #tpu.memory_space<hbm>>
          tpu.enqueue_indirect_dma source(%dma_start3A_407 : memref<10000x128xf32, #tpu.memory_space<hbm>>) target(%arg10 : memref<80x128xf32, #tpu.memory_space<vmem>>) offsets(%dma_start3A_404 : memref<80xi32, #tpu.memory_space<vmem>>) semaphore(%arg14 : memref<!tpu.dma_semaphore, #tpu.memory_space<semaphore_mem>>)
        } else {
        }
      } else {
      }
      %add3A_354 = arith.constant 1 : i32
      %add3A_355 = arith.addi %mul3A_349, %add3A_354 : i32
      %lt3A_356 = arith.constant 125 : i32
      %lt3A_357 = arith.cmpi slt, %add3A_355, %lt3A_356 : i32
      %convert_element_type3A_358 = arith.extui %lt3A_357 : i1 to i32
      %cond3A_359 = arith.constant 0 : i32
      %cond3A_360 = arith.cmpi ne, %convert_element_type3A_358, %cond3A_359 : i32
      scf.if %cond3A_360 {
        %add3A_369 = arith.constant 1 : i32
        %add3A_370 = arith.addi %mul3A_349, %add3A_369 : i32
        %dma_wait3A_371 = arith.constant 0 : i32
        %dma_wait3A_372 = tpu.memref_slice %arg4[%add3A, %add3A_370, %dma_wait3A_371] : memref<32x125x80xi32, #tpu.memory_space<hbm>> -> memref<1x1x80xi32, #tpu.memory_space<hbm>>
        %dma_wait3A_373 = tpu.memref_squeeze %dma_wait3A_372 : memref<1x1x80xi32, #tpu.memory_space<hbm>> -> memref<1x80xi32, #tpu.memory_space<hbm>>
        %dma_wait3A_374 = arith.constant 0 : i32
        %dma_wait3A_375 = tpu.memref_slice %arg4[%add3A, %add3A_370, %dma_wait3A_374] : memref<32x125x80xi32, #tpu.memory_space<hbm>> -> memref<1x1x80xi32, #tpu.memory_space<hbm>>
        %dma_wait3A_376 = tpu.memref_squeeze %dma_wait3A_375 : memref<1x1x80xi32, #tpu.memory_space<hbm>> -> memref<1x80xi32, #tpu.memory_space<hbm>>
        tpu.wait_dma2 semaphore(%arg15 : memref<!tpu.dma_semaphore, #tpu.memory_space<semaphore_mem>>) src(%dma_wait3A_376 : memref<1x80xi32, #tpu.memory_space<hbm>>) dst(%arg8 : memref<1x80xi32, #tpu.memory_space<vmem>>)
        %dma_wait3A_377 = arith.constant 0 : i32
        %dma_wait3A_378 = tpu.memref_slice %arg6[%add3A_370, %dma_wait3A_377] : memref<125x80xi32, #tpu.memory_space<vmem>> -> memref<1x80xi32, #tpu.memory_space<vmem>>
        %dma_wait3A_379 = tpu.memref_squeeze %dma_wait3A_378 : memref<1x80xi32, #tpu.memory_space<vmem>> -> memref<80xi32, #tpu.memory_space<vmem>>
        %dma_wait3A_380 = arith.constant 0 : i32
        %dma_wait3A_381 = arith.constant 0 : i32
        %dma_wait3A_382 = tpu.memref_slice %arg2[%dma_wait3A_380, %dma_wait3A_381] : memref<10000x128xf32, #tpu.memory_space<hbm>> -> memref<10000x128xf32, #tpu.memory_space<hbm>>
        tpu.wait_indirect_dma semaphore(%arg15 : memref<!tpu.dma_semaphore, #tpu.memory_space<semaphore_mem>>) src(%dma_wait3A_382 : memref<10000x128xf32, #tpu.memory_space<hbm>>) dst(%arg11 : memref<80x128xf32, #tpu.memory_space<vmem>>)
        %run_scoped3A = arith.constant 0 : i32
        "tpu.region"() ({
          %run_scoped3A_392 = tpu.sem_alloc : memref<!tpu.dma_semaphore, #tpu.memory_space<semaphore_mem>>
          %dma_start3A_393 = arith.constant 0 : i32
          %dma_start3A_394 = tpu.memref_slice %arg8[%run_scoped3A, %dma_start3A_393] : memref<1x80xi32, #tpu.memory_space<vmem>> -> memref<1x80xi32, #tpu.memory_space<vmem>>
          %dma_start3A_395 = tpu.memref_squeeze %dma_start3A_394 : memref<1x80xi32, #tpu.memory_space<vmem>> -> memref<80xi32, #tpu.memory_space<vmem>>
          %dma_start3A_396 = arith.constant 0 : i32
          %dma_start3A_397 = arith.constant 0 : i32
          %dma_start3A_398 = tpu.memref_slice %arg13[%dma_start3A_396, %dma_start3A_397] : memref<10240x128xf32, #tpu.memory_space<vmem_shared>> -> memref<10240x128xf32, #tpu.memory_space<vmem_shared>>
          tpu.enqueue_indirect_dma source(%arg11 : memref<80x128xf32, #tpu.memory_space<vmem>>) target(%dma_start3A_398 : memref<10240x128xf32, #tpu.memory_space<vmem_shared>>) offsets(%dma_start3A_395 : memref<80xi32, #tpu.memory_space<vmem>>) semaphore(%run_scoped3A_392 : memref<!tpu.dma_semaphore, #tpu.memory_space<semaphore_mem>>) {add = true}
          %dma_wait3A_399 = arith.constant 0 : i32
          %dma_wait3A_400 = tpu.memref_slice %arg8[%run_scoped3A, %dma_wait3A_399] : memref<1x80xi32, #tpu.memory_space<vmem>> -> memref<1x80xi32, #tpu.memory_space<vmem>>
          %dma_wait3A_401 = tpu.memref_squeeze %dma_wait3A_400 : memref<1x80xi32, #tpu.memory_space<vmem>> -> memref<80xi32, #tpu.memory_space<vmem>>
          %dma_wait3A_402 = arith.constant 0 : i32
          %dma_wait3A_403 = arith.constant 0 : i32
          %dma_wait3A_404 = tpu.memref_slice %arg13[%dma_wait3A_402, %dma_wait3A_403] : memref<10240x128xf32, #tpu.memory_space<vmem_shared>> -> memref<10240x128xf32, #tpu.memory_space<vmem_shared>>
          tpu.wait_indirect_dma semaphore(%run_scoped3A_392 : memref<!tpu.dma_semaphore, #tpu.memory_space<semaphore_mem>>) src(%arg11 : memref<80x128xf32, #tpu.memory_space<vmem>>) dst(%dma_wait3A_404 : memref<10240x128xf32, #tpu.memory_space<vmem_shared>>)
          tpu.yield
        }) : () -> ()
        %add3A_383 = arith.constant 1 : i32
        %add3A_384 = arith.addi %mul3A_349, %add3A_383 : i32
        %add3A_385 = arith.constant 3 : i32
        %add3A_386 = arith.addi %add3A_384, %add3A_385 : i32
        %lt3A_387 = arith.constant 125 : i32
        %lt3A_388 = arith.cmpi slt, %add3A_386, %lt3A_387 : i32
        %convert_element_type3A_389 = arith.extui %lt3A_388 : i1 to i32
        %cond3A_390 = arith.constant 0 : i32
        %cond3A_391 = arith.cmpi ne, %convert_element_type3A_389, %cond3A_390 : i32
        scf.if %cond3A_391 {
          %add3A_392 = arith.constant 1 : i32
          %add3A_393 = arith.addi %mul3A_349, %add3A_392 : i32
          %add3A_394 = arith.constant 3 : i32
          %add3A_395 = arith.addi %add3A_393, %add3A_394 : i32
          %dma_start3A_396 = arith.constant 0 : i32
          %dma_start3A_397 = tpu.memref_slice %arg4[%add3A, %add3A_395, %dma_start3A_396] : memref<32x125x80xi32, #tpu.memory_space<hbm>> -> memref<1x1x80xi32, #tpu.memory_space<hbm>>
          %dma_start3A_398 = tpu.memref_squeeze %dma_start3A_397 : memref<1x1x80xi32, #tpu.memory_space<hbm>> -> memref<1x80xi32, #tpu.memory_space<hbm>>
          %dma_start3A_399 = arith.constant 0 : i32
          %dma_start3A_400 = tpu.memref_slice %arg4[%add3A, %add3A_395, %dma_start3A_399] : memref<32x125x80xi32, #tpu.memory_space<hbm>> -> memref<1x1x80xi32, #tpu.memory_space<hbm>>
          %dma_start3A_401 = tpu.memref_squeeze %dma_start3A_400 : memref<1x1x80xi32, #tpu.memory_space<hbm>> -> memref<1x80xi32, #tpu.memory_space<hbm>>
          tpu.enqueue_dma source(%dma_start3A_401 : memref<1x80xi32, #tpu.memory_space<hbm>>) target(%arg8 : memref<1x80xi32, #tpu.memory_space<vmem>>) target_semaphore(%arg15 : memref<!tpu.dma_semaphore, #tpu.memory_space<semaphore_mem>>)
          %dma_start3A_402 = arith.constant 0 : i32
          %dma_start3A_403 = tpu.memref_slice %arg6[%add3A_395, %dma_start3A_402] : memref<125x80xi32, #tpu.memory_space<vmem>> -> memref<1x80xi32, #tpu.memory_space<vmem>>
          %dma_start3A_404 = tpu.memref_squeeze %dma_start3A_403 : memref<1x80xi32, #tpu.memory_space<vmem>> -> memref<80xi32, #tpu.memory_space<vmem>>
          %dma_start3A_405 = arith.constant 0 : i32
          %dma_start3A_406 = arith.constant 0 : i32
          %dma_start3A_407 = tpu.memref_slice %arg2[%dma_start3A_405, %dma_start3A_406] : memref<10000x128xf32, #tpu.memory_space<hbm>> -> memref<10000x128xf32, #tpu.memory_space<hbm>>
          tpu.enqueue_indirect_dma source(%dma_start3A_407 : memref<10000x128xf32, #tpu.memory_space<hbm>>) target(%arg11 : memref<80x128xf32, #tpu.memory_space<vmem>>) offsets(%dma_start3A_404 : memref<80xi32, #tpu.memory_space<vmem>>) semaphore(%arg15 : memref<!tpu.dma_semaphore, #tpu.memory_space<semaphore_mem>>)
        } else {
        }
      } else {
      }
      %add3A_361 = arith.constant 2 : i32
      %add3A_362 = arith.addi %mul3A_349, %add3A_361 : i32
      %lt3A_363 = arith.constant 125 : i32
      %lt3A_364 = arith.cmpi slt, %add3A_362, %lt3A_363 : i32
      %convert_element_type3A_365 = arith.extui %lt3A_364 : i1 to i32
      %cond3A_366 = arith.constant 0 : i32
      %cond3A_367 = arith.cmpi ne, %convert_element_type3A_365, %cond3A_366 : i32
      scf.if %cond3A_367 {
        %add3A_369 = arith.constant 2 : i32
        %add3A_370 = arith.addi %mul3A_349, %add3A_369 : i32
        %dma_wait3A_371 = arith.constant 0 : i32
        %dma_wait3A_372 = tpu.memref_slice %arg4[%add3A, %add3A_370, %dma_wait3A_371] : memref<32x125x80xi32, #tpu.memory_space<hbm>> -> memref<1x1x80xi32, #tpu.memory_space<hbm>>
        %dma_wait3A_373 = tpu.memref_squeeze %dma_wait3A_372 : memref<1x1x80xi32, #tpu.memory_space<hbm>> -> memref<1x80xi32, #tpu.memory_space<hbm>>
        %dma_wait3A_374 = arith.constant 0 : i32
        %dma_wait3A_375 = tpu.memref_slice %arg4[%add3A, %add3A_370, %dma_wait3A_374] : memref<32x125x80xi32, #tpu.memory_space<hbm>> -> memref<1x1x80xi32, #tpu.memory_space<hbm>>
        %dma_wait3A_376 = tpu.memref_squeeze %dma_wait3A_375 : memref<1x1x80xi32, #tpu.memory_space<hbm>> -> memref<1x80xi32, #tpu.memory_space<hbm>>
        tpu.wait_dma2 semaphore(%arg16 : memref<!tpu.dma_semaphore, #tpu.memory_space<semaphore_mem>>) src(%dma_wait3A_376 : memref<1x80xi32, #tpu.memory_space<hbm>>) dst(%arg9 : memref<1x80xi32, #tpu.memory_space<vmem>>)
        %dma_wait3A_377 = arith.constant 0 : i32
        %dma_wait3A_378 = tpu.memref_slice %arg6[%add3A_370, %dma_wait3A_377] : memref<125x80xi32, #tpu.memory_space<vmem>> -> memref<1x80xi32, #tpu.memory_space<vmem>>
        %dma_wait3A_379 = tpu.memref_squeeze %dma_wait3A_378 : memref<1x80xi32, #tpu.memory_space<vmem>> -> memref<80xi32, #tpu.memory_space<vmem>>
        %dma_wait3A_380 = arith.constant 0 : i32
        %dma_wait3A_381 = arith.constant 0 : i32
        %dma_wait3A_382 = tpu.memref_slice %arg2[%dma_wait3A_380, %dma_wait3A_381] : memref<10000x128xf32, #tpu.memory_space<hbm>> -> memref<10000x128xf32, #tpu.memory_space<hbm>>
        tpu.wait_indirect_dma semaphore(%arg16 : memref<!tpu.dma_semaphore, #tpu.memory_space<semaphore_mem>>) src(%dma_wait3A_382 : memref<10000x128xf32, #tpu.memory_space<hbm>>) dst(%arg12 : memref<80x128xf32, #tpu.memory_space<vmem>>)
        %run_scoped3A = arith.constant 0 : i32
        "tpu.region"() ({
          %run_scoped3A_392 = tpu.sem_alloc : memref<!tpu.dma_semaphore, #tpu.memory_space<semaphore_mem>>
          %dma_start3A_393 = arith.constant 0 : i32
          %dma_start3A_394 = tpu.memref_slice %arg9[%run_scoped3A, %dma_start3A_393] : memref<1x80xi32, #tpu.memory_space<vmem>> -> memref<1x80xi32, #tpu.memory_space<vmem>>
          %dma_start3A_395 = tpu.memref_squeeze %dma_start3A_394 : memref<1x80xi32, #tpu.memory_space<vmem>> -> memref<80xi32, #tpu.memory_space<vmem>>
          %dma_start3A_396 = arith.constant 0 : i32
          %dma_start3A_397 = arith.constant 0 : i32
          %dma_start3A_398 = tpu.memref_slice %arg13[%dma_start3A_396, %dma_start3A_397] : memref<10240x128xf32, #tpu.memory_space<vmem_shared>> -> memref<10240x128xf32, #tpu.memory_space<vmem_shared>>
          tpu.enqueue_indirect_dma source(%arg12 : memref<80x128xf32, #tpu.memory_space<vmem>>) target(%dma_start3A_398 : memref<10240x128xf32, #tpu.memory_space<vmem_shared>>) offsets(%dma_start3A_395 : memref<80xi32, #tpu.memory_space<vmem>>) semaphore(%run_scoped3A_392 : memref<!tpu.dma_semaphore, #tpu.memory_space<semaphore_mem>>) {add = true}
          %dma_wait3A_399 = arith.constant 0 : i32
          %dma_wait3A_400 = tpu.memref_slice %arg9[%run_scoped3A, %dma_wait3A_399] : memref<1x80xi32, #tpu.memory_space<vmem>> -> memref<1x80xi32, #tpu.memory_space<vmem>>
          %dma_wait3A_401 = tpu.memref_squeeze %dma_wait3A_400 : memref<1x80xi32, #tpu.memory_space<vmem>> -> memref<80xi32, #tpu.memory_space<vmem>>
          %dma_wait3A_402 = arith.constant 0 : i32
          %dma_wait3A_403 = arith.constant 0 : i32
          %dma_wait3A_404 = tpu.memref_slice %arg13[%dma_wait3A_402, %dma_wait3A_403] : memref<10240x128xf32, #tpu.memory_space<vmem_shared>> -> memref<10240x128xf32, #tpu.memory_space<vmem_shared>>
          tpu.wait_indirect_dma semaphore(%run_scoped3A_392 : memref<!tpu.dma_semaphore, #tpu.memory_space<semaphore_mem>>) src(%arg12 : memref<80x128xf32, #tpu.memory_space<vmem>>) dst(%dma_wait3A_404 : memref<10240x128xf32, #tpu.memory_space<vmem_shared>>)
          tpu.yield
        }) : () -> ()
        %add3A_383 = arith.constant 2 : i32
        %add3A_384 = arith.addi %mul3A_349, %add3A_383 : i32
        %add3A_385 = arith.constant 3 : i32
        %add3A_386 = arith.addi %add3A_384, %add3A_385 : i32
        %lt3A_387 = arith.constant 125 : i32
        %lt3A_388 = arith.cmpi slt, %add3A_386, %lt3A_387 : i32
        %convert_element_type3A_389 = arith.extui %lt3A_388 : i1 to i32
        %cond3A_390 = arith.constant 0 : i32
        %cond3A_391 = arith.cmpi ne, %convert_element_type3A_389, %cond3A_390 : i32
        scf.if %cond3A_391 {
          %add3A_392 = arith.constant 2 : i32
          %add3A_393 = arith.addi %mul3A_349, %add3A_392 : i32
          %add3A_394 = arith.constant 3 : i32
          %add3A_395 = arith.addi %add3A_393, %add3A_394 : i32
          %dma_start3A_396 = arith.constant 0 : i32
          %dma_start3A_397 = tpu.memref_slice %arg4[%add3A, %add3A_395, %dma_start3A_396] : memref<32x125x80xi32, #tpu.memory_space<hbm>> -> memref<1x1x80xi32, #tpu.memory_space<hbm>>
          %dma_start3A_398 = tpu.memref_squeeze %dma_start3A_397 : memref<1x1x80xi32, #tpu.memory_space<hbm>> -> memref<1x80xi32, #tpu.memory_space<hbm>>
          %dma_start3A_399 = arith.constant 0 : i32
          %dma_start3A_400 = tpu.memref_slice %arg4[%add3A, %add3A_395, %dma_start3A_399] : memref<32x125x80xi32, #tpu.memory_space<hbm>> -> memref<1x1x80xi32, #tpu.memory_space<hbm>>
          %dma_start3A_401 = tpu.memref_squeeze %dma_start3A_400 : memref<1x1x80xi32, #tpu.memory_space<hbm>> -> memref<1x80xi32, #tpu.memory_space<hbm>>
          tpu.enqueue_dma source(%dma_start3A_401 : memref<1x80xi32, #tpu.memory_space<hbm>>) target(%arg9 : memref<1x80xi32, #tpu.memory_space<vmem>>) target_semaphore(%arg16 : memref<!tpu.dma_semaphore, #tpu.memory_space<semaphore_mem>>)
          %dma_start3A_402 = arith.constant 0 : i32
          %dma_start3A_403 = tpu.memref_slice %arg6[%add3A_395, %dma_start3A_402] : memref<125x80xi32, #tpu.memory_space<vmem>> -> memref<1x80xi32, #tpu.memory_space<vmem>>
          %dma_start3A_404 = tpu.memref_squeeze %dma_start3A_403 : memref<1x80xi32, #tpu.memory_space<vmem>> -> memref<80xi32, #tpu.memory_space<vmem>>
          %dma_start3A_405 = arith.constant 0 : i32
          %dma_start3A_406 = arith.constant 0 : i32
          %dma_start3A_407 = tpu.memref_slice %arg2[%dma_start3A_405, %dma_start3A_406] : memref<10000x128xf32, #tpu.memory_space<hbm>> -> memref<10000x128xf32, #tpu.memory_space<hbm>>
          tpu.enqueue_indirect_dma source(%dma_start3A_407 : memref<10000x128xf32, #tpu.memory_space<hbm>>) target(%arg12 : memref<80x128xf32, #tpu.memory_space<vmem>>) offsets(%dma_start3A_404 : memref<80xi32, #tpu.memory_space<vmem>>) semaphore(%arg16 : memref<!tpu.dma_semaphore, #tpu.memory_space<semaphore_mem>>)
        } else {
        }
      } else {
      }
      %scan3A_368 = arith.constant 0 : i32
      scf.yield %scan3A_368 : i32
    }
    %scan3A_184 = arith.constant 42 : i32
    %barrier3A_185 = arith.constant 0 : index
    tpu.barrier barrier_id(%barrier3A_185)
    %mul3A_186 = arith.constant 640 : i32
    %mul3A_187 = arith.muli %arg1, %mul3A_186 : i32
    %add3A_188 = arith.constant 0 : i32
    %add3A_189 = arith.addi %mul3A_187, %add3A_188 : i32
    "tpu.region"() ({
      %run_scoped3A = tpu.sem_alloc : memref<!tpu.dma_semaphore, #tpu.memory_space<semaphore_mem>>
      %dma_start3A_346 = arith.constant 0 : i32
      %dma_start3A_347 = tpu.memref_slice %arg13[%add3A_189, %dma_start3A_346] : memref<10240x128xf32, #tpu.memory_space<vmem_shared>> -> memref<80x128xf32, #tpu.memory_space<vmem_shared>>
      %dma_start3A_348 = arith.constant 0 : i32
      %dma_start3A_349 = tpu.memref_slice %arg13[%add3A_189, %dma_start3A_348] : memref<10240x128xf32, #tpu.memory_space<vmem_shared>> -> memref<80x128xf32, #tpu.memory_space<vmem_shared>>
      tpu.enqueue_dma source(%dma_start3A_349 : memref<80x128xf32, #tpu.memory_space<vmem_shared>>) target(%arg10 : memref<80x128xf32, #tpu.memory_space<vmem>>) target_semaphore(%run_scoped3A : memref<!tpu.dma_semaphore, #tpu.memory_space<semaphore_mem>>)
      %dma_wait3A_350 = arith.constant 0 : i32
      %dma_wait3A_351 = tpu.memref_slice %arg13[%add3A_189, %dma_wait3A_350] : memref<10240x128xf32, #tpu.memory_space<vmem_shared>> -> memref<80x128xf32, #tpu.memory_space<vmem_shared>>
      %dma_wait3A_352 = arith.constant 0 : i32
      %dma_wait3A_353 = tpu.memref_slice %arg13[%add3A_189, %dma_wait3A_352] : memref<10240x128xf32, #tpu.memory_space<vmem_shared>> -> memref<80x128xf32, #tpu.memory_space<vmem_shared>>
      tpu.wait_dma2 semaphore(%run_scoped3A : memref<!tpu.dma_semaphore, #tpu.memory_space<semaphore_mem>>) src(%dma_wait3A_353 : memref<80x128xf32, #tpu.memory_space<vmem_shared>>) dst(%arg10 : memref<80x128xf32, #tpu.memory_space<vmem>>)
      tpu.yield
    }) : () -> ()
    %dma_start3A_190 = arith.constant 0 : i32
    %dma_start3A_191 = tpu.memref_slice %arg5[%arg0, %add3A_189, %dma_start3A_190] : memref<2x10240x128xf32, #tpu.memory_space<hbm>> -> memref<1x80x128xf32, #tpu.memory_space<hbm>>
    %dma_start3A_192 = tpu.memref_squeeze %dma_start3A_191 : memref<1x80x128xf32, #tpu.memory_space<hbm>> -> memref<80x128xf32, #tpu.memory_space<hbm>>
    %dma_start3A_193 = arith.constant 0 : i32
    %dma_start3A_194 = tpu.memref_slice %arg5[%arg0, %add3A_189, %dma_start3A_193] : memref<2x10240x128xf32, #tpu.memory_space<hbm>> -> memref<1x80x128xf32, #tpu.memory_space<hbm>>
    %dma_start3A_195 = tpu.memref_squeeze %dma_start3A_194 : memref<1x80x128xf32, #tpu.memory_space<hbm>> -> memref<80x128xf32, #tpu.memory_space<hbm>>
    tpu.enqueue_dma source(%arg10 : memref<80x128xf32, #tpu.memory_space<vmem>>) target(%dma_start3A_195 : memref<80x128xf32, #tpu.memory_space<hbm>>) target_semaphore(%arg14 : memref<!tpu.dma_semaphore, #tpu.memory_space<semaphore_mem>>)
    %mul3A_196 = arith.constant 640 : i32
    %mul3A_197 = arith.muli %arg1, %mul3A_196 : i32
    %add3A_198 = arith.constant 80 : i32
    %add3A_199 = arith.addi %mul3A_197, %add3A_198 : i32
    "tpu.region"() ({
      %run_scoped3A = tpu.sem_alloc : memref<!tpu.dma_semaphore, #tpu.memory_space<semaphore_mem>>
      %dma_start3A_346 = arith.constant 0 : i32
      %dma_start3A_347 = tpu.memref_slice %arg13[%add3A_199, %dma_start3A_346] : memref<10240x128xf32, #tpu.memory_space<vmem_shared>> -> memref<80x128xf32, #tpu.memory_space<vmem_shared>>
      %dma_start3A_348 = arith.constant 0 : i32
      %dma_start3A_349 = tpu.memref_slice %arg13[%add3A_199, %dma_start3A_348] : memref<10240x128xf32, #tpu.memory_space<vmem_shared>> -> memref<80x128xf32, #tpu.memory_space<vmem_shared>>
      tpu.enqueue_dma source(%dma_start3A_349 : memref<80x128xf32, #tpu.memory_space<vmem_shared>>) target(%arg11 : memref<80x128xf32, #tpu.memory_space<vmem>>) target_semaphore(%run_scoped3A : memref<!tpu.dma_semaphore, #tpu.memory_space<semaphore_mem>>)
      %dma_wait3A_350 = arith.constant 0 : i32
      %dma_wait3A_351 = tpu.memref_slice %arg13[%add3A_199, %dma_wait3A_350] : memref<10240x128xf32, #tpu.memory_space<vmem_shared>> -> memref<80x128xf32, #tpu.memory_space<vmem_shared>>
      %dma_wait3A_352 = arith.constant 0 : i32
      %dma_wait3A_353 = tpu.memref_slice %arg13[%add3A_199, %dma_wait3A_352] : memref<10240x128xf32, #tpu.memory_space<vmem_shared>> -> memref<80x128xf32, #tpu.memory_space<vmem_shared>>
      tpu.wait_dma2 semaphore(%run_scoped3A : memref<!tpu.dma_semaphore, #tpu.memory_space<semaphore_mem>>) src(%dma_wait3A_353 : memref<80x128xf32, #tpu.memory_space<vmem_shared>>) dst(%arg11 : memref<80x128xf32, #tpu.memory_space<vmem>>)
      tpu.yield
    }) : () -> ()
    %dma_start3A_200 = arith.constant 0 : i32
    %dma_start3A_201 = tpu.memref_slice %arg5[%arg0, %add3A_199, %dma_start3A_200] : memref<2x10240x128xf32, #tpu.memory_space<hbm>> -> memref<1x80x128xf32, #tpu.memory_space<hbm>>
    %dma_start3A_202 = tpu.memref_squeeze %dma_start3A_201 : memref<1x80x128xf32, #tpu.memory_space<hbm>> -> memref<80x128xf32, #tpu.memory_space<hbm>>
    %dma_start3A_203 = arith.constant 0 : i32
    %dma_start3A_204 = tpu.memref_slice %arg5[%arg0, %add3A_199, %dma_start3A_203] : memref<2x10240x128xf32, #tpu.memory_space<hbm>> -> memref<1x80x128xf32, #tpu.memory_space<hbm>>
    %dma_start3A_205 = tpu.memref_squeeze %dma_start3A_204 : memref<1x80x128xf32, #tpu.memory_space<hbm>> -> memref<80x128xf32, #tpu.memory_space<hbm>>
    tpu.enqueue_dma source(%arg11 : memref<80x128xf32, #tpu.memory_space<vmem>>) target(%dma_start3A_205 : memref<80x128xf32, #tpu.memory_space<hbm>>) target_semaphore(%arg15 : memref<!tpu.dma_semaphore, #tpu.memory_space<semaphore_mem>>)
    %mul3A_206 = arith.constant 640 : i32
    %mul3A_207 = arith.muli %arg1, %mul3A_206 : i32
    %add3A_208 = arith.constant 160 : i32
    %add3A_209 = arith.addi %mul3A_207, %add3A_208 : i32
    %mul3A_210 = arith.constant 640 : i32
    %mul3A_211 = arith.muli %arg1, %mul3A_210 : i32
    %add3A_212 = arith.constant 0 : i32
    %add3A_213 = arith.addi %mul3A_211, %add3A_212 : i32
    %dma_wait3A_214 = arith.constant 0 : i32
    %dma_wait3A_215 = tpu.memref_slice %arg5[%arg0, %add3A_213, %dma_wait3A_214] : memref<2x10240x128xf32, #tpu.memory_space<hbm>> -> memref<1x80x128xf32, #tpu.memory_space<hbm>>
    %dma_wait3A_216 = tpu.memref_squeeze %dma_wait3A_215 : memref<1x80x128xf32, #tpu.memory_space<hbm>> -> memref<80x128xf32, #tpu.memory_space<hbm>>
    %dma_wait3A_217 = arith.constant 0 : i32
    %dma_wait3A_218 = tpu.memref_slice %arg5[%arg0, %add3A_213, %dma_wait3A_217] : memref<2x10240x128xf32, #tpu.memory_space<hbm>> -> memref<1x80x128xf32, #tpu.memory_space<hbm>>
    %dma_wait3A_219 = tpu.memref_squeeze %dma_wait3A_218 : memref<1x80x128xf32, #tpu.memory_space<hbm>> -> memref<80x128xf32, #tpu.memory_space<hbm>>
    tpu.wait_dma2 semaphore(%arg14 : memref<!tpu.dma_semaphore, #tpu.memory_space<semaphore_mem>>) src(%arg10 : memref<80x128xf32, #tpu.memory_space<vmem>>) dst(%dma_wait3A_219 : memref<80x128xf32, #tpu.memory_space<hbm>>)
    "tpu.region"() ({
      %run_scoped3A = tpu.sem_alloc : memref<!tpu.dma_semaphore, #tpu.memory_space<semaphore_mem>>
      %dma_start3A_346 = arith.constant 0 : i32
      %dma_start3A_347 = tpu.memref_slice %arg13[%add3A_209, %dma_start3A_346] : memref<10240x128xf32, #tpu.memory_space<vmem_shared>> -> memref<80x128xf32, #tpu.memory_space<vmem_shared>>
      %dma_start3A_348 = arith.constant 0 : i32
      %dma_start3A_349 = tpu.memref_slice %arg13[%add3A_209, %dma_start3A_348] : memref<10240x128xf32, #tpu.memory_space<vmem_shared>> -> memref<80x128xf32, #tpu.memory_space<vmem_shared>>
      tpu.enqueue_dma source(%dma_start3A_349 : memref<80x128xf32, #tpu.memory_space<vmem_shared>>) target(%arg10 : memref<80x128xf32, #tpu.memory_space<vmem>>) target_semaphore(%run_scoped3A : memref<!tpu.dma_semaphore, #tpu.memory_space<semaphore_mem>>)
      %dma_wait3A_350 = arith.constant 0 : i32
      %dma_wait3A_351 = tpu.memref_slice %arg13[%add3A_209, %dma_wait3A_350] : memref<10240x128xf32, #tpu.memory_space<vmem_shared>> -> memref<80x128xf32, #tpu.memory_space<vmem_shared>>
      %dma_wait3A_352 = arith.constant 0 : i32
      %dma_wait3A_353 = tpu.memref_slice %arg13[%add3A_209, %dma_wait3A_352] : memref<10240x128xf32, #tpu.memory_space<vmem_shared>> -> memref<80x128xf32, #tpu.memory_space<vmem_shared>>
      tpu.wait_dma2 semaphore(%run_scoped3A : memref<!tpu.dma_semaphore, #tpu.memory_space<semaphore_mem>>) src(%dma_wait3A_353 : memref<80x128xf32, #tpu.memory_space<vmem_shared>>) dst(%arg10 : memref<80x128xf32, #tpu.memory_space<vmem>>)
      tpu.yield
    }) : () -> ()
    %dma_start3A_220 = arith.constant 0 : i32
    %dma_start3A_221 = tpu.memref_slice %arg5[%arg0, %add3A_209, %dma_start3A_220] : memref<2x10240x128xf32, #tpu.memory_space<hbm>> -> memref<1x80x128xf32, #tpu.memory_space<hbm>>
    %dma_start3A_222 = tpu.memref_squeeze %dma_start3A_221 : memref<1x80x128xf32, #tpu.memory_space<hbm>> -> memref<80x128xf32, #tpu.memory_space<hbm>>
    %dma_start3A_223 = arith.constant 0 : i32
    %dma_start3A_224 = tpu.memref_slice %arg5[%arg0, %add3A_209, %dma_start3A_223] : memref<2x10240x128xf32, #tpu.memory_space<hbm>> -> memref<1x80x128xf32, #tpu.memory_space<hbm>>
    %dma_start3A_225 = tpu.memref_squeeze %dma_start3A_224 : memref<1x80x128xf32, #tpu.memory_space<hbm>> -> memref<80x128xf32, #tpu.memory_space<hbm>>
    tpu.enqueue_dma source(%arg10 : memref<80x128xf32, #tpu.memory_space<vmem>>) target(%dma_start3A_225 : memref<80x128xf32, #tpu.memory_space<hbm>>) target_semaphore(%arg14 : memref<!tpu.dma_semaphore, #tpu.memory_space<semaphore_mem>>)
    %mul3A_226 = arith.constant 640 : i32
    %mul3A_227 = arith.muli %arg1, %mul3A_226 : i32
    %add3A_228 = arith.constant 240 : i32
    %add3A_229 = arith.addi %mul3A_227, %add3A_228 : i32
    %mul3A_230 = arith.constant 640 : i32
    %mul3A_231 = arith.muli %arg1, %mul3A_230 : i32
    %add3A_232 = arith.constant 80 : i32
    %add3A_233 = arith.addi %mul3A_231, %add3A_232 : i32
    %dma_wait3A_234 = arith.constant 0 : i32
    %dma_wait3A_235 = tpu.memref_slice %arg5[%arg0, %add3A_233, %dma_wait3A_234] : memref<2x10240x128xf32, #tpu.memory_space<hbm>> -> memref<1x80x128xf32, #tpu.memory_space<hbm>>
    %dma_wait3A_236 = tpu.memref_squeeze %dma_wait3A_235 : memref<1x80x128xf32, #tpu.memory_space<hbm>> -> memref<80x128xf32, #tpu.memory_space<hbm>>
    %dma_wait3A_237 = arith.constant 0 : i32
    %dma_wait3A_238 = tpu.memref_slice %arg5[%arg0, %add3A_233, %dma_wait3A_237] : memref<2x10240x128xf32, #tpu.memory_space<hbm>> -> memref<1x80x128xf32, #tpu.memory_space<hbm>>
    %dma_wait3A_239 = tpu.memref_squeeze %dma_wait3A_238 : memref<1x80x128xf32, #tpu.memory_space<hbm>> -> memref<80x128xf32, #tpu.memory_space<hbm>>
    tpu.wait_dma2 semaphore(%arg15 : memref<!tpu.dma_semaphore, #tpu.memory_space<semaphore_mem>>) src(%arg11 : memref<80x128xf32, #tpu.memory_space<vmem>>) dst(%dma_wait3A_239 : memref<80x128xf32, #tpu.memory_space<hbm>>)
    "tpu.region"() ({
      %run_scoped3A = tpu.sem_alloc : memref<!tpu.dma_semaphore, #tpu.memory_space<semaphore_mem>>
      %dma_start3A_346 = arith.constant 0 : i32
      %dma_start3A_347 = tpu.memref_slice %arg13[%add3A_229, %dma_start3A_346] : memref<10240x128xf32, #tpu.memory_space<vmem_shared>> -> memref<80x128xf32, #tpu.memory_space<vmem_shared>>
      %dma_start3A_348 = arith.constant 0 : i32
      %dma_start3A_349 = tpu.memref_slice %arg13[%add3A_229, %dma_start3A_348] : memref<10240x128xf32, #tpu.memory_space<vmem_shared>> -> memref<80x128xf32, #tpu.memory_space<vmem_shared>>
      tpu.enqueue_dma source(%dma_start3A_349 : memref<80x128xf32, #tpu.memory_space<vmem_shared>>) target(%arg11 : memref<80x128xf32, #tpu.memory_space<vmem>>) target_semaphore(%run_scoped3A : memref<!tpu.dma_semaphore, #tpu.memory_space<semaphore_mem>>)
      %dma_wait3A_350 = arith.constant 0 : i32
      %dma_wait3A_351 = tpu.memref_slice %arg13[%add3A_229, %dma_wait3A_350] : memref<10240x128xf32, #tpu.memory_space<vmem_shared>> -> memref<80x128xf32, #tpu.memory_space<vmem_shared>>
      %dma_wait3A_352 = arith.constant 0 : i32
      %dma_wait3A_353 = tpu.memref_slice %arg13[%add3A_229, %dma_wait3A_352] : memref<10240x128xf32, #tpu.memory_space<vmem_shared>> -> memref<80x128xf32, #tpu.memory_space<vmem_shared>>
      tpu.wait_dma2 semaphore(%run_scoped3A : memref<!tpu.dma_semaphore, #tpu.memory_space<semaphore_mem>>) src(%dma_wait3A_353 : memref<80x128xf32, #tpu.memory_space<vmem_shared>>) dst(%arg11 : memref<80x128xf32, #tpu.memory_space<vmem>>)
      tpu.yield
    }) : () -> ()
    %dma_start3A_240 = arith.constant 0 : i32
    %dma_start3A_241 = tpu.memref_slice %arg5[%arg0, %add3A_229, %dma_start3A_240] : memref<2x10240x128xf32, #tpu.memory_space<hbm>> -> memref<1x80x128xf32, #tpu.memory_space<hbm>>
    %dma_start3A_242 = tpu.memref_squeeze %dma_start3A_241 : memref<1x80x128xf32, #tpu.memory_space<hbm>> -> memref<80x128xf32, #tpu.memory_space<hbm>>
    %dma_start3A_243 = arith.constant 0 : i32
    %dma_start3A_244 = tpu.memref_slice %arg5[%arg0, %add3A_229, %dma_start3A_243] : memref<2x10240x128xf32, #tpu.memory_space<hbm>> -> memref<1x80x128xf32, #tpu.memory_space<hbm>>
    %dma_start3A_245 = tpu.memref_squeeze %dma_start3A_244 : memref<1x80x128xf32, #tpu.memory_space<hbm>> -> memref<80x128xf32, #tpu.memory_space<hbm>>
    tpu.enqueue_dma source(%arg11 : memref<80x128xf32, #tpu.memory_space<vmem>>) target(%dma_start3A_245 : memref<80x128xf32, #tpu.memory_space<hbm>>) target_semaphore(%arg15 : memref<!tpu.dma_semaphore, #tpu.memory_space<semaphore_mem>>)
    %mul3A_246 = arith.constant 640 : i32
    %mul3A_247 = arith.muli %arg1, %mul3A_246 : i32
    %add3A_248 = arith.constant 320 : i32
    %add3A_249 = arith.addi %mul3A_247, %add3A_248 : i32
    %mul3A_250 = arith.constant 640 : i32
    %mul3A_251 = arith.muli %arg1, %mul3A_250 : i32
    %add3A_252 = arith.constant 160 : i32
    %add3A_253 = arith.addi %mul3A_251, %add3A_252 : i32
    %dma_wait3A_254 = arith.constant 0 : i32
    %dma_wait3A_255 = tpu.memref_slice %arg5[%arg0, %add3A_253, %dma_wait3A_254] : memref<2x10240x128xf32, #tpu.memory_space<hbm>> -> memref<1x80x128xf32, #tpu.memory_space<hbm>>
    %dma_wait3A_256 = tpu.memref_squeeze %dma_wait3A_255 : memref<1x80x128xf32, #tpu.memory_space<hbm>> -> memref<80x128xf32, #tpu.memory_space<hbm>>
    %dma_wait3A_257 = arith.constant 0 : i32
    %dma_wait3A_258 = tpu.memref_slice %arg5[%arg0, %add3A_253, %dma_wait3A_257] : memref<2x10240x128xf32, #tpu.memory_space<hbm>> -> memref<1x80x128xf32, #tpu.memory_space<hbm>>
    %dma_wait3A_259 = tpu.memref_squeeze %dma_wait3A_258 : memref<1x80x128xf32, #tpu.memory_space<hbm>> -> memref<80x128xf32, #tpu.memory_space<hbm>>
    tpu.wait_dma2 semaphore(%arg14 : memref<!tpu.dma_semaphore, #tpu.memory_space<semaphore_mem>>) src(%arg10 : memref<80x128xf32, #tpu.memory_space<vmem>>) dst(%dma_wait3A_259 : memref<80x128xf32, #tpu.memory_space<hbm>>)
    "tpu.region"() ({
      %run_scoped3A = tpu.sem_alloc : memref<!tpu.dma_semaphore, #tpu.memory_space<semaphore_mem>>
      %dma_start3A_346 = arith.constant 0 : i32
      %dma_start3A_347 = tpu.memref_slice %arg13[%add3A_249, %dma_start3A_346] : memref<10240x128xf32, #tpu.memory_space<vmem_shared>> -> memref<80x128xf32, #tpu.memory_space<vmem_shared>>
      %dma_start3A_348 = arith.constant 0 : i32
      %dma_start3A_349 = tpu.memref_slice %arg13[%add3A_249, %dma_start3A_348] : memref<10240x128xf32, #tpu.memory_space<vmem_shared>> -> memref<80x128xf32, #tpu.memory_space<vmem_shared>>
      tpu.enqueue_dma source(%dma_start3A_349 : memref<80x128xf32, #tpu.memory_space<vmem_shared>>) target(%arg10 : memref<80x128xf32, #tpu.memory_space<vmem>>) target_semaphore(%run_scoped3A : memref<!tpu.dma_semaphore, #tpu.memory_space<semaphore_mem>>)
      %dma_wait3A_350 = arith.constant 0 : i32
      %dma_wait3A_351 = tpu.memref_slice %arg13[%add3A_249, %dma_wait3A_350] : memref<10240x128xf32, #tpu.memory_space<vmem_shared>> -> memref<80x128xf32, #tpu.memory_space<vmem_shared>>
      %dma_wait3A_352 = arith.constant 0 : i32
      %dma_wait3A_353 = tpu.memref_slice %arg13[%add3A_249, %dma_wait3A_352] : memref<10240x128xf32, #tpu.memory_space<vmem_shared>> -> memref<80x128xf32, #tpu.memory_space<vmem_shared>>
      tpu.wait_dma2 semaphore(%run_scoped3A : memref<!tpu.dma_semaphore, #tpu.memory_space<semaphore_mem>>) src(%dma_wait3A_353 : memref<80x128xf32, #tpu.memory_space<vmem_shared>>) dst(%arg10 : memref<80x128xf32, #tpu.memory_space<vmem>>)
      tpu.yield
    }) : () -> ()
    %dma_start3A_260 = arith.constant 0 : i32
    %dma_start3A_261 = tpu.memref_slice %arg5[%arg0, %add3A_249, %dma_start3A_260] : memref<2x10240x128xf32, #tpu.memory_space<hbm>> -> memref<1x80x128xf32, #tpu.memory_space<hbm>>
    %dma_start3A_262 = tpu.memref_squeeze %dma_start3A_261 : memref<1x80x128xf32, #tpu.memory_space<hbm>> -> memref<80x128xf32, #tpu.memory_space<hbm>>
    %dma_start3A_263 = arith.constant 0 : i32
    %dma_start3A_264 = tpu.memref_slice %arg5[%arg0, %add3A_249, %dma_start3A_263] : memref<2x10240x128xf32, #tpu.memory_space<hbm>> -> memref<1x80x128xf32, #tpu.memory_space<hbm>>
    %dma_start3A_265 = tpu.memref_squeeze %dma_start3A_264 : memref<1x80x128xf32, #tpu.memory_space<hbm>> -> memref<80x128xf32, #tpu.memory_space<hbm>>
    tpu.enqueue_dma source(%arg10 : memref<80x128xf32, #tpu.memory_space<vmem>>) target(%dma_start3A_265 : memref<80x128xf32, #tpu.memory_space<hbm>>) target_semaphore(%arg14 : memref<!tpu.dma_semaphore, #tpu.memory_space<semaphore_mem>>)
    %mul3A_266 = arith.constant 640 : i32
    %mul3A_267 = arith.muli %arg1, %mul3A_266 : i32
    %add3A_268 = arith.constant 400 : i32
    %add3A_269 = arith.addi %mul3A_267, %add3A_268 : i32
    %mul3A_270 = arith.constant 640 : i32
    %mul3A_271 = arith.muli %arg1, %mul3A_270 : i32
    %add3A_272 = arith.constant 240 : i32
    %add3A_273 = arith.addi %mul3A_271, %add3A_272 : i32
    %dma_wait3A_274 = arith.constant 0 : i32
    %dma_wait3A_275 = tpu.memref_slice %arg5[%arg0, %add3A_273, %dma_wait3A_274] : memref<2x10240x128xf32, #tpu.memory_space<hbm>> -> memref<1x80x128xf32, #tpu.memory_space<hbm>>
    %dma_wait3A_276 = tpu.memref_squeeze %dma_wait3A_275 : memref<1x80x128xf32, #tpu.memory_space<hbm>> -> memref<80x128xf32, #tpu.memory_space<hbm>>
    %dma_wait3A_277 = arith.constant 0 : i32
    %dma_wait3A_278 = tpu.memref_slice %arg5[%arg0, %add3A_273, %dma_wait3A_277] : memref<2x10240x128xf32, #tpu.memory_space<hbm>> -> memref<1x80x128xf32, #tpu.memory_space<hbm>>
    %dma_wait3A_279 = tpu.memref_squeeze %dma_wait3A_278 : memref<1x80x128xf32, #tpu.memory_space<hbm>> -> memref<80x128xf32, #tpu.memory_space<hbm>>
    tpu.wait_dma2 semaphore(%arg15 : memref<!tpu.dma_semaphore, #tpu.memory_space<semaphore_mem>>) src(%arg11 : memref<80x128xf32, #tpu.memory_space<vmem>>) dst(%dma_wait3A_279 : memref<80x128xf32, #tpu.memory_space<hbm>>)
    "tpu.region"() ({
      %run_scoped3A = tpu.sem_alloc : memref<!tpu.dma_semaphore, #tpu.memory_space<semaphore_mem>>
      %dma_start3A_346 = arith.constant 0 : i32
      %dma_start3A_347 = tpu.memref_slice %arg13[%add3A_269, %dma_start3A_346] : memref<10240x128xf32, #tpu.memory_space<vmem_shared>> -> memref<80x128xf32, #tpu.memory_space<vmem_shared>>
      %dma_start3A_348 = arith.constant 0 : i32
      %dma_start3A_349 = tpu.memref_slice %arg13[%add3A_269, %dma_start3A_348] : memref<10240x128xf32, #tpu.memory_space<vmem_shared>> -> memref<80x128xf32, #tpu.memory_space<vmem_shared>>
      tpu.enqueue_dma source(%dma_start3A_349 : memref<80x128xf32, #tpu.memory_space<vmem_shared>>) target(%arg11 : memref<80x128xf32, #tpu.memory_space<vmem>>) target_semaphore(%run_scoped3A : memref<!tpu.dma_semaphore, #tpu.memory_space<semaphore_mem>>)
      %dma_wait3A_350 = arith.constant 0 : i32
      %dma_wait3A_351 = tpu.memref_slice %arg13[%add3A_269, %dma_wait3A_350] : memref<10240x128xf32, #tpu.memory_space<vmem_shared>> -> memref<80x128xf32, #tpu.memory_space<vmem_shared>>
      %dma_wait3A_352 = arith.constant 0 : i32
      %dma_wait3A_353 = tpu.memref_slice %arg13[%add3A_269, %dma_wait3A_352] : memref<10240x128xf32, #tpu.memory_space<vmem_shared>> -> memref<80x128xf32, #tpu.memory_space<vmem_shared>>
      tpu.wait_dma2 semaphore(%run_scoped3A : memref<!tpu.dma_semaphore, #tpu.memory_space<semaphore_mem>>) src(%dma_wait3A_353 : memref<80x128xf32, #tpu.memory_space<vmem_shared>>) dst(%arg11 : memref<80x128xf32, #tpu.memory_space<vmem>>)
      tpu.yield
    }) : () -> ()
    %dma_start3A_280 = arith.constant 0 : i32
    %dma_start3A_281 = tpu.memref_slice %arg5[%arg0, %add3A_269, %dma_start3A_280] : memref<2x10240x128xf32, #tpu.memory_space<hbm>> -> memref<1x80x128xf32, #tpu.memory_space<hbm>>
    %dma_start3A_282 = tpu.memref_squeeze %dma_start3A_281 : memref<1x80x128xf32, #tpu.memory_space<hbm>> -> memref<80x128xf32, #tpu.memory_space<hbm>>
    %dma_start3A_283 = arith.constant 0 : i32
    %dma_start3A_284 = tpu.memref_slice %arg5[%arg0, %add3A_269, %dma_start3A_283] : memref<2x10240x128xf32, #tpu.memory_space<hbm>> -> memref<1x80x128xf32, #tpu.memory_space<hbm>>
    %dma_start3A_285 = tpu.memref_squeeze %dma_start3A_284 : memref<1x80x128xf32, #tpu.memory_space<hbm>> -> memref<80x128xf32, #tpu.memory_space<hbm>>
    tpu.enqueue_dma source(%arg11 : memref<80x128xf32, #tpu.memory_space<vmem>>) target(%dma_start3A_285 : memref<80x128xf32, #tpu.memory_space<hbm>>) target_semaphore(%arg15 : memref<!tpu.dma_semaphore, #tpu.memory_space<semaphore_mem>>)
    %mul3A_286 = arith.constant 640 : i32
    %mul3A_287 = arith.muli %arg1, %mul3A_286 : i32
    %add3A_288 = arith.constant 480 : i32
    %add3A_289 = arith.addi %mul3A_287, %add3A_288 : i32
    %mul3A_290 = arith.constant 640 : i32
    %mul3A_291 = arith.muli %arg1, %mul3A_290 : i32
    %add3A_292 = arith.constant 320 : i32
    %add3A_293 = arith.addi %mul3A_291, %add3A_292 : i32
    %dma_wait3A_294 = arith.constant 0 : i32
    %dma_wait3A_295 = tpu.memref_slice %arg5[%arg0, %add3A_293, %dma_wait3A_294] : memref<2x10240x128xf32, #tpu.memory_space<hbm>> -> memref<1x80x128xf32, #tpu.memory_space<hbm>>
    %dma_wait3A_296 = tpu.memref_squeeze %dma_wait3A_295 : memref<1x80x128xf32, #tpu.memory_space<hbm>> -> memref<80x128xf32, #tpu.memory_space<hbm>>
    %dma_wait3A_297 = arith.constant 0 : i32
    %dma_wait3A_298 = tpu.memref_slice %arg5[%arg0, %add3A_293, %dma_wait3A_297] : memref<2x10240x128xf32, #tpu.memory_space<hbm>> -> memref<1x80x128xf32, #tpu.memory_space<hbm>>
    %dma_wait3A_299 = tpu.memref_squeeze %dma_wait3A_298 : memref<1x80x128xf32, #tpu.memory_space<hbm>> -> memref<80x128xf32, #tpu.memory_space<hbm>>
    tpu.wait_dma2 semaphore(%arg14 : memref<!tpu.dma_semaphore, #tpu.memory_space<semaphore_mem>>) src(%arg10 : memref<80x128xf32, #tpu.memory_space<vmem>>) dst(%dma_wait3A_299 : memref<80x128xf32, #tpu.memory_space<hbm>>)
    "tpu.region"() ({
      %run_scoped3A = tpu.sem_alloc : memref<!tpu.dma_semaphore, #tpu.memory_space<semaphore_mem>>
      %dma_start3A_346 = arith.constant 0 : i32
      %dma_start3A_347 = tpu.memref_slice %arg13[%add3A_289, %dma_start3A_346] : memref<10240x128xf32, #tpu.memory_space<vmem_shared>> -> memref<80x128xf32, #tpu.memory_space<vmem_shared>>
      %dma_start3A_348 = arith.constant 0 : i32
      %dma_start3A_349 = tpu.memref_slice %arg13[%add3A_289, %dma_start3A_348] : memref<10240x128xf32, #tpu.memory_space<vmem_shared>> -> memref<80x128xf32, #tpu.memory_space<vmem_shared>>
      tpu.enqueue_dma source(%dma_start3A_349 : memref<80x128xf32, #tpu.memory_space<vmem_shared>>) target(%arg10 : memref<80x128xf32, #tpu.memory_space<vmem>>) target_semaphore(%run_scoped3A : memref<!tpu.dma_semaphore, #tpu.memory_space<semaphore_mem>>)
      %dma_wait3A_350 = arith.constant 0 : i32
      %dma_wait3A_351 = tpu.memref_slice %arg13[%add3A_289, %dma_wait3A_350] : memref<10240x128xf32, #tpu.memory_space<vmem_shared>> -> memref<80x128xf32, #tpu.memory_space<vmem_shared>>
      %dma_wait3A_352 = arith.constant 0 : i32
      %dma_wait3A_353 = tpu.memref_slice %arg13[%add3A_289, %dma_wait3A_352] : memref<10240x128xf32, #tpu.memory_space<vmem_shared>> -> memref<80x128xf32, #tpu.memory_space<vmem_shared>>
      tpu.wait_dma2 semaphore(%run_scoped3A : memref<!tpu.dma_semaphore, #tpu.memory_space<semaphore_mem>>) src(%dma_wait3A_353 : memref<80x128xf32, #tpu.memory_space<vmem_shared>>) dst(%arg10 : memref<80x128xf32, #tpu.memory_space<vmem>>)
      tpu.yield
    }) : () -> ()
    %dma_start3A_300 = arith.constant 0 : i32
    %dma_start3A_301 = tpu.memref_slice %arg5[%arg0, %add3A_289, %dma_start3A_300] : memref<2x10240x128xf32, #tpu.memory_space<hbm>> -> memref<1x80x128xf32, #tpu.memory_space<hbm>>
    %dma_start3A_302 = tpu.memref_squeeze %dma_start3A_301 : memref<1x80x128xf32, #tpu.memory_space<hbm>> -> memref<80x128xf32, #tpu.memory_space<hbm>>
    %dma_start3A_303 = arith.constant 0 : i32
    %dma_start3A_304 = tpu.memref_slice %arg5[%arg0, %add3A_289, %dma_start3A_303] : memref<2x10240x128xf32, #tpu.memory_space<hbm>> -> memref<1x80x128xf32, #tpu.memory_space<hbm>>
    %dma_start3A_305 = tpu.memref_squeeze %dma_start3A_304 : memref<1x80x128xf32, #tpu.memory_space<hbm>> -> memref<80x128xf32, #tpu.memory_space<hbm>>
    tpu.enqueue_dma source(%arg10 : memref<80x128xf32, #tpu.memory_space<vmem>>) target(%dma_start3A_305 : memref<80x128xf32, #tpu.memory_space<hbm>>) target_semaphore(%arg14 : memref<!tpu.dma_semaphore, #tpu.memory_space<semaphore_mem>>)
    %mul3A_306 = arith.constant 640 : i32
    %mul3A_307 = arith.muli %arg1, %mul3A_306 : i32
    %add3A_308 = arith.constant 560 : i32
    %add3A_309 = arith.addi %mul3A_307, %add3A_308 : i32
    %mul3A_310 = arith.constant 640 : i32
    %mul3A_311 = arith.muli %arg1, %mul3A_310 : i32
    %add3A_312 = arith.constant 400 : i32
    %add3A_313 = arith.addi %mul3A_311, %add3A_312 : i32
    %dma_wait3A_314 = arith.constant 0 : i32
    %dma_wait3A_315 = tpu.memref_slice %arg5[%arg0, %add3A_313, %dma_wait3A_314] : memref<2x10240x128xf32, #tpu.memory_space<hbm>> -> memref<1x80x128xf32, #tpu.memory_space<hbm>>
    %dma_wait3A_316 = tpu.memref_squeeze %dma_wait3A_315 : memref<1x80x128xf32, #tpu.memory_space<hbm>> -> memref<80x128xf32, #tpu.memory_space<hbm>>
    %dma_wait3A_317 = arith.constant 0 : i32
    %dma_wait3A_318 = tpu.memref_slice %arg5[%arg0, %add3A_313, %dma_wait3A_317] : memref<2x10240x128xf32, #tpu.memory_space<hbm>> -> memref<1x80x128xf32, #tpu.memory_space<hbm>>
    %dma_wait3A_319 = tpu.memref_squeeze %dma_wait3A_318 : memref<1x80x128xf32, #tpu.memory_space<hbm>> -> memref<80x128xf32, #tpu.memory_space<hbm>>
    tpu.wait_dma2 semaphore(%arg15 : memref<!tpu.dma_semaphore, #tpu.memory_space<semaphore_mem>>) src(%arg11 : memref<80x128xf32, #tpu.memory_space<vmem>>) dst(%dma_wait3A_319 : memref<80x128xf32, #tpu.memory_space<hbm>>)
    "tpu.region"() ({
      %run_scoped3A = tpu.sem_alloc : memref<!tpu.dma_semaphore, #tpu.memory_space<semaphore_mem>>
      %dma_start3A_346 = arith.constant 0 : i32
      %dma_start3A_347 = tpu.memref_slice %arg13[%add3A_309, %dma_start3A_346] : memref<10240x128xf32, #tpu.memory_space<vmem_shared>> -> memref<80x128xf32, #tpu.memory_space<vmem_shared>>
      %dma_start3A_348 = arith.constant 0 : i32
      %dma_start3A_349 = tpu.memref_slice %arg13[%add3A_309, %dma_start3A_348] : memref<10240x128xf32, #tpu.memory_space<vmem_shared>> -> memref<80x128xf32, #tpu.memory_space<vmem_shared>>
      tpu.enqueue_dma source(%dma_start3A_349 : memref<80x128xf32, #tpu.memory_space<vmem_shared>>) target(%arg11 : memref<80x128xf32, #tpu.memory_space<vmem>>) target_semaphore(%run_scoped3A : memref<!tpu.dma_semaphore, #tpu.memory_space<semaphore_mem>>)
      %dma_wait3A_350 = arith.constant 0 : i32
      %dma_wait3A_351 = tpu.memref_slice %arg13[%add3A_309, %dma_wait3A_350] : memref<10240x128xf32, #tpu.memory_space<vmem_shared>> -> memref<80x128xf32, #tpu.memory_space<vmem_shared>>
      %dma_wait3A_352 = arith.constant 0 : i32
      %dma_wait3A_353 = tpu.memref_slice %arg13[%add3A_309, %dma_wait3A_352] : memref<10240x128xf32, #tpu.memory_space<vmem_shared>> -> memref<80x128xf32, #tpu.memory_space<vmem_shared>>
      tpu.wait_dma2 semaphore(%run_scoped3A : memref<!tpu.dma_semaphore, #tpu.memory_space<semaphore_mem>>) src(%dma_wait3A_353 : memref<80x128xf32, #tpu.memory_space<vmem_shared>>) dst(%arg11 : memref<80x128xf32, #tpu.memory_space<vmem>>)
      tpu.yield
    }) : () -> ()
    %dma_start3A_320 = arith.constant 0 : i32
    %dma_start3A_321 = tpu.memref_slice %arg5[%arg0, %add3A_309, %dma_start3A_320] : memref<2x10240x128xf32, #tpu.memory_space<hbm>> -> memref<1x80x128xf32, #tpu.memory_space<hbm>>
    %dma_start3A_322 = tpu.memref_squeeze %dma_start3A_321 : memref<1x80x128xf32, #tpu.memory_space<hbm>> -> memref<80x128xf32, #tpu.memory_space<hbm>>
    %dma_start3A_323 = arith.constant 0 : i32
    %dma_start3A_324 = tpu.memref_slice %arg5[%arg0, %add3A_309, %dma_start3A_323] : memref<2x10240x128xf32, #tpu.memory_space<hbm>> -> memref<1x80x128xf32, #tpu.memory_space<hbm>>
    %dma_start3A_325 = tpu.memref_squeeze %dma_start3A_324 : memref<1x80x128xf32, #tpu.memory_space<hbm>> -> memref<80x128xf32, #tpu.memory_space<hbm>>
    tpu.enqueue_dma source(%arg11 : memref<80x128xf32, #tpu.memory_space<vmem>>) target(%dma_start3A_325 : memref<80x128xf32, #tpu.memory_space<hbm>>) target_semaphore(%arg15 : memref<!tpu.dma_semaphore, #tpu.memory_space<semaphore_mem>>)
    %mul3A_326 = arith.constant 640 : i32
    %mul3A_327 = arith.muli %arg1, %mul3A_326 : i32
    %add3A_328 = arith.constant 480 : i32
    %add3A_329 = arith.addi %mul3A_327, %add3A_328 : i32
    %dma_wait3A_330 = arith.constant 0 : i32
    %dma_wait3A_331 = tpu.memref_slice %arg5[%arg0, %add3A_329, %dma_wait3A_330] : memref<2x10240x128xf32, #tpu.memory_space<hbm>> -> memref<1x80x128xf32, #tpu.memory_space<hbm>>
    %dma_wait3A_332 = tpu.memref_squeeze %dma_wait3A_331 : memref<1x80x128xf32, #tpu.memory_space<hbm>> -> memref<80x128xf32, #tpu.memory_space<hbm>>
    %dma_wait3A_333 = arith.constant 0 : i32
    %dma_wait3A_334 = tpu.memref_slice %arg5[%arg0, %add3A_329, %dma_wait3A_333] : memref<2x10240x128xf32, #tpu.memory_space<hbm>> -> memref<1x80x128xf32, #tpu.memory_space<hbm>>
    %dma_wait3A_335 = tpu.memref_squeeze %dma_wait3A_334 : memref<1x80x128xf32, #tpu.memory_space<hbm>> -> memref<80x128xf32, #tpu.memory_space<hbm>>
    tpu.wait_dma2 semaphore(%arg14 : memref<!tpu.dma_semaphore, #tpu.memory_space<semaphore_mem>>) src(%arg10 : memref<80x128xf32, #tpu.memory_space<vmem>>) dst(%dma_wait3A_335 : memref<80x128xf32, #tpu.memory_space<hbm>>)
    %mul3A_336 = arith.constant 640 : i32
    %mul3A_337 = arith.muli %arg1, %mul3A_336 : i32
    %add3A_338 = arith.constant 560 : i32
    %add3A_339 = arith.addi %mul3A_337, %add3A_338 : i32
    %dma_wait3A_340 = arith.constant 0 : i32
    %dma_wait3A_341 = tpu.memref_slice %arg5[%arg0, %add3A_339, %dma_wait3A_340] : memref<2x10240x128xf32, #tpu.memory_space<hbm>> -> memref<1x80x128xf32, #tpu.memory_space<hbm>>
    %dma_wait3A_342 = tpu.memref_squeeze %dma_wait3A_341 : memref<1x80x128xf32, #tpu.memory_space<hbm>> -> memref<80x128xf32, #tpu.memory_space<hbm>>
    %dma_wait3A_343 = arith.constant 0 : i32
    %dma_wait3A_344 = tpu.memref_slice %arg5[%arg0, %add3A_339, %dma_wait3A_343] : memref<2x10240x128xf32, #tpu.memory_space<hbm>> -> memref<1x80x128xf32, #tpu.memory_space<hbm>>
    %dma_wait3A_345 = tpu.memref_squeeze %dma_wait3A_344 : memref<1x80x128xf32, #tpu.memory_space<hbm>> -> memref<80x128xf32, #tpu.memory_space<hbm>>
    tpu.wait_dma2 semaphore(%arg15 : memref<!tpu.dma_semaphore, #tpu.memory_space<semaphore_mem>>) src(%arg11 : memref<80x128xf32, #tpu.memory_space<vmem>>) dst(%dma_wait3A_345 : memref<80x128xf32, #tpu.memory_space<hbm>>)
    return
  }
}

module attributes {stable_mosaic.version = 14 : i64} {
  func.func @_tc1_body(%arg0: i32, %arg1: memref<1000x128xf32, #tpu.memory_space<vmem>>, %arg2: memref<128x128xf32, #tpu.memory_space<vmem>>, %arg3: memref<1000x128xf32, #tpu.memory_space<vmem>>) attributes {dimension_semantics = [#tpu.dimension_semantics<arbitrary>], iteration_bounds = array<i64: 10>, scalar_prefetch = 0 : i64, scratch_operands = 0 : i64, tpu.core_type = #tpu.core_type<tc>, window_params = [{transform_indices = @transform_0, window_bounds = array<i64: 1000, 128>}, {pipeline_mode = #tpu.pipeline_mode<synchronous>, transform_indices = @transform_1, window_bounds = array<i64: 128, 128>}, {transform_indices = @transform_2, window_bounds = array<i64: 1000, 128>}]} {
    %get3A = arith.constant 0 : index
    %get3A_0 = arith.constant 0 : index
    %get3A_1 = vector.load %arg1[%get3A, %get3A_0] : memref<1000x128xf32, #tpu.memory_space<vmem>>, vector<1000x128xf32>
    %get3A_2 = arith.constant 0 : index
    %get3A_3 = arith.constant 0 : index
    %get3A_4 = vector.load %arg2[%get3A_2, %get3A_3] : memref<128x128xf32, #tpu.memory_space<vmem>>, vector<128x128xf32>
    %dot_general3A = arith.constant dense<0.000000e+00> : vector<1000x128xf32>
    %dot_general3A_5 = tpu.matmul %get3A_1, %get3A_4, %dot_general3A {dimension_numbers = #tpu.dot_dimension_numbers<[1], [0], [0], [1], [0, 0, 1, 1], [], []>, transpose_lhs_hint = false} : vector<1000x128xf32>, vector<128x128xf32>, vector<1000x128xf32> -> vector<1000x128xf32>
    %swap3A = arith.constant 0 : index
    %swap3A_6 = arith.constant 0 : index
    %swap3A_7 = vector.load %arg3[%swap3A, %swap3A_6] : memref<1000x128xf32, #tpu.memory_space<vmem>>, vector<1000x128xf32>
    tpu.vector_store %arg3[%swap3A, %swap3A_6], %dot_general3A_5 {strides = array<i32>} : memref<1000x128xf32, #tpu.memory_space<vmem>>, vector<1000x128xf32>,
    return
  }
  func.func @transform_0(%arg0: i32) -> (i32, i32) {
    %c0_i32 = arith.constant 0 : i32
    %c0_i32_0 = arith.constant 0 : i32
    return %arg0, %c0_i32 : i32, i32
  }
  func.func @transform_1(%arg0: i32) -> (i32, i32) {
    %c0_i32 = arith.constant 0 : i32
    %c0_i32_0 = arith.constant 0 : i32
    %c0_i32_1 = arith.constant 0 : i32
    return %c0_i32, %c0_i32_0 : i32, i32
  }
  func.func @transform_2(%arg0: i32) -> (i32, i32) {
    %c0_i32 = arith.constant 0 : i32
    %c0_i32_0 = arith.constant 0 : i32
    return %arg0, %c0_i32 : i32, i32
  }
}

module attributes {stable_mosaic.version = 14 : i64} {
  func.func @_dinv_scale_body(%arg0: memref<32x10000xf32, #tpu.memory_space<vmem>>, %arg1: memref<10000x128xf32, #tpu.memory_space<vmem>>, %arg2: memref<10000x1xf32, #tpu.memory_space<vmem>>, %arg3: memref<10000x128xf32, #tpu.memory_space<vmem>>) attributes {dimension_semantics = [], scalar_prefetch = 0 : i64, scratch_operands = 0 : i64, tpu.core_type = #tpu.core_type<tc>} {
    %get3A = arith.constant 0 : index
    %get3A_0 = arith.constant 0 : index
    %get3A_1 = vector.load %arg0[%get3A, %get3A_0] : memref<32x10000xf32, #tpu.memory_space<vmem>>, vector<32x10000xf32>
    %reduce_sum3A = arith.constant dense<0.000000e+00> : vector<10000xf32>
    %reduce_sum3A_2 = vector.multi_reduction <add>, %get3A_1, %reduce_sum3A [0] : vector<32x10000xf32> to vector<10000xf32>
    %add3A = arith.constant 1.000000e+00 : f32
    %add3A_3 = vector.broadcast %add3A : f32 to vector<10000xf32>
    %add3A_4 = arith.addf %reduce_sum3A_2, %add3A_3 : vector<10000xf32>
    %rsqrt3A = math.rsqrt %add3A_4 : vector<10000xf32>
    %broadcast_in_dim3A = vector.shape_cast %rsqrt3A : vector<10000xf32> to vector<10000x1xf32>
    %swap3A = arith.constant 0 : index
    %swap3A_5 = arith.constant 0 : index
    %swap3A_6 = vector.load %arg2[%swap3A, %swap3A_5] : memref<10000x1xf32, #tpu.memory_space<vmem>>, vector<10000x1xf32>
    tpu.vector_store %arg2[%swap3A, %swap3A_5], %broadcast_in_dim3A {strides = array<i32>} : memref<10000x1xf32, #tpu.memory_space<vmem>>, vector<10000x1xf32>,
    %get3A_7 = arith.constant 0 : index
    %get3A_8 = arith.constant 0 : index
    %get3A_9 = vector.load %arg1[%get3A_7, %get3A_8] : memref<10000x128xf32, #tpu.memory_space<vmem>>, vector<10000x128xf32>
    %mul3A = vector.broadcast %broadcast_in_dim3A : vector<10000x1xf32> to vector<10000x128xf32>
    %mul3A_10 = arith.mulf %get3A_9, %mul3A : vector<10000x128xf32>
    %swap3A_11 = arith.constant 0 : index
    %swap3A_12 = arith.constant 0 : index
    %swap3A_13 = vector.load %arg3[%swap3A_11, %swap3A_12] : memref<10000x128xf32, #tpu.memory_space<vmem>>, vector<10000x128xf32>
    tpu.vector_store %arg3[%swap3A_11, %swap3A_12], %mul3A_10 {strides = array<i32>} : memref<10000x128xf32, #tpu.memory_space<vmem>>, vector<10000x128xf32>,
    return
  }
}

module attributes {stable_mosaic.version = 14 : i64} {
  func.func @_tc2_body(%arg0: i32, %arg1: memref<1000x1xf32, #tpu.memory_space<vmem>>, %arg2: memref<2x1000x128xf32, #tpu.memory_space<vmem>>, %arg3: memref<1000x128xf32, #tpu.memory_space<vmem>>, %arg4: memref<1x128xf32, #tpu.memory_space<vmem>>, %arg5: memref<128x64xf32, #tpu.memory_space<vmem>>, %arg6: memref<1000x64xf32, #tpu.memory_space<vmem>>) attributes {dimension_semantics = [#tpu.dimension_semantics<arbitrary>], iteration_bounds = array<i64: 10>, scalar_prefetch = 0 : i64, scratch_operands = 0 : i64, tpu.core_type = #tpu.core_type<tc>, window_params = [{transform_indices = @transform_0, window_bounds = array<i64: 1000, 1>}, {transform_indices = @transform_1, window_bounds = array<i64: 2, 1000, 128>}, {transform_indices = @transform_2, window_bounds = array<i64: 1000, 128>}, {pipeline_mode = #tpu.pipeline_mode<synchronous>, transform_indices = @transform_3, window_bounds = array<i64: 1, 128>}, {pipeline_mode = #tpu.pipeline_mode<synchronous>, transform_indices = @transform_4, window_bounds = array<i64: 128, 64>}, {transform_indices = @transform_5, window_bounds = array<i64: 1000, 64>}]} {
    %get3A = arith.constant 0 : index
    %get3A_0 = arith.constant 0 : index
    %get3A_1 = vector.load %arg1[%get3A, %get3A_0] : memref<1000x1xf32, #tpu.memory_space<vmem>>, vector<1000x1xf32>
    %get3A_2 = arith.constant 0 : index
    %get3A_3 = arith.constant 0 : index
    %get3A_4 = arith.constant 0 : index
    %get3A_5 = vector.load %arg2[%get3A_2, %get3A_3, %get3A_4] : memref<2x1000x128xf32, #tpu.memory_space<vmem>>, vector<1x1000x128xf32>
    %get3A_6 = vector.shape_cast %get3A_5 : vector<1x1000x128xf32> to vector<1000x128xf32>
    %get3A_7 = arith.constant 1 : index
    %get3A_8 = arith.constant 0 : index
    %get3A_9 = arith.constant 0 : index
    %get3A_10 = vector.load %arg2[%get3A_7, %get3A_8, %get3A_9] : memref<2x1000x128xf32, #tpu.memory_space<vmem>>, vector<1x1000x128xf32>
    %get3A_11 = vector.shape_cast %get3A_10 : vector<1x1000x128xf32> to vector<1000x128xf32>
    %add3A = arith.addf %get3A_6, %get3A_11 : vector<1000x128xf32>
    %get3A_12 = arith.constant 0 : index
    %get3A_13 = arith.constant 0 : index
    %get3A_14 = vector.load %arg3[%get3A_12, %get3A_13] : memref<1000x128xf32, #tpu.memory_space<vmem>>, vector<1000x128xf32>
    %add3A_15 = arith.addf %add3A, %get3A_14 : vector<1000x128xf32>
    %mul3A = vector.broadcast %get3A_1 : vector<1000x1xf32> to vector<1000x128xf32>
    %mul3A_16 = arith.mulf %mul3A, %add3A_15 : vector<1000x128xf32>
    %get3A_17 = arith.constant 0 : index
    %get3A_18 = arith.constant 0 : index
    %get3A_19 = vector.load %arg4[%get3A_17, %get3A_18] : memref<1x128xf32, #tpu.memory_space<vmem>>, vector<1x128xf32>
    %add3A_20 = vector.broadcast %get3A_19 : vector<1x128xf32> to vector<1000x128xf32>
    %add3A_21 = arith.addf %mul3A_16, %add3A_20 : vector<1000x128xf32>
    %max3A = arith.constant 0.000000e+00 : f32
    %max3A_22 = vector.broadcast %max3A : f32 to vector<1000x128xf32>
    %max3A_23 = arith.maximumf %add3A_21, %max3A_22 : vector<1000x128xf32>
    %get3A_24 = arith.constant 0 : index
    %get3A_25 = arith.constant 0 : index
    %get3A_26 = vector.load %arg5[%get3A_24, %get3A_25] : memref<128x64xf32, #tpu.memory_space<vmem>>, vector<128x64xf32>
    %dot_general3A = arith.constant dense<0.000000e+00> : vector<1000x64xf32>
    %dot_general3A_27 = tpu.matmul %max3A_23, %get3A_26, %dot_general3A {dimension_numbers = #tpu.dot_dimension_numbers<[1], [0], [0], [1], [0, 0, 1, 1], [], []>, transpose_lhs_hint = false} : vector<1000x128xf32>, vector<128x64xf32>, vector<1000x64xf32> -> vector<1000x64xf32>
    %mul3A_28 = vector.broadcast %get3A_1 : vector<1000x1xf32> to vector<1000x64xf32>
    %mul3A_29 = arith.mulf %dot_general3A_27, %mul3A_28 : vector<1000x64xf32>
    %swap3A = arith.constant 0 : index
    %swap3A_30 = arith.constant 0 : index
    %swap3A_31 = vector.load %arg6[%swap3A, %swap3A_30] : memref<1000x64xf32, #tpu.memory_space<vmem>>, vector<1000x64xf32>
    tpu.vector_store %arg6[%swap3A, %swap3A_30], %mul3A_29 {strides = array<i32>} : memref<1000x64xf32, #tpu.memory_space<vmem>>, vector<1000x64xf32>,
    return
  }
  func.func @transform_0(%arg0: i32) -> (i32, i32) {
    %c0_i32 = arith.constant 0 : i32
    %c0_i32_0 = arith.constant 0 : i32
    return %arg0, %c0_i32 : i32, i32
  }
  func.func @transform_1(%arg0: i32) -> (i32, i32, i32) {
    %c0_i32 = arith.constant 0 : i32
    %c0_i32_0 = arith.constant 0 : i32
    %c0_i32_1 = arith.constant 0 : i32
    return %c0_i32, %arg0, %c0_i32_0 : i32, i32, i32
  }
  func.func @transform_2(%arg0: i32) -> (i32, i32) {
    %c0_i32 = arith.constant 0 : i32
    %c0_i32_0 = arith.constant 0 : i32
    return %arg0, %c0_i32 : i32, i32
  }
  func.func @transform_3(%arg0: i32) -> (i32, i32) {
    %c0_i32 = arith.constant 0 : i32
    %c0_i32_0 = arith.constant 0 : i32
    %c0_i32_1 = arith.constant 0 : i32
    return %c0_i32, %c0_i32_0 : i32, i32
  }
  func.func @transform_4(%arg0: i32) -> (i32, i32) {
    %c0_i32 = arith.constant 0 : i32
    %c0_i32_0 = arith.constant 0 : i32
    %c0_i32_1 = arith.constant 0 : i32
    return %c0_i32, %c0_i32_0 : i32, i32
  }
  func.func @transform_5(%arg0: i32) -> (i32, i32) {
    %c0_i32 = arith.constant 0 : i32
    %c0_i32_0 = arith.constant 0 : i32
    return %arg0, %c0_i32 : i32, i32
  }
}

module attributes {stable_mosaic.version = 14 : i64} {
  func.func @_tc3_body(%arg0: i32, %arg1: memref<1000x1xf32, #tpu.memory_space<vmem>>, %arg2: memref<2x1000x64xf32, #tpu.memory_space<vmem>>, %arg3: memref<1000x64xf32, #tpu.memory_space<vmem>>, %arg4: memref<1x64xf32, #tpu.memory_space<vmem>>, %arg5: memref<1x64xf32, #tpu.memory_space<vmem>>, %arg6: memref<1x1xf32, #tpu.memory_space<vmem>>, %arg7: memref<1000x1xf32, #tpu.memory_space<vmem>>) attributes {dimension_semantics = [#tpu.dimension_semantics<arbitrary>], iteration_bounds = array<i64: 10>, scalar_prefetch = 0 : i64, scratch_operands = 0 : i64, tpu.core_type = #tpu.core_type<tc>, window_params = [{transform_indices = @transform_0, window_bounds = array<i64: 1000, 1>}, {transform_indices = @transform_1, window_bounds = array<i64: 2, 1000, 64>}, {transform_indices = @transform_2, window_bounds = array<i64: 1000, 64>}, {pipeline_mode = #tpu.pipeline_mode<synchronous>, transform_indices = @transform_3, window_bounds = array<i64: 1, 64>}, {pipeline_mode = #tpu.pipeline_mode<synchronous>, transform_indices = @transform_4, window_bounds = array<i64: 1, 64>}, {pipeline_mode = #tpu.pipeline_mode<synchronous>, transform_indices = @transform_5, window_bounds = array<i64: 1, 1>}, {transform_indices = @transform_6, window_bounds = array<i64: 1000, 1>}]} {
    %get3A = arith.constant 0 : index
    %get3A_0 = arith.constant 0 : index
    %get3A_1 = vector.load %arg1[%get3A, %get3A_0] : memref<1000x1xf32, #tpu.memory_space<vmem>>, vector<1000x1xf32>
    %get3A_2 = arith.constant 0 : index
    %get3A_3 = arith.constant 0 : index
    %get3A_4 = arith.constant 0 : index
    %get3A_5 = vector.load %arg2[%get3A_2, %get3A_3, %get3A_4] : memref<2x1000x64xf32, #tpu.memory_space<vmem>>, vector<1x1000x64xf32>
    %get3A_6 = vector.shape_cast %get3A_5 : vector<1x1000x64xf32> to vector<1000x64xf32>
    %get3A_7 = arith.constant 1 : index
    %get3A_8 = arith.constant 0 : index
    %get3A_9 = arith.constant 0 : index
    %get3A_10 = vector.load %arg2[%get3A_7, %get3A_8, %get3A_9] : memref<2x1000x64xf32, #tpu.memory_space<vmem>>, vector<1x1000x64xf32>
    %get3A_11 = vector.shape_cast %get3A_10 : vector<1x1000x64xf32> to vector<1000x64xf32>
    %add3A = arith.addf %get3A_6, %get3A_11 : vector<1000x64xf32>
    %get3A_12 = arith.constant 0 : index
    %get3A_13 = arith.constant 0 : index
    %get3A_14 = vector.load %arg3[%get3A_12, %get3A_13] : memref<1000x64xf32, #tpu.memory_space<vmem>>, vector<1000x64xf32>
    %add3A_15 = arith.addf %add3A, %get3A_14 : vector<1000x64xf32>
    %mul3A = vector.broadcast %get3A_1 : vector<1000x1xf32> to vector<1000x64xf32>
    %mul3A_16 = arith.mulf %mul3A, %add3A_15 : vector<1000x64xf32>
    %get3A_17 = arith.constant 0 : index
    %get3A_18 = arith.constant 0 : index
    %get3A_19 = vector.load %arg4[%get3A_17, %get3A_18] : memref<1x64xf32, #tpu.memory_space<vmem>>, vector<1x64xf32>
    %add3A_20 = vector.broadcast %get3A_19 : vector<1x64xf32> to vector<1000x64xf32>
    %add3A_21 = arith.addf %mul3A_16, %add3A_20 : vector<1000x64xf32>
    %reduce_max3A = arith.constant dense<0xFF800000> : vector<1000xf32>
    %reduce_max3A_22 = vector.multi_reduction <maximumf>, %add3A_21, %reduce_max3A [1] : vector<1000x64xf32> to vector<1000xf32>
    %broadcast_in_dim3A = vector.shape_cast %reduce_max3A_22 : vector<1000xf32> to vector<1000x1xf32>
    %sub3A = vector.broadcast %broadcast_in_dim3A : vector<1000x1xf32> to vector<1000x64xf32>
    %sub3A_23 = arith.subf %add3A_21, %sub3A : vector<1000x64xf32>
    %exp3A = math.exp %sub3A_23 : vector<1000x64xf32>
    %reduce_sum3A = arith.constant dense<0.000000e+00> : vector<1000xf32>
    %reduce_sum3A_24 = vector.multi_reduction <add>, %exp3A, %reduce_sum3A [1] : vector<1000x64xf32> to vector<1000xf32>
    %broadcast_in_dim3A_25 = vector.shape_cast %reduce_sum3A_24 : vector<1000xf32> to vector<1000x1xf32>
    %log3A = math.log %broadcast_in_dim3A_25 : vector<1000x1xf32>
    %add3A_26 = arith.addf %log3A, %broadcast_in_dim3A : vector<1000x1xf32>
    %sub3A_27 = vector.broadcast %add3A_26 : vector<1000x1xf32> to vector<1000x64xf32>
    %sub3A_28 = arith.subf %add3A_21, %sub3A_27 : vector<1000x64xf32>
    %get3A_29 = arith.constant 0 : index
    %get3A_30 = arith.constant 0 : index
    %get3A_31 = vector.load %arg5[%get3A_29, %get3A_30] : memref<1x64xf32, #tpu.memory_space<vmem>>, vector<1x64xf32>
    %mul3A_32 = vector.broadcast %get3A_31 : vector<1x64xf32> to vector<1000x64xf32>
    %mul3A_33 = arith.mulf %sub3A_28, %mul3A_32 : vector<1000x64xf32>
    %reduce_sum3A_34 = arith.constant dense<0.000000e+00> : vector<1000xf32>
    %reduce_sum3A_35 = vector.multi_reduction <add>, %mul3A_33, %reduce_sum3A_34 [1] : vector<1000x64xf32> to vector<1000xf32>
    %broadcast_in_dim3A_36 = vector.shape_cast %reduce_sum3A_35 : vector<1000xf32> to vector<1000x1xf32>
    %get3A_37 = arith.constant 0 : index
    %get3A_38 = arith.constant 0 : index
    %get3A_39 = vector.load %arg6[%get3A_37, %get3A_38] : memref<1x1xf32, #tpu.memory_space<vmem>>, vector<1x1xf32>
    %get3A_40 = vector.extract %get3A_39[0, 0] : f32 from vector<1x1xf32>
    %add3A_41 = vector.broadcast %get3A_40 : f32 to vector<1000x1xf32>
    %add3A_42 = arith.addf %broadcast_in_dim3A_36, %add3A_41 : vector<1000x1xf32>
    %logistic3A = arith.negf %add3A_42 : vector<1000x1xf32>
    %logistic3A_43 = math.exp %logistic3A : vector<1000x1xf32>
    %logistic3A_44 = arith.constant 1.000000e+00 : f32
    %logistic3A_45 = vector.broadcast %logistic3A_44 : f32 to vector<1000x1xf32>
    %logistic3A_46 = arith.addf %logistic3A_45, %logistic3A_43 : vector<1000x1xf32>
    %logistic3A_47 = arith.divf %logistic3A_45, %logistic3A_46 : vector<1000x1xf32>
    %swap3A = arith.constant 0 : index
    %swap3A_48 = arith.constant 0 : index
    %swap3A_49 = vector.load %arg7[%swap3A, %swap3A_48] : memref<1000x1xf32, #tpu.memory_space<vmem>>, vector<1000x1xf32>
    tpu.vector_store %arg7[%swap3A, %swap3A_48], %logistic3A_47 {strides = array<i32>} : memref<1000x1xf32, #tpu.memory_space<vmem>>, vector<1000x1xf32>,
    return
  }
  func.func @transform_0(%arg0: i32) -> (i32, i32) {
    %c0_i32 = arith.constant 0 : i32
    %c0_i32_0 = arith.constant 0 : i32
    return %arg0, %c0_i32 : i32, i32
  }
  func.func @transform_1(%arg0: i32) -> (i32, i32, i32) {
    %c0_i32 = arith.constant 0 : i32
    %c0_i32_0 = arith.constant 0 : i32
    %c0_i32_1 = arith.constant 0 : i32
    return %c0_i32, %arg0, %c0_i32_0 : i32, i32, i32
  }
  func.func @transform_2(%arg0: i32) -> (i32, i32) {
    %c0_i32 = arith.constant 0 : i32
    %c0_i32_0 = arith.constant 0 : i32
    return %arg0, %c0_i32 : i32, i32
  }
  func.func @transform_3(%arg0: i32) -> (i32, i32) {
    %c0_i32 = arith.constant 0 : i32
    %c0_i32_0 = arith.constant 0 : i32
    %c0_i32_1 = arith.constant 0 : i32
    return %c0_i32, %c0_i32_0 : i32, i32
  }
  func.func @transform_4(%arg0: i32) -> (i32, i32) {
    %c0_i32 = arith.constant 0 : i32
    %c0_i32_0 = arith.constant 0 : i32
    %c0_i32_1 = arith.constant 0 : i32
    return %c0_i32, %c0_i32_0 : i32, i32
  }
  func.func @transform_5(%arg0: i32) -> (i32, i32) {
    %c0_i32 = arith.constant 0 : i32
    %c0_i32_0 = arith.constant 0 : i32
    %c0_i32_1 = arith.constant 0 : i32
    return %c0_i32, %c0_i32_0 : i32, i32
  }
  func.func @transform_6(%arg0: i32) -> (i32, i32) {
    %c0_i32 = arith.constant 0 : i32
    %c0_i32_0 = arith.constant 0 : i32
    return %arg0, %c0_i32 : i32, i32
  }
}

</mosaic_0001>

<sc_bundles>
// kernel: kernel.12.cloned.1.call-start
scs
__scs_entry_jumppad:
0x0: {  	(pc) =	sbr.rel $0x88, $3  }
0x1: {  	(tag) =	ssettag $0x0;
	lr =	simm.s32 $0x1  }
0x2: {  	[smem:$0x3F99] =	sst lr;
	_ =	strace $0xD0000000  }
0x3: {  	_ = 	snop  }
0x4: {  	_ = 	snop  }
0x5: {  	_ = 	snop  }
0x6: {  	_ = 	snop  }
0x7: {  	_ = 	snop  }
__scs_overlays_trampoline_lowered:
0x8: {  	[smem:$0x3FA8] =	sst s0  }
0x9: {  	[smem:$0x3FA9] =	sst s1  }
0xa: {  	[smem:$0x3FAA] =	sst s2  }
0xb: {  	[smem:$0x3FAB] =	sst s3  }
0xc: {  	[smem:$0x3FAC] =	sst s4  }
0xd: {  	[smem:$0x3FAD] =	sst s5  }
0xe: {  	[smem:$0x3FAE] =	sst s6  }
0xf: {  	[smem:$0x3FAF] =	sst s7  }
0x10: {  	[smem:$0x3FB0] =	sst s8  }
0x11: {  	[smem:$0x3FB1] =	sst s9;
	s0 =	simm.s32 @!p0 $0x0  }
0x12: {  	s1 =	sld [smem:$0x3F97];
	s0 =	simm.s32 @p0 $0x1  }
0x13: {  	[smem:$0x3FB2] =	sst s0;
	s0 =	simm.s32 @!p1 $0x0  }
0x14: {  	s2 =	sld [smem:$0x3F96];
	s0 =	simm.s32 @p1 $0x1  }
0x15: {  	[smem:$0x3FB3] =	sst s0;
	s0 =	simm.s32 @!p2 $0x0  }
0x16: {  	s3 =	sld [smem:$0x3FDB];
	s0 =	simm.s32 @p2 $0x1  }
0x17: {  	s4 =	simm.s32 $0x1BF5;
	[smem:$0x3FB5] =	sst s0  }
0x18: {  	s0 =	sld [smem:$0x3F98];
	_ =	swait.ge [sflag:s4], $0x0  }
0x19: {  	s7 =	sld [smem:$0x3F99]  }
0x1a: {  	s8 =	sadd.s32 $0xFFFFE003, lr  }
0x1b: {  	s9 =	sadd.s32 $0xFFFFFEF7, lr;
	s5 =	simm.s32 $0xFFFFFFFF;
	p2 =	slt.u32 s8, $0xFFFFF086  }
0x1c: {  	p1 =	slt.u32 s9, $0xF7A;
	s5 =	simm.s32 @!p2 $0x0  }
0x1d: {  	s5 =	simm.s32 @p1 $0x1;
	p0 =	seq.s32 s7, s2  }
0x1e: {  	s7 =	smul.u32 @!p0 $0xF7A, s2;
	p2 =	seq.s32 @!p0 s5, $0x0  }
0x1f: {  	s9 =	smul.u32 $0xF7A, s1;
	s8 =	simm.s32 @!p0 $0x1BF5;
	p2 =	por !p2, p0  }
0x20: {  	[sflag:s8] =	ssyncset.s32 @!p0 $0xFFFFF086;
	s6 =	sadd.s32 @!p0 s3, s7;
	s7 =	simm.s32 @!p0 $0x108  }
0x21: {  	s3 =	sadd.s32 s3, s9;
	s6 =	sadd.s32 @!p0 $0x88, s6;
	s7 =	simm.s32 @p2 $0x1082  }
0x22: {  	[simem:s7], [sflag:s8] =	dma.local @!p0 [hbm:s6], $0xF7A  }
0x23: {  	s9 =	sor.u32 $0xD0000000, s2;
	s6 =	simm.s32 $0x108;
	_ =	swait.ge @!p0 [sflag:s8], $0x0  }
0x24: {  	s3 =	sadd.s32 $0x88, s3;
	s6 =	simm.s32 @!p1 $0x1082;
	[sflag:s4] =	ssyncset.s32 $0xFFFFF086  }
0x25: {  	[simem:s6], [sflag:s4] =	dma.local [hbm:s3], $0xF7A  }
0x26: {  	[smem:$0x3F99] =	sst s1;
	(tag) =	ssettag s2;
	_ =	strace s9  }
0x27: {  	s1 =	sld [smem:$0x3FA9]  }
0x28: {  	s2 =	sld [smem:$0x3FAA]  }
0x29: {  	s4 =	sld [smem:$0x3FAC]  }
0x2a: {  	p0 =	seq.s32 s5, $0x0;
	s5 =	sld [smem:$0x3FAD]  }
0x2b: {  	s6 =	sld [smem:$0x3FAE]  }
0x2c: {  	s7 =	sld [smem:$0x3FAF]  }
0x2d: {  	s3 =	simm.s32 $0x108;
	s8 =	sld [smem:$0x3FB0]  }
0x2e: {  	s3 =	simm.s32 @!p0 $0x1082;
	s9 =	sld [smem:$0x3FB1]  }
0x2f: {  	lr =	sadd.s32 s0, s3;
	s0 =	sld [smem:$0x3FA8]  }
0x30: {  	s3 =	sld [smem:$0x3FAB]  }
0x31: {  	[smem:$0x3FB4] =	sst s10  }
0x32: {  	s10 =	sld [smem:$0x3FB2];
	_ =	sdelay $0x3  }
0x33: {  	p0 =	seq.s32 s10, $0x1;
	s10 =	sld [smem:$0x3FB4];
	_ =	sdelay $0x3  }
0x34: {  	[smem:$0x3FB4] =	sst s10  }
0x35: {  	s10 =	sld [smem:$0x3FB3];
	_ =	sdelay $0x3  }
0x36: {  	p1 =	seq.s32 s10, $0x1;
	s10 =	sld [smem:$0x3FB4];
	_ =	sdelay $0x3  }
0x37: {  	[smem:$0x3FB4] =	sst s10  }
0x38: {  	s10 =	sld [smem:$0x3FB5]  }
0x39: {  	_ = 	snop;
	(pc) =	sbr.ind lr, $3  }
0x3a: {  	_ = 	snop  }
0x3b: {  	_ = 	snop  }
0x3c: {  	p2 =	seq.s32 s10, $0x1;
	s10 =	sld [smem:$0x3FB4]  }
0x3d: {  	_ =	shalt  }
0x3e: {  	_ =	shalt  }
0x3f: {  	_ =	shalt  }
0x40: {  	_ =	shalt  }
0x41: {  	_ =	shalt  }
0x42: {  	_ =	shalt  }
0x43: {  	_ =	shalt  }
0x44: {  	_ =	shalt  }
0x45: {  	_ =	shalt  }
0x46: {  	_ =	shalt  }
0x47: {  	_ =	shalt  }
0x48: {  	_ =	shalt  }
0x49: {  	_ =	shalt  }
0x4a: {  	_ =	shalt  }
0x4b: {  	_ =	shalt  }
0x4c: {  	_ =	shalt  }
0x4d: {  	_ =	shalt  }
0x4e: {  	_ =	shalt  }
0x4f: {  	_ =	shalt  }
0x50: {  	_ =	shalt  }
0x51: {  	_ =	shalt  }
0x52: {  	_ =	shalt  }
0x53: {  	_ =	shalt  }
0x54: {  	_ =	shalt  }
0x55: {  	_ =	shalt  }
0x56: {  	_ =	shalt  }
0x57: {  	_ =	shalt  }
0x58: {  	_ =	shalt  }
0x59: {  	_ =	shalt  }
0x5a: {  	_ =	shalt  }
0x5b: {  	_ =	shalt  }
0x5c: {  	_ =	shalt  }
0x5d: {  	_ =	shalt  }
0x5e: {  	_ =	shalt  }
0x5f: {  	_ =	shalt  }
0x60: {  	_ =	shalt  }
0x61: {  	_ =	shalt  }
0x62: {  	_ =	shalt  }
0x63: {  	_ =	shalt  }
0x64: {  	_ =	shalt  }
0x65: {  	_ =	shalt  }
0x66: {  	_ =	shalt  }
0x67: {  	_ =	shalt  }
0x68: {  	_ =	shalt  }
0x69: {  	_ =	shalt  }
0x6a: {  	_ =	shalt  }
0x6b: {  	_ =	shalt  }
0x6c: {  	_ =	shalt  }
0x6d: {  	_ =	shalt  }
0x6e: {  	_ =	shalt  }
0x6f: {  	_ =	shalt  }
0x70: {  	_ =	shalt  }
0x71: {  	_ =	shalt  }
0x72: {  	_ =	shalt  }
0x73: {  	_ =	shalt  }
0x74: {  	_ =	shalt  }
0x75: {  	_ =	shalt  }
0x76: {  	_ =	shalt  }
0x77: {  	_ =	shalt  }
0x78: {  	_ =	shalt  }
0x79: {  	_ =	shalt  }
0x7a: {  	_ =	shalt  }
0x7b: {  	_ =	shalt  }
0x7c: {  	_ =	shalt  }
0x7d: {  	_ =	shalt  }
0x7e: {  	_ =	shalt  }
0x7f: {  	_ =	shalt  }
0x80: {  	_ =	shalt  }
0x81: {  	_ =	shalt  }
0x82: {  	_ =	shalt  }
0x83: {  	_ =	shalt  }
0x84: {  	_ =	shalt  }
0x85: {  	_ =	shalt  }
0x86: {  	_ =	shalt  }
0x87: {  	_ =	shalt  }
.Lfunc_end0:
.L_simem_size_0:
called_computation.1_lowered:
.L_overlay_start_0:
0x88: {  	s2 =	sld [smem:$0x3FD9]  }
0x89: {  	s3 =	sld [smem:$0x3FFE];
	_ =	sdelay $0x1  }
0x8a: {  	s1 =	srdreg.scid  }
0x8b: {  	s0 =	sand.u32 $0x1, s1  }
0x8c: {  	s16 =	sshll.u32 s0, $0xA;
	s2 =	sadd.s32 s3, s2  }
0x8d: {  	s2 =	sadd.s32 s2, s16  }
0x8e: {  	[smem:$0x3FC0] =	sst s2  }
0x8f: {  	_ = 	snop  }
0x90: {  	(tm) =	ssettm $0x1  }
0x91: {  	s17 =	sld [smem:$0x3FFB];
	_ =	sdelay $0x3  }
0x92: {  	_ =	strace s17  }
0x93: {  	s2 =	sld [smem:$0x3FFC];
	_ =	sdelay $0x3  }
0x94: {  	_ =	strace s2  }
0x95: {  	s2 =	sld [smem:$0x3FFD];
	_ =	sdelay $0x3  }
0x96: {  	_ =	strace s2  }
0x97: {  	_ =	strace $0x8FFFFFFF  }
0x98: {  	s18 =	sld [smem:$0x3FDB];
	_ =	sdelay $0x1  }
0x99: {  	s19 =	simm.s32 $_scs_section_size  }
0x9a: {  	s4 =	simm.s32 $_size__tile_overlayer_lowered;
	s5 =	simm.s32 $_tile_overlayer_lowered  }
0x9b: {  	s22 =	simm.s32 $0x1BFF;
	s21 =	sshll.u32 s5, $0x1;
	s2 =	sadd.s32 s19, s18  }
0x9c: {  	s6 =	simm.s32 $0x0;
	s20 =	sshll.u32 s4, $0x1;
	s4 =	sadd.s32 s21, s2  }
0x9d: {  	[timem:s6], [sflag:s22] =	dma.local [hbm:s4], s20  }
0x9e: {  	_ =	swait.ge [sflag:s22], s20  }
0x9f: {  	s3 =	ssub.s32 $0x0, s20;
	[sflag:s22] =	ssyncset.done $0x0  }
0xa0: {  	[sflag:s22] =	ssyncadd.s32 s3;
	_ =	sdelay $0x1  }
0xa1: {  	s23 =	simm.s32 $0x1B8B  }
0xa2: {  	_ =	swait.ge [sflag:s23], $0x1  }
0xa3: {  	[sflag:s23] =	ssyncset.done $0x0  }
0xa4: {  	s25 =	simm.s32 $0x1B8E;
	s24 =	sld [smem:$0x3FFE];
	[sflag:s23] =	ssyncadd.s32 $0xFFFFFFFF  }
0xa5: {  	s26 =	simm.s32 $execute0_lowered;
	[smem:$0x3FD2] =	sst s25  }
0xa6: {  	s4 =	sshll.u32 s26, $0x1;
	_ =	strace $0x80000049;
	[dreg:$0x1] =	wrdreg $0xFFFFFFFF  }
0xa7: {  	s28 =	simm.s32 $_size_execute0_lowered;
	s2 =	sadd.s32 s2, s4;
	[dreg:$0x0] =	wrdreg $0x0  }
0xa8: {  	s4 =	sshll.u32 s28, $0x1;
	[dreg:$0x2] =	wrdreg s2  }
0xa9: {  	[dreg:$0x3] =	wrdreg s4  }
0xaa: {  	[dreg:$0x4] =	wrdreg $0xC0  }
0xab: {  	_ =	task [dreg:s6], $0x5FFFF  }
0xac: {  	[dreg:$0x1] =	wrdreg $0xFFFFFFFF  }
0xad: {  	[dreg:$0x0] =	wrdreg $0x60  }
0xae: {  	[dreg:$0x2] =	wrdreg s24  }
0xaf: {  	[dreg:$0x3] =	wrdreg $0xB9800  }
0xb0: {  	[dreg:$0x4] =	wrdreg $0x9  }
0xb1: {  	_ =	task.clear_ibuf [dreg:s6], $0x5FFFF;
	_ =	strace $0x90000049  }
0xb2: {  	s29 =	simm.s32 $0x9;
	_ =	strace $0x8000004B  }
0xb3: {  	_ =	swait.ge [sflag:s29], $0x1  }
0xb4: {  	[sflag:s29] =	ssyncadd.s32 $0xFFFFFFFF  }
0xb5: {  	_ =	strace $0x9000004B  }
0xb6: {  	_ =	sfence  }
0xb7: {  	s30 =	sld [smem:$0x0];
	_ =	sdelay $0x2  }
0xb8: {  	s31 =	sshll.u32 s1, $0xD;
	s1 =	sshrl.u32 s1, $0x2  }
0xb9: {  	s3 =	sand.u32 $0x4000, s31;
	s1 =	sadd.s32 s1, s30  }
0xba: {  	s0 =	sor.u32 s3, s0;
	s1 =	sshll.u32 s1, $0x11  }
0xbb: {  	s0 =	sor.u32 s1, s0  }
0xbc: {  	s0 =	sadd.s32 $0x8F2B, s0  }
0xbd: {  	[sflag:s0] =	ssyncadd.remote.s32 $0x1  }
0xbe: {  	_ =	sfence.sel $0xFFFF  }
0xbf: {  	[dreg:$0x0] =	wrdreg $0xFFFFFFFF;
	(pc) =	sbr.abs _section_cstart, $3  }
0xc0: {  	[dreg:$0x1] =	wrdreg $0xFFFFFFFF  }
0xc1: {  	_ =	task.clear_ibuf [dreg:s6], $0x2FFFF;
	_ =	strace $0x9FFFFFFF  }
0xc2: {  	(tm) =	ssettm $0x7FFFFFFF  }
0xc3: {  	_ =	shalt  }
tec
execute0_lowered:
.L_overlay_start_1:
0x0: {  	(tag) =	ssettag $0x1  }
0x1: {  	s0 =	rddreg [dreg:$0x0]  }
0x2: {  	s2 =	rddreg [dreg:$0x1];
	s1 =	srdreg.scid  }
0x3: {  	s3 =	simm.s32 $0x0;
	s11 =	stileid.u32;
	s29 =	simm.s32 $0x4  }
0x4: {  	s30 =	simm.s32 $0x4000;
	s31 =	simm.s32 $0x50;
	s1 =	sand.u32 $0x1, s1  }
0x5: {  	[smem:$0x7FF] =	sst s3;
	s5 =	sshll.u32 s11, $0xF;
	s8 =	smul.u32 $0x14000, s11  }
0x6: {  	s4 =	sadd.s32 $0x26200, s0;
	s9 =	sadd.s32 $0x85200, s0;
	s11 =	smul.u32 $0x50000, s11  }
0x7: {  	s6 =	sshll.u32 s1, $0xE;
	_ =	strace $0x8000004A;
	s7 =	ssub.s32 $0x2, s1  }
0x8: {  	s1 =	smul.u32 $0x140000, s1;
	s5 =	sor.u32 s6, s5;
	s10 =	sshrl.u32 s7, $0x1  }
0x9: {  	s12 =	sadd.s32 $0x5000, s8;
	s13 =	sadd.s32 $0x7800, s8;
	s15 =	sadd.s32 $0xA000, s8  }
0xa: {  	s22 =	sadd.s32 $0xC800, s8;
	s23 =	sadd.s32 $0xF000, s8;
	s11 =	sshrl.u32 s11, $0x2  }
0xb: {  	s6 =	sshrl.u32 s5, $0x3;
	s7 =	ssub.s32 s7, s10;
	s10 =	sor.u32 $0x2800, s8  }
0xc: {  	s14 =	sadd.s32 s8, s1;
	s8 =	sadd.s32 $0x11800, s8;
	s19 =	sadd.s32 s1, s12  }
0xd: {  	s20 =	sadd.s32 s1, s13;
	s17 =	sadd.s32 s1, s15;
	s25 =	sadd.s32 s1, s22  }
0xe: {  	s26 =	sadd.s32 s1, s23;
	s22 =	sadd.s32 s22, s2;
	s23 =	sadd.s32 s23, s2  }
0xf: {  	s16 =	sadd.s32 s1, s10;
	s14 =	sshrl.u32 s14, $0x3;
	s17 =	sshrl.u32 s17, $0x3  }
0x10: {  	s1 =	sadd.s32 s1, s8;
	s16 =	sshrl.u32 s16, $0x3;
	s14 =	sadd.s32 s9, s14  }
0x11: {  	s24 =	sadd.s32 s9, s17;
	s1 =	sshrl.u32 s1, $0x3;
	s17 =	sadd.s32 s11, s2  }
0x12: {  	s11 =	simm.s32 $0x3;
	[dreg:$0x3] =	wrdreg s14;
	s18 =	sadd.s32 s9, s16  }
0x13: {  	s14 =	sshrl.u32 s19, $0x3;
	s16 =	sshrl.u32 s20, $0x3;
	[dreg:$0x7] =	wrdreg s24  }
0x14: {  	s1 =	sadd.s32 s9, s1;
	s19 =	sadd.s32 s12, s2;
	s20 =	sadd.s32 s13, s2  }
0x15: {  	s24 =	sadd.s32 s8, s2;
	s8 =	simm.s32 $0x2;
	[dreg:$0x4] =	wrdreg s18  }
0x16: {  	s12 =	simm.s32 $0x0;
	s14 =	sadd.s32 s9, s14;
	[dreg:$0xa] =	wrdreg s1  }
0x17: {  	s21 =	sadd.s32 s9, s16;
	s16 =	sshrl.u32 s26, $0x3;
	[dreg:$0x5] =	wrdreg s14  }
0x18: {  	s18 =	sadd.s32 s10, s2;
	[dreg:$0x6] =	wrdreg s21;
	s28 =	sadd.s32 s9, s16  }
0x19: {  	s14 =	sshrl.u32 s25, $0x3;
	s25 =	smax.u32 s7, $0x1;
	[dreg:$0x9] =	wrdreg s28  }
0x1a: {  	s10 =	simm.s32 $0x1;
	s14 =	sadd.s32 s9, s14;
	[dreg:$0xd] =	wrdreg s25  }
0x1b: {  	s21 =	sadd.s32 s15, s2;
	s9 =	sadd.s32 s6, s0;
	[dreg:$0x8] =	wrdreg s14  }
.Ltmp0:
0x1c: {  	s14 =	sadd.s32 $0x16200, s0;
	s1 =	sadd.s32 $0x75200, s9;
	(pc) =	sbr.rel .LBB2_1-.Ltmp0, $4  }
0x1d: {  	s7 =	simm.s32 $0x9180;
	[dreg:$0xb] =	wrdreg s1;
	s16 =	sadd.s32 s14, s6  }
0x1e: {  	s0 =	simm.s32 $0x4180;
	s26 =	sadd.s32 $0x20, s16;
	[dreg:$0xc] =	wrdreg s16  }
0x1f: {  	s9 =	simm.s32 $0x4080;
	s28 =	sadd.s32 $0x10, s16;
	[dreg:$0xe] =	wrdreg s26  }
0x20: {  	v0 =	vimm.f32 $0.0e+00;
	s1 =	simm.s32 $0x6980;
	s6 =	simm.s32 $0x4100;
	[dreg:$0xf] =	wrdreg s28  }
.LBB2_8:
0x21: {  	_ =	swait.ge [sflag:s8], $0x80  }
0x22: {  	[sflag:s8] =	ssyncset.done $0x0  }
0x23: {  	[sflag:s8] =	ssyncadd.s32 $0xFFFFFF80  }
0x24: {  	_ =	swait.ge [sflag:s8], $0x2800  }
0x25: {  	[sflag:s8] =	ssyncset.done $0x0  }
0x26: {  	[sflag:s8] =	ssyncadd.s32 $0xFFFFD800  }
0x27: {  	[spmem:s2] =	stream.indirect.scatter.add.f32 [tilespmem:s1], [sflag:$0x4], $0x80, s9, s31, $0xb8;
	[tilespmem:$0x1F980] =	vst v63  }
0x28: {  	_ =	swait.ge [sflag:s29], $0x2800  }
0x29: {  	[sflag:s29] =	ssyncset.done $0x0  }
0x2a: {  	[sflag:s29] =	ssyncadd.s32 $0xFFFFD800  }
.LBB2_6:
0x2b: {  	[bflag:$0x0] =	sbarrier.arrive $0xFFFF  }
0x2c: {  	[tilespmem:s0], [sflag:$0x4] =	stream.linear.gather [spmem:s17], $0x2800, $0x38;
	[tilespmem:$0x1F980] =	vst v63  }
0x2d: {  	_ =	swait.ge [sflag:s29], $0x2800  }
0x2e: {  	[sflag:s29] =	ssyncset.done $0x0  }
0x2f: {  	s13 =	rddreg [dreg:$0x3];
	[sflag:s29] =	ssyncadd.s32 $0xFFFFD800  }
0x30: {  	[hbm4b:s13+s3] =	stream.linear.scatter [tilespmem:s0], [sflag:$0x1], $0x2800, $0x38;
	[tilespmem:$0x1F980] =	vst v63  }
0x31: {  	_ = 	snop  }
0x32: {  	[tilespmem:s1], [sflag:$0x4] =	stream.linear.gather [spmem:s18], $0x2800, $0x38;
	[tilespmem:$0x1F980] =	vst v63  }
0x33: {  	_ =	swait.ge [sflag:s29], $0x2800  }
0x34: {  	[sflag:s29] =	ssyncset.done $0x0  }
0x35: {  	s25 =	rddreg [dreg:$0x4];
	[sflag:s29] =	ssyncadd.s32 $0xFFFFD800  }
0x36: {  	[hbm4b:s25+s3] =	stream.linear.scatter [tilespmem:s1], [sflag:$0x2], $0x2800, $0x38;
	[tilespmem:$0x1F980] =	vst v63  }
0x37: {  	_ =	swait.ge [sflag:s10], $0x2800  }
0x38: {  	[sflag:s10] =	ssyncset.done $0x0  }
0x39: {  	[sflag:s10] =	ssyncadd.s32 $0xFFFFD800  }
0x3a: {  	[tilespmem:s0], [sflag:$0x4] =	stream.linear.gather [spmem:s19], $0x2800, $0x38;
	[tilespmem:$0x1F980] =	vst v63  }
0x3b: {  	_ =	swait.ge [sflag:s29], $0x2800  }
0x3c: {  	[sflag:s29] =	ssyncset.done $0x0  }
0x3d: {  	s26 =	rddreg [dreg:$0x5];
	[sflag:s29] =	ssyncadd.s32 $0xFFFFD800  }
0x3e: {  	[hbm4b:s26+s3] =	stream.linear.scatter [tilespmem:s0], [sflag:$0x1], $0x2800, $0x38;
	[tilespmem:$0x1F980] =	vst v63  }
0x3f: {  	_ =	swait.ge [sflag:s8], $0x2800  }
0x40: {  	[sflag:s8] =	ssyncset.done $0x0  }
0x41: {  	[sflag:s8] =	ssyncadd.s32 $0xFFFFD800  }
0x42: {  	[tilespmem:s1], [sflag:$0x4] =	stream.linear.gather [spmem:s20], $0x2800, $0x38;
	[tilespmem:$0x1F980] =	vst v63  }
0x43: {  	_ =	swait.ge [sflag:s29], $0x2800  }
0x44: {  	[sflag:s29] =	ssyncset.done $0x0  }
0x45: {  	s28 =	rddreg [dreg:$0x6];
	[sflag:s29] =	ssyncadd.s32 $0xFFFFD800  }
0x46: {  	[hbm4b:s28+s3] =	stream.linear.scatter [tilespmem:s1], [sflag:$0x2], $0x2800, $0x38;
	[tilespmem:$0x1F980] =	vst v63  }
0x47: {  	_ =	swait.ge [sflag:s10], $0x2800  }
0x48: {  	[sflag:s10] =	ssyncset.done $0x0  }
0x49: {  	[sflag:s10] =	ssyncadd.s32 $0xFFFFD800  }
0x4a: {  	[tilespmem:s0], [sflag:$0x4] =	stream.linear.gather [spmem:s21], $0x2800, $0x38;
	[tilespmem:$0x1F980] =	vst v63  }
0x4b: {  	_ =	swait.ge [sflag:s29], $0x2800  }
0x4c: {  	[sflag:s29] =	ssyncset.done $0x0  }
0x4d: {  	s15 =	rddreg [dreg:$0x7];
	[sflag:s29] =	ssyncadd.s32 $0xFFFFD800  }
0x4e: {  	[hbm4b:s15+s3] =	stream.linear.scatter [tilespmem:s0], [sflag:$0x1], $0x2800, $0x38;
	[tilespmem:$0x1F980] =	vst v63  }
0x4f: {  	_ =	swait.ge [sflag:s8], $0x2800  }
0x50: {  	[sflag:s8] =	ssyncset.done $0x0  }
0x51: {  	[sflag:s8] =	ssyncadd.s32 $0xFFFFD800  }
0x52: {  	[tilespmem:s1], [sflag:$0x4] =	stream.linear.gather [spmem:s22], $0x2800, $0x38;
	[tilespmem:$0x1F980] =	vst v63  }
0x53: {  	_ =	swait.ge [sflag:s29], $0x2800  }
0x54: {  	[sflag:s29] =	ssyncset.done $0x0  }
0x55: {  	s16 =	rddreg [dreg:$0x8];
	[sflag:s29] =	ssyncadd.s32 $0xFFFFD800  }
0x56: {  	[hbm4b:s16+s3] =	stream.linear.scatter [tilespmem:s1], [sflag:$0x2], $0x2800, $0x38;
	[tilespmem:$0x1F980] =	vst v63  }
0x57: {  	_ =	swait.ge [sflag:s10], $0x2800  }
0x58: {  	[sflag:s10] =	ssyncset.done $0x0  }
0x59: {  	[sflag:s10] =	ssyncadd.s32 $0xFFFFD800  }
0x5a: {  	[tilespmem:s0], [sflag:$0x4] =	stream.linear.gather [spmem:s23], $0x2800, $0x38;
	[tilespmem:$0x1F980] =	vst v63  }
0x5b: {  	_ =	swait.ge [sflag:s29], $0x2800  }
0x5c: {  	[sflag:s29] =	ssyncset.done $0x0  }
0x5d: {  	s25 =	rddreg [dreg:$0x9];
	[sflag:s29] =	ssyncadd.s32 $0xFFFFD800  }
0x5e: {  	[hbm4b:s25+s3] =	stream.linear.scatter [tilespmem:s0], [sflag:$0x1], $0x2800, $0x38;
	[tilespmem:$0x1F980] =	vst v63  }
0x5f: {  	_ =	swait.ge [sflag:s8], $0x2800  }
0x60: {  	[sflag:s8] =	ssyncset.done $0x0  }
0x61: {  	[sflag:s8] =	ssyncadd.s32 $0xFFFFD800  }
0x62: {  	[tilespmem:s1], [sflag:$0x4] =	stream.linear.gather [spmem:s24], $0x2800, $0x38;
	[tilespmem:$0x1F980] =	vst v63  }
0x63: {  	_ =	swait.ge [sflag:s29], $0x2800  }
0x64: {  	[sflag:s29] =	ssyncset.done $0x0  }
0x65: {  	s26 =	rddreg [dreg:$0xa];
	[sflag:s29] =	ssyncadd.s32 $0xFFFFD800  }
0x66: {  	[hbm4b:s26+s3] =	stream.linear.scatter [tilespmem:s1], [sflag:$0x2], $0x2800, $0x38;
	[tilespmem:$0x1F980] =	vst v63  }
0x67: {  	_ =	swait.ge [sflag:s10], $0x2800  }
0x68: {  	[sflag:s10] =	ssyncset.done $0x0  }
0x69: {  	[sflag:s10] =	ssyncadd.s32 $0xFFFFD800  }
0x6a: {  	_ =	swait.ge [sflag:s8], $0x2800  }
0x6b: {  	s12 =	sadd.s32 $0x1, s12;
	s28 =	rddreg [dreg:$0xd]  }
0x6c: {  	p0 =	sne.s32 s12, s28  }
.Ltmp1:
0x6d: {  	_ = 	snop;
	(pc) =	sbr.rel @!p0 .LBB2_7-.Ltmp1, $3  }
0x6e: {  	_ =	sdelay $0x1  }
0x6f: {  	[sflag:s8] =	ssyncset.done $0x0  }
0x70: {  	[sflag:s8] =	ssyncadd.s32 $0xFFFFD800  }
.LBB2_1:
0x71: {  	s13 =	rddreg [dreg:$0xb]  }
0x72: {  	[tilespmem:s3], [sflag:$0x4] =	stream.linear.gather [hbm4b:s13+s3], $0x3E80, $0x38;
	[tilespmem:$0x1F980] =	vst v63  }
0x73: {  	_ =	swait.ge [sflag:s29], $0x3E80  }
0x74: {  	[sflag:s29] =	ssyncset.done $0x0  }
0x75: {  	s15 =	simm.s32 $0x3C0;
	s13 =	simm.s32 $0x70;
	[sflag:s29] =	ssyncadd.s32 $0xFFFFC180  }
.LBB2_2:
0x76: {  	p0 =	sne.s32 s15, $0x9FC0;
	[tilespmem:s13+$0x6980] =	vst v0  }
0x77: {  	[tilespmem:s13+$0x6910] =	vst v0  }
0x78: {  	[tilespmem:s13+$0x6920] =	vst v0  }
.Ltmp2:
0x79: {  	[tilespmem:s13+$0x6930] =	vst v0;
	(pc) =	sbr.rel @p0 .LBB2_2-.Ltmp2, $4  }
0x7a: {  	[tilespmem:s13+$0x6940] =	vst v0  }
0x7b: {  	[tilespmem:s13+$0x6950] =	vst v0  }
0x7c: {  	[tilespmem:s13+$0x6960] =	vst v0  }
0x7d: {  	[tilespmem:s13+$0x6970] =	vst v0;
	s13 =	sshra.s32 s15, $0x2;
	s15 =	sadd.s32 $0x200, s15  }
0x7e: {  	[tilespmem:s13+$0x6980] =	vst v0  }
0x7f: {  	[tilespmem:s13+$0x6910] =	vst v0  }
0x80: {  	[tilespmem:s13+$0x6920] =	vst v0  }
0x81: {  	[tilespmem:s13+$0x6930] =	vst v0  }
0x82: {  	[tilespmem:s13+$0x6940] =	vst v0  }
0x83: {  	[tilespmem:s13+$0x6950] =	vst v0  }
0x84: {  	[tilespmem:s13+$0x6960] =	vst v0  }
0x85: {  	[tilespmem:s13+$0x6970] =	vst v0;
	s13 =	simm.s32 $0x0;
	s15 =	rddreg [dreg:$0xc]  }
0x86: {  	[tilespmem:s30], [sflag:$0x1] =	stream.linear.gather [hbm4b:s15+s13], $0x80, $0x38;
	[tilespmem:$0x1F980] =	vst v63  }
0x87: {  	_ = 	snop  }
0x88: {  	[tilespmem:s0], [sflag:$0x1] =	stream.indirect.gather [hbm4b:s4+s31], $0x80, s13, s31, $0xb8;
	[tilespmem:$0x1F980] =	vst v63  }
0x89: {  	_ = 	snop  }
0x8a: {  	[spmem:s17] =	stream.linear.scatter [tilespmem:s1], [sflag:$0x2], $0x2800, $0x38;
	[tilespmem:$0x1F980] =	vst v63  }
0x8b: {  	_ = 	snop  }
0x8c: {  	[spmem:s18] =	stream.linear.scatter [tilespmem:s1], [sflag:$0x2], $0x2800, $0x38;
	[tilespmem:$0x1F980] =	vst v63  }
0x8d: {  	_ = 	snop  }
0x8e: {  	[spmem:s19] =	stream.linear.scatter [tilespmem:s1], [sflag:$0x2], $0x2800, $0x38;
	[tilespmem:$0x1F980] =	vst v63  }
0x8f: {  	_ = 	snop  }
0x90: {  	[spmem:s20] =	stream.linear.scatter [tilespmem:s1], [sflag:$0x2], $0x2800, $0x38;
	[tilespmem:$0x1F980] =	vst v63  }
0x91: {  	_ = 	snop  }
0x92: {  	[spmem:s21] =	stream.linear.scatter [tilespmem:s1], [sflag:$0x2], $0x2800, $0x38;
	[tilespmem:$0x1F980] =	vst v63  }
0x93: {  	_ = 	snop  }
0x94: {  	[spmem:s22] =	stream.linear.scatter [tilespmem:s1], [sflag:$0x2], $0x2800, $0x38;
	[tilespmem:$0x1F980] =	vst v63  }
0x95: {  	_ = 	snop  }
0x96: {  	[spmem:s23] =	stream.linear.scatter [tilespmem:s1], [sflag:$0x2], $0x2800, $0x38;
	[tilespmem:$0x1F980] =	vst v63  }
0x97: {  	_ = 	snop  }
0x98: {  	[spmem:s24] =	stream.linear.scatter [tilespmem:s1], [sflag:$0x2], $0x2800, $0x38;
	[tilespmem:$0x1F980] =	vst v63  }
0x99: {  	s16 =	rddreg [dreg:$0xe]  }
0x9a: {  	[tilespmem:s6], [sflag:$0x3] =	stream.linear.gather [hbm4b:s16+s13], $0x80, $0x38;
	[tilespmem:$0x1F980] =	vst v63  }
0x9b: {  	s25 =	simm.s32 $0x100  }
0x9c: {  	[tilespmem:s7], [sflag:$0x3] =	stream.indirect.gather [hbm4b:s4+s31], $0x80, s25, s31, $0xb8;
	[tilespmem:$0x1F980] =	vst v63  }
0x9d: {  	_ =	swait.ge [sflag:s8], $0x2800  }
0x9e: {  	[sflag:s8] =	ssyncset.done $0x0  }
0x9f: {  	[sflag:s8] =	ssyncadd.s32 $0xFFFFD800  }
0xa0: {  	_ =	swait.ge [sflag:s8], $0x2800  }
0xa1: {  	[sflag:s8] =	ssyncset.done $0x0  }
0xa2: {  	[sflag:s8] =	ssyncadd.s32 $0xFFFFD800  }
0xa3: {  	_ =	swait.ge [sflag:s8], $0x2800  }
0xa4: {  	[sflag:s8] =	ssyncset.done $0x0  }
0xa5: {  	[sflag:s8] =	ssyncadd.s32 $0xFFFFD800  }
0xa6: {  	_ =	swait.ge [sflag:s8], $0x2800  }
0xa7: {  	[sflag:s8] =	ssyncset.done $0x0  }
0xa8: {  	[sflag:s8] =	ssyncadd.s32 $0xFFFFD800  }
0xa9: {  	_ =	swait.ge [sflag:s8], $0x2800  }
0xaa: {  	[sflag:s8] =	ssyncset.done $0x0  }
0xab: {  	[sflag:s8] =	ssyncadd.s32 $0xFFFFD800  }
0xac: {  	_ =	swait.ge [sflag:s8], $0x2800  }
0xad: {  	[sflag:s8] =	ssyncset.done $0x0  }
0xae: {  	[sflag:s8] =	ssyncadd.s32 $0xFFFFD800  }
0xaf: {  	_ =	swait.ge [sflag:s8], $0x2800  }
0xb0: {  	[sflag:s8] =	ssyncset.done $0x0  }
0xb1: {  	[sflag:s8] =	ssyncadd.s32 $0xFFFFD800  }
0xb2: {  	_ =	swait.ge [sflag:s8], $0x2800  }
0xb3: {  	[sflag:s8] =	ssyncset.done $0x0  }
0xb4: {  	s26 =	rddreg [dreg:$0xf];
	[sflag:s8] =	ssyncadd.s32 $0xFFFFD800  }
0xb5: {  	[tilespmem:s9], [sflag:$0x2] =	stream.linear.gather [hbm4b:s26+s13], $0x80, $0x38;
	[tilespmem:$0x1F980] =	vst v63  }
0xb6: {  	s28 =	simm.s32 $0x80  }
0xb7: {  	[tilespmem:s1], [sflag:$0x2] =	stream.indirect.gather [hbm4b:s4+s31], $0x80, s28, s31, $0xb8;
	[tilespmem:$0x1F980] =	vst v63  }
0xb8: {  	s15 =	simm.s32 $0x280;
	s25 =	simm.s32 $0x180;
	[bflag:$0x0] =	sbarrier.arrive $0xFFFF  }
.LBB2_4:
0xb9: {  	_ =	swait.ge [sflag:s10], $0x80  }
0xba: {  	[sflag:s10] =	ssyncset.done $0x0  }
0xbb: {  	[sflag:s10] =	ssyncadd.s32 $0xFFFFFF80  }
0xbc: {  	_ =	swait.ge [sflag:s10], $0x2800  }
0xbd: {  	p0 =	seq.s32 s15, $0x4000;
	[sflag:s10] =	ssyncset.done $0x0  }
.Ltmp3:
0xbe: {  	[sflag:s10] =	ssyncadd.s32 $0xFFFFD800;
	(pc) =	sbr.rel @p0 .LBB2_8-.Ltmp3, $4  }
0xbf: {  	[spmem:s2] =	stream.indirect.scatter.add.f32 [tilespmem:s0], [sflag:$0x4], $0x80, s30, s31, $0xb8;
	[tilespmem:$0x1F980] =	vst v63  }
0xc0: {  	_ =	swait.ge [sflag:s29], $0x2800  }
0xc1: {  	[sflag:s29] =	ssyncset.done $0x0  }
0xc2: {  	[sflag:s29] =	ssyncadd.s32 $0xFFFFD800  }
0xc3: {  	s26 =	sadd.s32 $0xFFFFFF00, s15  }
0xc4: {  	s28 =	sand.u32 $0xFC00, s26  }
0xc5: {  	s26 =	sand.u32 $0x380, s26;
	s28 =	sadd.s32 s5, s28  }
0xc6: {  	s26 =	sor.u32 s26, s28  }
0xc7: {  	s26 =	sshrl.u32 s26, $0x3  }
0xc8: {  	s26 =	sadd.s32 s14, s26  }
0xc9: {  	[tilespmem:s30], [sflag:$0x1] =	stream.linear.gather [hbm4b:s26+s3], $0x80, $0x38;
	[tilespmem:$0x1F980] =	vst v63  }
0xca: {  	_ = 	snop  }
0xcb: {  	[tilespmem:s0], [sflag:$0x1] =	stream.indirect.gather [hbm4b:s4+s31], $0x80, s25, s31, $0xb8;
	[tilespmem:$0x1F980] =	vst v63  }
0xcc: {  	_ =	swait.ge [sflag:s8], $0x80  }
0xcd: {  	[sflag:s8] =	ssyncset.done $0x0  }
0xce: {  	[sflag:s8] =	ssyncadd.s32 $0xFFFFFF80  }
0xcf: {  	s26 =	sadd.s32 $0xFFFFFF80, s15;
	_ =	swait.ge [sflag:s8], $0x2800  }
0xd0: {  	s16 =	sand.u32 $0xFC00, s26;
	[sflag:s8] =	ssyncset.done $0x0  }
0xd1: {  	s26 =	sand.u32 $0x380, s26;
	s28 =	sadd.s32 s5, s16;
	[sflag:s8] =	ssyncadd.s32 $0xFFFFD800  }
0xd2: {  	[spmem:s2] =	stream.indirect.scatter.add.f32 [tilespmem:s1], [sflag:$0x4], $0x80, s9, s31, $0xb8;
	[tilespmem:$0x1F980] =	vst v63  }
0xd3: {  	s26 =	sor.u32 s26, s28;
	_ =	swait.ge [sflag:s29], $0x2800  }
0xd4: {  	s26 =	sshrl.u32 s26, $0x3;
	[sflag:s29] =	ssyncset.done $0x0  }
0xd5: {  	s26 =	sadd.s32 s14, s26;
	[sflag:s29] =	ssyncadd.s32 $0xFFFFD800  }
0xd6: {  	[tilespmem:s9], [sflag:$0x2] =	stream.linear.gather [hbm4b:s26+s3], $0x80, $0x38;
	[tilespmem:$0x1F980] =	vst v63  }
0xd7: {  	s28 =	sadd.s32 $0x80, s25  }
0xd8: {  	[tilespmem:s1], [sflag:$0x2] =	stream.indirect.gather [hbm4b:s4+s31], $0x80, s28, s31, $0xb8;
	[tilespmem:$0x1F980] =	vst v63  }
0xd9: {  	_ =	swait.ge [sflag:s11], $0x80  }
0xda: {  	[sflag:s11] =	ssyncset.done $0x0  }
0xdb: {  	[sflag:s11] =	ssyncadd.s32 $0xFFFFFF80  }
0xdc: {  	p0 =	sgt.u32 s13, $0x27;
	_ =	swait.ge [sflag:s11], $0x2800  }
0xdd: {  	s26 =	sand.u32 @!p0 $0xFC00, s15;
	[sflag:s11] =	ssyncset.done $0x0  }
0xde: {  	s26 =	sadd.s32 @!p0 s5, s26;
	s28 =	sand.u32 @!p0 $0x380, s15;
	[sflag:s11] =	ssyncadd.s32 $0xFFFFD800  }
0xdf: {  	[spmem:s2] =	stream.indirect.scatter.add.f32 [tilespmem:s7], [sflag:$0x4], $0x80, s6, s31, $0xb8;
	[tilespmem:$0x1F980] =	vst v63  }
0xe0: {  	s16 =	simm.s32 @!p0 $0x4100;
	s26 =	sor.u32 @!p0 s28, s26;
	_ =	swait.ge [sflag:s29], $0x2800  }
0xe1: {  	s15 =	sadd.s32 $0x180, s15;
	s26 =	sshrl.u32 @!p0 s26, $0x3;
	[sflag:s29] =	ssyncset.done $0x0  }
0xe2: {  	s28 =	simm.s32 @!p0 $0x0;
	s26 =	sadd.s32 @!p0 s14, s26;
	[sflag:s29] =	ssyncadd.s32 $0xFFFFD800  }
0xe3: {  	[tilespmem:s16], [sflag:$0x3] =	stream.linear.gather @!p0 [hbm4b:s26+s28], $0x80, $0x38;
	[tilespmem:$0x1F980] =	vst v63  }
0xe4: {  	s16 =	sadd.s32 @!p0 $0x100, s25;
	s26 =	simm.s32 @!p0 $0x50;
	s28 =	simm.s32 @!p0 $0x9180  }
0xe5: {  	[tilespmem:s28], [sflag:$0x3] =	stream.indirect.gather @!p0 [hbm4b:s4+s26], $0x80, s16, s26, $0xb8;
	[tilespmem:$0x1F980] =	vst v63  }
0xe6: {  	p0 =	sne.s32 s15, $0x4180  }
.Ltmp4:
0xe7: {  	_ = 	snop;
	(pc) =	sbr.rel @p0 .LBB2_4-.Ltmp4, $4  }
.Ltmp5:
0xe8: {  	_ = 	snop;
	(pc) =	sbr.rel @!p0 .LBB2_6-.Ltmp5, $4  }
0xe9: {  	_ = 	snop  }
0xea: {  	_ = 	snop  }
0xeb: {  	s13 =	sadd.s32 $0x1, s13;
	s25 =	sadd.s32 $0x180, s25  }
0xec: {  	_ = 	snop  }
.LBB2_7:
0xed: {  	_ =	sfence.sel $0x180000  }
0xee: {  	[bflag:$0x0] =	sbarrier.arrive $0xFFFF  }
0xef: {  	_ =	strace $0x9000004A  }
0xf0: {  	s0 =	stileid.u32;
	[bflag:$0x2] =	sbarrier.arrive $0xFFFF  }
0xf1: {  	p0 =	sne.s32 s0, $0x0;
	s0 =	rddreg [dreg:$0x2]  }
0xf2: {  	s0 =	sadd.s32 @!p0 $0x100000, s0  }
0xf3: {  	[sflag:s0] =	ssyncadd.tile.s32 @!p0 $0x1;
	_ =	shalt  }
.Lfunc_end2:
_tile_overlayer_lowered:
.L_overlay_start_2:
0xf4: {  	(tag) =	ssettag $0x2  }
0xf5: {  	s0 =	rddreg [dreg:$0x0];
	s2 =	stileid.u32  }
0xf6: {  	s1 =	rddreg [dreg:$0x1];
	p0 =	sne.s32 s2, $0x0  }
0xf7: {  	s3 =	rddreg [dreg:$0x2];
	[bflag:$0x3] =	sbarrier.arrive $0xFFFF;
	s2 =	simm.s32 @!p0 $0x1C04  }
0xf8: {  	[timem:s3], [sflag:s2] =	dma.local @!p0 [hbm:s0], s1  }
0xf9: {  	s0 =	simm.s32 @!p0 $0x4  }
0xfa: {  	_ =	swait.ge @!p0 [sflag:s0], s1  }
0xfb: {  	s1 =	ssub.s32 @!p0 $0x0, s1;
	[sflag:s0] =	ssyncset.done @!p0 $0x0  }
0xfc: {  	[sflag:s0] =	ssyncadd.s32 @!p0 s1  }
0xfd: {  	[bflag:$0x3] =	sbarrier.arrive $0xFFFF  }
0xfe: {  	_ =	shalt  }

// kernel: kernel.15.cloned.1.call-start
scs
__scs_entry_jumppad:
0x0: {  	(pc) =	sbr.rel $0x88, $3  }
0x1: {  	(tag) =	ssettag $0x0;
	lr =	simm.s32 $0x1  }
0x2: {  	[smem:$0x3F99] =	sst lr;
	_ =	strace $0xD0000000  }
0x3: {  	_ = 	snop  }
0x4: {  	_ = 	snop  }
0x5: {  	_ = 	snop  }
0x6: {  	_ = 	snop  }
0x7: {  	_ = 	snop  }
__scs_overlays_trampoline_lowered:
0x8: {  	[smem:$0x3FA8] =	sst s0  }
0x9: {  	[smem:$0x3FA9] =	sst s1  }
0xa: {  	[smem:$0x3FAA] =	sst s2  }
0xb: {  	[smem:$0x3FAB] =	sst s3  }
0xc: {  	[smem:$0x3FAC] =	sst s4  }
0xd: {  	[smem:$0x3FAD] =	sst s5  }
0xe: {  	[smem:$0x3FAE] =	sst s6  }
0xf: {  	[smem:$0x3FAF] =	sst s7  }
0x10: {  	[smem:$0x3FB0] =	sst s8  }
0x11: {  	[smem:$0x3FB1] =	sst s9;
	s0 =	simm.s32 @!p0 $0x0  }
0x12: {  	s1 =	sld [smem:$0x3F97];
	s0 =	simm.s32 @p0 $0x1  }
0x13: {  	[smem:$0x3FB2] =	sst s0;
	s0 =	simm.s32 @!p1 $0x0  }
0x14: {  	s2 =	sld [smem:$0x3F96];
	s0 =	simm.s32 @p1 $0x1  }
0x15: {  	[smem:$0x3FB3] =	sst s0;
	s0 =	simm.s32 @!p2 $0x0  }
0x16: {  	s3 =	sld [smem:$0x3FDB];
	s0 =	simm.s32 @p2 $0x1  }
0x17: {  	s4 =	simm.s32 $0x1BF5;
	[smem:$0x3FB5] =	sst s0  }
0x18: {  	s0 =	sld [smem:$0x3F98];
	_ =	swait.ge [sflag:s4], $0x0  }
0x19: {  	s7 =	sld [smem:$0x3F99]  }
0x1a: {  	s8 =	sadd.s32 $0xFFFFE003, lr  }
0x1b: {  	s9 =	sadd.s32 $0xFFFFFEF7, lr;
	s5 =	simm.s32 $0xFFFFFFFF;
	p2 =	slt.u32 s8, $0xFFFFF086  }
0x1c: {  	p1 =	slt.u32 s9, $0xF7A;
	s5 =	simm.s32 @!p2 $0x0  }
0x1d: {  	s5 =	simm.s32 @p1 $0x1;
	p0 =	seq.s32 s7, s2  }
0x1e: {  	s7 =	smul.u32 @!p0 $0xF7A, s2;
	p2 =	seq.s32 @!p0 s5, $0x0  }
0x1f: {  	s9 =	smul.u32 $0xF7A, s1;
	s8 =	simm.s32 @!p0 $0x1BF5;
	p2 =	por !p2, p0  }
0x20: {  	[sflag:s8] =	ssyncset.s32 @!p0 $0xFFFFF086;
	s6 =	sadd.s32 @!p0 s3, s7;
	s7 =	simm.s32 @!p0 $0x108  }
0x21: {  	s3 =	sadd.s32 s3, s9;
	s6 =	sadd.s32 @!p0 $0x88, s6;
	s7 =	simm.s32 @p2 $0x1082  }
0x22: {  	[simem:s7], [sflag:s8] =	dma.local @!p0 [hbm:s6], $0xF7A  }
0x23: {  	s9 =	sor.u32 $0xD0000000, s2;
	s6 =	simm.s32 $0x108;
	_ =	swait.ge @!p0 [sflag:s8], $0x0  }
0x24: {  	s3 =	sadd.s32 $0x88, s3;
	s6 =	simm.s32 @!p1 $0x1082;
	[sflag:s4] =	ssyncset.s32 $0xFFFFF086  }
0x25: {  	[simem:s6], [sflag:s4] =	dma.local [hbm:s3], $0xF7A  }
0x26: {  	[smem:$0x3F99] =	sst s1;
	(tag) =	ssettag s2;
	_ =	strace s9  }
0x27: {  	s1 =	sld [smem:$0x3FA9]  }
0x28: {  	s2 =	sld [smem:$0x3FAA]  }
0x29: {  	s4 =	sld [smem:$0x3FAC]  }
0x2a: {  	p0 =	seq.s32 s5, $0x0;
	s5 =	sld [smem:$0x3FAD]  }
0x2b: {  	s6 =	sld [smem:$0x3FAE]  }
0x2c: {  	s7 =	sld [smem:$0x3FAF]  }
0x2d: {  	s3 =	simm.s32 $0x108;
	s8 =	sld [smem:$0x3FB0]  }
0x2e: {  	s3 =	simm.s32 @!p0 $0x1082;
	s9 =	sld [smem:$0x3FB1]  }
0x2f: {  	lr =	sadd.s32 s0, s3;
	s0 =	sld [smem:$0x3FA8]  }
0x30: {  	s3 =	sld [smem:$0x3FAB]  }
0x31: {  	[smem:$0x3FB4] =	sst s10  }
0x32: {  	s10 =	sld [smem:$0x3FB2];
	_ =	sdelay $0x3  }
0x33: {  	p0 =	seq.s32 s10, $0x1;
	s10 =	sld [smem:$0x3FB4];
	_ =	sdelay $0x3  }
0x34: {  	[smem:$0x3FB4] =	sst s10  }
0x35: {  	s10 =	sld [smem:$0x3FB3];
	_ =	sdelay $0x3  }
0x36: {  	p1 =	seq.s32 s10, $0x1;
	s10 =	sld [smem:$0x3FB4];
	_ =	sdelay $0x3  }
0x37: {  	[smem:$0x3FB4] =	sst s10  }
0x38: {  	s10 =	sld [smem:$0x3FB5]  }
0x39: {  	_ = 	snop;
	(pc) =	sbr.ind lr, $3  }
0x3a: {  	_ = 	snop  }
0x3b: {  	_ = 	snop  }
0x3c: {  	p2 =	seq.s32 s10, $0x1;
	s10 =	sld [smem:$0x3FB4]  }
0x3d: {  	_ =	shalt  }
0x3e: {  	_ =	shalt  }
0x3f: {  	_ =	shalt  }
0x40: {  	_ =	shalt  }
0x41: {  	_ =	shalt  }
0x42: {  	_ =	shalt  }
0x43: {  	_ =	shalt  }
0x44: {  	_ =	shalt  }
0x45: {  	_ =	shalt  }
0x46: {  	_ =	shalt  }
0x47: {  	_ =	shalt  }
0x48: {  	_ =	shalt  }
0x49: {  	_ =	shalt  }
0x4a: {  	_ =	shalt  }
0x4b: {  	_ =	shalt  }
0x4c: {  	_ =	shalt  }
0x4d: {  	_ =	shalt  }
0x4e: {  	_ =	shalt  }
0x4f: {  	_ =	shalt  }
0x50: {  	_ =	shalt  }
0x51: {  	_ =	shalt  }
0x52: {  	_ =	shalt  }
0x53: {  	_ =	shalt  }
0x54: {  	_ =	shalt  }
0x55: {  	_ =	shalt  }
0x56: {  	_ =	shalt  }
0x57: {  	_ =	shalt  }
0x58: {  	_ =	shalt  }
0x59: {  	_ =	shalt  }
0x5a: {  	_ =	shalt  }
0x5b: {  	_ =	shalt  }
0x5c: {  	_ =	shalt  }
0x5d: {  	_ =	shalt  }
0x5e: {  	_ =	shalt  }
0x5f: {  	_ =	shalt  }
0x60: {  	_ =	shalt  }
0x61: {  	_ =	shalt  }
0x62: {  	_ =	shalt  }
0x63: {  	_ =	shalt  }
0x64: {  	_ =	shalt  }
0x65: {  	_ =	shalt  }
0x66: {  	_ =	shalt  }
0x67: {  	_ =	shalt  }
0x68: {  	_ =	shalt  }
0x69: {  	_ =	shalt  }
0x6a: {  	_ =	shalt  }
0x6b: {  	_ =	shalt  }
0x6c: {  	_ =	shalt  }
0x6d: {  	_ =	shalt  }
0x6e: {  	_ =	shalt  }
0x6f: {  	_ =	shalt  }
0x70: {  	_ =	shalt  }
0x71: {  	_ =	shalt  }
0x72: {  	_ =	shalt  }
0x73: {  	_ =	shalt  }
0x74: {  	_ =	shalt  }
0x75: {  	_ =	shalt  }
0x76: {  	_ =	shalt  }
0x77: {  	_ =	shalt  }
0x78: {  	_ =	shalt  }
0x79: {  	_ =	shalt  }
0x7a: {  	_ =	shalt  }
0x7b: {  	_ =	shalt  }
0x7c: {  	_ =	shalt  }
0x7d: {  	_ =	shalt  }
0x7e: {  	_ =	shalt  }
0x7f: {  	_ =	shalt  }
0x80: {  	_ =	shalt  }
0x81: {  	_ =	shalt  }
0x82: {  	_ =	shalt  }
0x83: {  	_ =	shalt  }
0x84: {  	_ =	shalt  }
0x85: {  	_ =	shalt  }
0x86: {  	_ =	shalt  }
0x87: {  	_ =	shalt  }
.Lfunc_end0:
.L_simem_size_0:
called_computation.2_lowered:
.L_overlay_start_0:
0x88: {  	s2 =	sld [smem:$0x3FD9]  }
0x89: {  	s3 =	sld [smem:$0x3FFE];
	_ =	sdelay $0x1  }
0x8a: {  	s1 =	srdreg.scid  }
0x8b: {  	s0 =	sand.u32 $0x1, s1  }
0x8c: {  	s16 =	sshll.u32 s0, $0xA;
	s2 =	sadd.s32 s3, s2  }
0x8d: {  	s2 =	sadd.s32 s2, s16  }
0x8e: {  	[smem:$0x3FC0] =	sst s2  }
0x8f: {  	_ = 	snop  }
0x90: {  	(tm) =	ssettm $0x1  }
0x91: {  	s17 =	sld [smem:$0x3FFB];
	_ =	sdelay $0x3  }
0x92: {  	_ =	strace s17  }
0x93: {  	s2 =	sld [smem:$0x3FFC];
	_ =	sdelay $0x3  }
0x94: {  	_ =	strace s2  }
0x95: {  	s2 =	sld [smem:$0x3FFD];
	_ =	sdelay $0x3  }
0x96: {  	_ =	strace s2  }
0x97: {  	_ =	strace $0x8FFFFFFF  }
0x98: {  	s18 =	sld [smem:$0x3FDB];
	_ =	sdelay $0x1  }
0x99: {  	s19 =	simm.s32 $_scs_section_size  }
0x9a: {  	s4 =	simm.s32 $_size__tile_overlayer_lowered;
	s5 =	simm.s32 $_tile_overlayer_lowered  }
0x9b: {  	s22 =	simm.s32 $0x1BFF;
	s21 =	sshll.u32 s5, $0x1;
	s2 =	sadd.s32 s19, s18  }
0x9c: {  	s6 =	simm.s32 $0x0;
	s20 =	sshll.u32 s4, $0x1;
	s4 =	sadd.s32 s21, s2  }
0x9d: {  	[timem:s6], [sflag:s22] =	dma.local [hbm:s4], s20  }
0x9e: {  	_ =	swait.ge [sflag:s22], s20  }
0x9f: {  	s3 =	ssub.s32 $0x0, s20;
	[sflag:s22] =	ssyncset.done $0x0  }
0xa0: {  	[sflag:s22] =	ssyncadd.s32 s3;
	_ =	sdelay $0x1  }
0xa1: {  	s23 =	simm.s32 $0x1B8B  }
0xa2: {  	_ =	swait.ge [sflag:s23], $0x1  }
0xa3: {  	[sflag:s23] =	ssyncset.done $0x0  }
0xa4: {  	s25 =	simm.s32 $0x1B8E;
	s24 =	sld [smem:$0x3FFE];
	[sflag:s23] =	ssyncadd.s32 $0xFFFFFFFF  }
0xa5: {  	s26 =	simm.s32 $execute0_lowered;
	[smem:$0x3FD2] =	sst s25  }
0xa6: {  	s4 =	sshll.u32 s26, $0x1;
	_ =	strace $0x8000004C;
	[dreg:$0x1] =	wrdreg $0xFFFFFFFF  }
0xa7: {  	s28 =	simm.s32 $_size_execute0_lowered;
	s2 =	sadd.s32 s2, s4;
	[dreg:$0x0] =	wrdreg $0x0  }
0xa8: {  	s4 =	sshll.u32 s28, $0x1;
	[dreg:$0x2] =	wrdreg s2  }
0xa9: {  	[dreg:$0x3] =	wrdreg s4  }
0xaa: {  	[dreg:$0x4] =	wrdreg $0xC0  }
0xab: {  	_ =	task [dreg:s6], $0x5FFFF  }
0xac: {  	[dreg:$0x1] =	wrdreg $0xFFFFFFFF  }
0xad: {  	[dreg:$0x0] =	wrdreg $0x60  }
0xae: {  	[dreg:$0x2] =	wrdreg s24  }
0xaf: {  	[dreg:$0x3] =	wrdreg $0x64000  }
0xb0: {  	[dreg:$0x4] =	wrdreg $0x9  }
0xb1: {  	_ =	task.clear_ibuf [dreg:s6], $0x5FFFF;
	_ =	strace $0x9000004C  }
0xb2: {  	s29 =	simm.s32 $0x9;
	_ =	strace $0x8000004E  }
0xb3: {  	_ =	swait.ge [sflag:s29], $0x1  }
0xb4: {  	[sflag:s29] =	ssyncadd.s32 $0xFFFFFFFF  }
0xb5: {  	_ =	strace $0x9000004E  }
0xb6: {  	_ =	sfence  }
0xb7: {  	s30 =	sld [smem:$0x0];
	_ =	sdelay $0x2  }
0xb8: {  	s31 =	sshll.u32 s1, $0xD;
	s1 =	sshrl.u32 s1, $0x2  }
0xb9: {  	s3 =	sand.u32 $0x4000, s31;
	s1 =	sadd.s32 s1, s30  }
0xba: {  	s0 =	sor.u32 s3, s0;
	s1 =	sshll.u32 s1, $0x11  }
0xbb: {  	s0 =	sor.u32 s1, s0  }
0xbc: {  	s0 =	sadd.s32 $0x8F2B, s0  }
0xbd: {  	[sflag:s0] =	ssyncadd.remote.s32 $0x1  }
0xbe: {  	_ =	sfence.sel $0xFFFF  }
0xbf: {  	[dreg:$0x0] =	wrdreg $0xFFFFFFFF;
	(pc) =	sbr.abs _section_cstart, $3  }
0xc0: {  	[dreg:$0x1] =	wrdreg $0xFFFFFFFF  }
0xc1: {  	_ =	task.clear_ibuf [dreg:s6], $0x2FFFF;
	_ =	strace $0x9FFFFFFF  }
0xc2: {  	(tm) =	ssettm $0x7FFFFFFF  }
0xc3: {  	_ =	shalt  }
tec
execute0_lowered:
.L_overlay_start_1:
0x0: {  	(tag) =	ssettag $0x1  }
0x1: {  	s0 =	rddreg [dreg:$0x0]  }
0x2: {  	s1 =	rddreg [dreg:$0x1];
	s3 =	simm.s32 $0x0  }
0x3: {  	s2 =	srdreg.scid;
	s17 =	stileid.u32;
	s31 =	simm.s32 $0x4  }
0x4: {  	[smem:$0x7FF] =	sst s3;
	s2 =	sand.u32 $0x1, s2;
	s7 =	smul.u32 $0xA000, s17  }
0x5: {  	s4 =	sshll.u32 s17, $0x1;
	s8 =	sadd.s32 $0x29C00, s0;
	s10 =	smul.u32 $0xA0000, s2  }
0x6: {  	s5 =	ssub.s32 $0x2, s2;
	s4 =	sor.u32 s2, s4;
	s2 =	smul.u32 $0x2710, s2  }
0x7: {  	_ =	strace $0x8000004D;
	s6 =	sshrl.u32 s5, $0x1;
	s4 =	smul.u32 $0x2710, s4  }
0x8: {  	s9 =	sadd.s32 $0x2800, s7;
	s11 =	sadd.s32 $0x3C00, s7;
	s14 =	sadd.s32 $0x5000, s7  }
0x9: {  	s15 =	sadd.s32 $0x6400, s7;
	s22 =	sadd.s32 $0x7800, s7;
	s23 =	sadd.s32 $0x8C00, s7  }
0xa: {  	s5 =	ssub.s32 s5, s6;
	s6 =	sor.u32 $0x1400, s7;
	s12 =	sadd.s32 s7, s10  }
0xb: {  	s16 =	sadd.s32 s10, s9;
	s18 =	sadd.s32 s10, s14;
	s19 =	sadd.s32 s10, s15  }
0xc: {  	s25 =	sadd.s32 s10, s22;
	s29 =	sadd.s32 s9, s1;
	s22 =	sadd.s32 s22, s1  }
0xd: {  	s9 =	simm.s32 $0x2760;
	s12 =	sshrl.u32 s12, $0x3;
	s13 =	sadd.s32 s10, s6  }
0xe: {  	s30 =	sshrl.u32 s16, $0x3;
	s16 =	sadd.s32 s10, s11;
	s20 =	sshrl.u32 s18, $0x3  }
0xf: {  	s21 =	sshrl.u32 s19, $0x3;
	s10 =	sadd.s32 s10, s23;
	s4 =	sshrl.u32 s4, $0x3  }
0x10: {  	s28 =	sadd.s32 s6, s1;
	s23 =	sadd.s32 s23, s1;
	s5 =	smax.u32 s5, $0x1  }
0x11: {  	s6 =	simm.s32 $0x27B0;
	s12 =	sadd.s32 s8, s12;
	s26 =	sshrl.u32 s13, $0x3  }
0x12: {  	s13 =	sadd.s32 s8, s30;
	s24 =	sadd.s32 s8, s21;
	[dreg:$0xe] =	wrdreg s5  }
0x13: {  	s10 =	sshrl.u32 s10, $0x3;
	s30 =	sadd.s32 s4, s0;
	[dreg:$0x3] =	wrdreg s12  }
0x14: {  	s21 =	sadd.s32 s15, s1;
	s5 =	simm.s32 $0x3C00;
	[dreg:$0x5] =	wrdreg s13  }
0x15: {  	s12 =	sadd.s32 s8, s26;
	[dreg:$0x8] =	wrdreg s24;
	s26 =	smul.u32 $0x4E20, s17  }
0x16: {  	s13 =	sadd.s32 $0x2600, s0;
	s17 =	sadd.s32 s11, s1;
	s11 =	simm.s32 $0x3  }
0x17: {  	[dreg:$0x4] =	wrdreg s12;
	s12 =	sshrl.u32 s16, $0x3;
	s16 =	sadd.s32 s7, s1  }
0x18: {  	[dreg:$0xd] =	wrdreg s17;
	s7 =	simm.s32 $0x5000;
	s12 =	sadd.s32 s8, s12  }
0x19: {  	s2 =	sadd.s32 s2, s26;
	[dreg:$0x6] =	wrdreg s12;
	s12 =	sadd.s32 s8, s20  }
0x1a: {  	s20 =	sadd.s32 s14, s1;
	s18 =	sadd.s32 $0x140, s2;
	s19 =	sadd.s32 $0x190, s2  }
0x1b: {  	[dreg:$0x7] =	wrdreg s12;
	s12 =	sshrl.u32 s25, $0x3;
	s25 =	sadd.s32 $0xF0, s2  }
0x1c: {  	s14 =	simm.s32 $0x0;
	s12 =	sadd.s32 s8, s12;
	[dreg:$0x11] =	wrdreg s25  }
0x1d: {  	s2 =	simm.s32 $0x50;
	s8 =	sadd.s32 s8, s10;
	[dreg:$0x9] =	wrdreg s12  }
0x1e: {  	s10 =	sadd.s32 s13, s4;
	s4 =	sshrl.u32 s19, $0x3;
	[dreg:$0xa] =	wrdreg s8  }
0x1f: {  	s12 =	sadd.s32 $0x16200, s0;
	s8 =	sadd.s32 $0xC400, s30;
	[dreg:$0xc] =	wrdreg s10  }
.Ltmp0:
0x20: {  	s24 =	sadd.s32 s4, s13;
	[dreg:$0xb] =	wrdreg s8;
	(pc) =	sbr.rel .LBB2_1-.Ltmp0, $4  }
0x21: {  	s0 =	sshrl.u32 s18, $0x3;
	s26 =	sadd.s32 $0x14, s10;
	[dreg:$0x10] =	wrdreg s24  }
0x22: {  	s30 =	sadd.s32 $0xA, s10;
	s4 =	simm.s32 $0x2800;
	[dreg:$0x12] =	wrdreg s26  }
0x23: {  	s10 =	simm.s32 $0x1;
	s0 =	sadd.s32 s0, s13;
	[dreg:$0x13] =	wrdreg s30  }
0x24: {  	v0 =	vimm.f32 $0.0e+00;
	s8 =	simm.s32 $0x2;
	[dreg:$0xf] =	wrdreg s0;
	s0 =	simm.s32 $0x2710  }
.LBB2_8:
0x25: {  	_ =	swait.ge [sflag:s8], $0x50  }
0x26: {  	[sflag:s8] =	ssyncset.done $0x0  }
0x27: {  	[sflag:s8] =	ssyncadd.s32 $0xFFFFFFB0  }
0x28: {  	_ =	swait.ge [sflag:s8], $0x1400  }
0x29: {  	[sflag:s8] =	ssyncset.done $0x0  }
0x2a: {  	[sflag:s8] =	ssyncadd.s32 $0xFFFFEC00  }
0x2b: {  	[spmem:s1] =	stream.indirect.scatter.add.f32 [tilespmem:s5], [sflag:$0x4], $0x40, s9, s2, $0xb8;
	[tilespmem:$0x10400] =	vst v63  }
0x2c: {  	_ =	swait.ge [sflag:s31], $0x1400  }
0x2d: {  	[sflag:s31] =	ssyncset.done $0x0  }
0x2e: {  	[sflag:s31] =	ssyncadd.s32 $0xFFFFEC00  }
.LBB2_6:
0x2f: {  	[bflag:$0x0] =	sbarrier.arrive $0xFFFF  }
0x30: {  	[tilespmem:s4], [sflag:$0x4] =	stream.linear.gather [spmem:s17], $0x1400, $0x38;
	[tilespmem:$0x10400] =	vst v63  }
0x31: {  	_ =	swait.ge [sflag:s31], $0x1400  }
0x32: {  	[sflag:s31] =	ssyncset.done $0x0  }
0x33: {  	s15 =	rddreg [dreg:$0x3];
	[sflag:s31] =	ssyncadd.s32 $0xFFFFEC00  }
0x34: {  	[hbm4b:s15+s3] =	stream.linear.scatter [tilespmem:s4], [sflag:$0x1], $0x1400, $0x38;
	[tilespmem:$0x10400] =	vst v63  }
0x35: {  	_ = 	snop  }
0x36: {  	[tilespmem:s5], [sflag:$0x4] =	stream.linear.gather [spmem:s18], $0x1400, $0x38;
	[tilespmem:$0x10400] =	vst v63  }
0x37: {  	_ =	swait.ge [sflag:s31], $0x1400  }
0x38: {  	[sflag:s31] =	ssyncset.done $0x0  }
0x39: {  	s26 =	rddreg [dreg:$0x4];
	[sflag:s31] =	ssyncadd.s32 $0xFFFFEC00  }
0x3a: {  	[hbm4b:s26+s3] =	stream.linear.scatter [tilespmem:s5], [sflag:$0x2], $0x1400, $0x38;
	[tilespmem:$0x10400] =	vst v63  }
0x3b: {  	_ =	swait.ge [sflag:s10], $0x1400  }
0x3c: {  	[sflag:s10] =	ssyncset.done $0x0  }
0x3d: {  	[sflag:s10] =	ssyncadd.s32 $0xFFFFEC00  }
0x3e: {  	[tilespmem:s4], [sflag:$0x4] =	stream.linear.gather [spmem:s19], $0x1400, $0x38;
	[tilespmem:$0x10400] =	vst v63  }
0x3f: {  	_ =	swait.ge [sflag:s31], $0x1400  }
0x40: {  	[sflag:s31] =	ssyncset.done $0x0  }
0x41: {  	s30 =	rddreg [dreg:$0x5];
	[sflag:s31] =	ssyncadd.s32 $0xFFFFEC00  }
0x42: {  	[hbm4b:s30+s3] =	stream.linear.scatter [tilespmem:s4], [sflag:$0x1], $0x1400, $0x38;
	[tilespmem:$0x10400] =	vst v63  }
0x43: {  	_ =	swait.ge [sflag:s8], $0x1400  }
0x44: {  	[sflag:s8] =	ssyncset.done $0x0  }
0x45: {  	s16 =	smov.u32 s17;
	s17 =	rddreg [dreg:$0xd];
	[sflag:s8] =	ssyncadd.s32 $0xFFFFEC00  }
0x46: {  	[tilespmem:s5], [sflag:$0x4] =	stream.linear.gather [spmem:s17], $0x1400, $0x38;
	[tilespmem:$0x10400] =	vst v63  }
0x47: {  	_ =	swait.ge [sflag:s31], $0x1400  }
0x48: {  	[sflag:s31] =	ssyncset.done $0x0  }
0x49: {  	s28 =	smov.u32 s18;
	s18 =	rddreg [dreg:$0x6];
	[sflag:s31] =	ssyncadd.s32 $0xFFFFEC00  }
0x4a: {  	[hbm4b:s18+s3] =	stream.linear.scatter [tilespmem:s5], [sflag:$0x2], $0x1400, $0x38;
	[tilespmem:$0x10400] =	vst v63  }
0x4b: {  	_ =	swait.ge [sflag:s10], $0x1400  }
0x4c: {  	[sflag:s10] =	ssyncset.done $0x0  }
0x4d: {  	[sflag:s10] =	ssyncadd.s32 $0xFFFFEC00  }
0x4e: {  	[tilespmem:s4], [sflag:$0x4] =	stream.linear.gather [spmem:s20], $0x1400, $0x38;
	[tilespmem:$0x10400] =	vst v63  }
0x4f: {  	_ =	swait.ge [sflag:s31], $0x1400  }
0x50: {  	[sflag:s31] =	ssyncset.done $0x0  }
0x51: {  	s29 =	smov.u32 s19;
	s19 =	rddreg [dreg:$0x7];
	[sflag:s31] =	ssyncadd.s32 $0xFFFFEC00  }
0x52: {  	[hbm4b:s19+s3] =	stream.linear.scatter [tilespmem:s4], [sflag:$0x1], $0x1400, $0x38;
	[tilespmem:$0x10400] =	vst v63  }
0x53: {  	_ =	swait.ge [sflag:s8], $0x1400  }
0x54: {  	[sflag:s8] =	ssyncset.done $0x0  }
0x55: {  	[sflag:s8] =	ssyncadd.s32 $0xFFFFEC00  }
0x56: {  	[tilespmem:s5], [sflag:$0x4] =	stream.linear.gather [spmem:s21], $0x1400, $0x38;
	[tilespmem:$0x10400] =	vst v63  }
0x57: {  	_ =	swait.ge [sflag:s31], $0x1400  }
0x58: {  	[sflag:s31] =	ssyncset.done $0x0  }
0x59: {  	s24 =	rddreg [dreg:$0x8];
	[sflag:s31] =	ssyncadd.s32 $0xFFFFEC00  }
0x5a: {  	[hbm4b:s24+s3] =	stream.linear.scatter [tilespmem:s5], [sflag:$0x2], $0x1400, $0x38;
	[tilespmem:$0x10400] =	vst v63  }
0x5b: {  	_ =	swait.ge [sflag:s10], $0x1400  }
0x5c: {  	[sflag:s10] =	ssyncset.done $0x0  }
0x5d: {  	[sflag:s10] =	ssyncadd.s32 $0xFFFFEC00  }
0x5e: {  	[tilespmem:s4], [sflag:$0x4] =	stream.linear.gather [spmem:s22], $0x1400, $0x38;
	[tilespmem:$0x10400] =	vst v63  }
0x5f: {  	_ =	swait.ge [sflag:s31], $0x1400  }
0x60: {  	[sflag:s31] =	ssyncset.done $0x0  }
0x61: {  	s25 =	rddreg [dreg:$0x9];
	[sflag:s31] =	ssyncadd.s32 $0xFFFFEC00  }
0x62: {  	[hbm4b:s25+s3] =	stream.linear.scatter [tilespmem:s4], [sflag:$0x1], $0x1400, $0x38;
	[tilespmem:$0x10400] =	vst v63  }
0x63: {  	_ =	swait.ge [sflag:s8], $0x1400  }
0x64: {  	[sflag:s8] =	ssyncset.done $0x0  }
0x65: {  	[sflag:s8] =	ssyncadd.s32 $0xFFFFEC00  }
0x66: {  	[tilespmem:s5], [sflag:$0x4] =	stream.linear.gather [spmem:s23], $0x1400, $0x38;
	[tilespmem:$0x10400] =	vst v63  }
0x67: {  	_ =	swait.ge [sflag:s31], $0x1400  }
0x68: {  	[sflag:s31] =	ssyncset.done $0x0  }
0x69: {  	s26 =	rddreg [dreg:$0xa];
	[sflag:s31] =	ssyncadd.s32 $0xFFFFEC00  }
0x6a: {  	[hbm4b:s26+s3] =	stream.linear.scatter [tilespmem:s5], [sflag:$0x2], $0x1400, $0x38;
	[tilespmem:$0x10400] =	vst v63  }
0x6b: {  	_ =	swait.ge [sflag:s10], $0x1400  }
0x6c: {  	[sflag:s10] =	ssyncset.done $0x0  }
0x6d: {  	[sflag:s10] =	ssyncadd.s32 $0xFFFFEC00  }
0x6e: {  	_ =	swait.ge [sflag:s8], $0x1400  }
0x6f: {  	s14 =	sadd.s32 $0x1, s14;
	s30 =	rddreg [dreg:$0xe]  }
0x70: {  	p0 =	sne.s32 s14, s30  }
.Ltmp1:
0x71: {  	_ = 	snop;
	(pc) =	sbr.rel @!p0 .LBB2_7-.Ltmp1, $3  }
0x72: {  	_ =	sdelay $0x1  }
0x73: {  	[sflag:s8] =	ssyncset.done $0x0  }
0x74: {  	[sflag:s8] =	ssyncadd.s32 $0xFFFFEC00  }
.LBB2_1:
0x75: {  	s15 =	rddreg [dreg:$0xb]  }
0x76: {  	[tilespmem:s3], [sflag:$0x4] =	stream.linear.gather [hbm4b:s15+s3], $0x2710, $0x38;
	[tilespmem:$0x10400] =	vst v63  }
0x77: {  	_ =	swait.ge [sflag:s31], $0x2710  }
0x78: {  	[sflag:s31] =	ssyncset.done $0x0  }
0x79: {  	s25 =	simm.s32 $0x100;
	s24 =	simm.s32 $0x0;
	[sflag:s31] =	ssyncadd.s32 $0xFFFFD8F0  }
.LBB2_2:
0x7a: {  	p0 =	sne.s32 s25, $0x4F00;
	[tilespmem:s24+$0x3C30] =	vst v0;
	s26 =	smov.u32 s25;
	s25 =	sadd.s32 $0x100, s25  }
.Ltmp2:
0x7b: {  	[tilespmem:s24+$0x3C20] =	vst v0;
	(pc) =	sbr.rel @p0 .LBB2_2-.Ltmp2, $3  }
0x7c: {  	[tilespmem:s24+$0x3C00] =	vst v0  }
0x7d: {  	[tilespmem:s24+$0x3C10] =	vst v0;
	_ =	sdelay $0x1  }
0x7e: {  	s24 =	sshra.s32 s26, $0x2  }
0x7f: {  	[tilespmem:s24+$0x3C30] =	vst v0  }
0x80: {  	[tilespmem:s24+$0x3C20] =	vst v0  }
0x81: {  	[tilespmem:s24+$0x3C00] =	vst v0  }
0x82: {  	[tilespmem:s24+$0x3C10] =	vst v0;
	s24 =	simm.s32 $0x0;
	s15 =	rddreg [dreg:$0xc]  }
0x83: {  	[tilespmem:s0], [sflag:$0x1] =	stream.linear.gather [hbm4b:s15+s24], $0x50, $0x38;
	[tilespmem:$0x10400] =	vst v63  }
0x84: {  	_ = 	snop  }
0x85: {  	[tilespmem:s4], [sflag:$0x1] =	stream.indirect.gather [hbm4b:s12+s2], $0x40, s24, s2, $0xb8;
	[tilespmem:$0x10400] =	vst v63  }
0x86: {  	_ = 	snop  }
0x87: {  	[spmem:s16] =	stream.linear.scatter [tilespmem:s5], [sflag:$0x2], $0x1400, $0x38;
	[tilespmem:$0x10400] =	vst v63  }
0x88: {  	_ = 	snop  }
0x89: {  	[spmem:s28] =	stream.linear.scatter [tilespmem:s5], [sflag:$0x2], $0x1400, $0x38;
	[tilespmem:$0x10400] =	vst v63  }
0x8a: {  	_ = 	snop  }
0x8b: {  	[spmem:s29] =	stream.linear.scatter [tilespmem:s5], [sflag:$0x2], $0x1400, $0x38;
	[tilespmem:$0x10400] =	vst v63  }
0x8c: {  	s17 =	smov.u32 s16;
	s16 =	rddreg [dreg:$0xd]  }
0x8d: {  	[spmem:s16] =	stream.linear.scatter [tilespmem:s5], [sflag:$0x2], $0x1400, $0x38;
	[tilespmem:$0x10400] =	vst v63  }
0x8e: {  	_ = 	snop  }
0x8f: {  	[spmem:s20] =	stream.linear.scatter [tilespmem:s5], [sflag:$0x2], $0x1400, $0x38;
	[tilespmem:$0x10400] =	vst v63  }
0x90: {  	_ = 	snop  }
0x91: {  	[spmem:s21] =	stream.linear.scatter [tilespmem:s5], [sflag:$0x2], $0x1400, $0x38;
	[tilespmem:$0x10400] =	vst v63  }
0x92: {  	_ = 	snop  }
0x93: {  	[spmem:s22] =	stream.linear.scatter [tilespmem:s5], [sflag:$0x2], $0x1400, $0x38;
	[tilespmem:$0x10400] =	vst v63  }
0x94: {  	_ = 	snop  }
0x95: {  	[spmem:s23] =	stream.linear.scatter [tilespmem:s5], [sflag:$0x2], $0x1400, $0x38;
	[tilespmem:$0x10400] =	vst v63  }
0x96: {  	s25 =	rddreg [dreg:$0x12]  }
0x97: {  	[tilespmem:s6], [sflag:$0x3] =	stream.linear.gather [hbm4b:s25+s24], $0x50, $0x38;
	[tilespmem:$0x10400] =	vst v63  }
0x98: {  	s26 =	simm.s32 $0xA0  }
0x99: {  	[tilespmem:s7], [sflag:$0x3] =	stream.indirect.gather [hbm4b:s12+s2], $0x40, s26, s2, $0xb8;
	[tilespmem:$0x10400] =	vst v63  }
0x9a: {  	_ =	swait.ge [sflag:s8], $0x1400  }
0x9b: {  	[sflag:s8] =	ssyncset.done $0x0  }
0x9c: {  	[sflag:s8] =	ssyncadd.s32 $0xFFFFEC00  }
0x9d: {  	_ =	swait.ge [sflag:s8], $0x1400  }
0x9e: {  	[sflag:s8] =	ssyncset.done $0x0  }
0x9f: {  	[sflag:s8] =	ssyncadd.s32 $0xFFFFEC00  }
0xa0: {  	_ =	swait.ge [sflag:s8], $0x1400  }
0xa1: {  	[sflag:s8] =	ssyncset.done $0x0  }
0xa2: {  	[sflag:s8] =	ssyncadd.s32 $0xFFFFEC00  }
0xa3: {  	_ =	swait.ge [sflag:s8], $0x1400  }
0xa4: {  	[sflag:s8] =	ssyncset.done $0x0  }
0xa5: {  	[sflag:s8] =	ssyncadd.s32 $0xFFFFEC00  }
0xa6: {  	_ =	swait.ge [sflag:s8], $0x1400  }
0xa7: {  	[sflag:s8] =	ssyncset.done $0x0  }
0xa8: {  	[sflag:s8] =	ssyncadd.s32 $0xFFFFEC00  }
0xa9: {  	_ =	swait.ge [sflag:s8], $0x1400  }
0xaa: {  	[sflag:s8] =	ssyncset.done $0x0  }
0xab: {  	[sflag:s8] =	ssyncadd.s32 $0xFFFFEC00  }
0xac: {  	_ =	swait.ge [sflag:s8], $0x1400  }
0xad: {  	[sflag:s8] =	ssyncset.done $0x0  }
0xae: {  	[sflag:s8] =	ssyncadd.s32 $0xFFFFEC00  }
0xaf: {  	_ =	swait.ge [sflag:s8], $0x1400  }
0xb0: {  	[sflag:s8] =	ssyncset.done $0x0  }
0xb1: {  	s30 =	rddreg [dreg:$0x13];
	[sflag:s8] =	ssyncadd.s32 $0xFFFFEC00  }
0xb2: {  	[tilespmem:s9], [sflag:$0x2] =	stream.linear.gather [hbm4b:s30+s24], $0x50, $0x38;
	[tilespmem:$0x10400] =	vst v63  }
0xb3: {  	_ = 	snop  }
0xb4: {  	[tilespmem:s5], [sflag:$0x2] =	stream.indirect.gather [hbm4b:s12+s2], $0x40, s2, s2, $0xb8;
	[tilespmem:$0x10400] =	vst v63  }
0xb5: {  	[bflag:$0x0] =	sbarrier.arrive $0xFFFF  }
0xb6: {  	s18 =	smov.u32 s28;
	s28 =	rddreg [dreg:$0x11]  }
0xb7: {  	s26 =	rddreg [dreg:$0x10]  }
0xb8: {  	s19 =	smov.u32 s29;
	s25 =	simm.s32 $0x0;
	s29 =	rddreg [dreg:$0xf]  }
.LBB2_4:
0xb9: {  	_ =	swait.ge [sflag:s10], $0x50  }
0xba: {  	[sflag:s10] =	ssyncset.done $0x0  }
0xbb: {  	[sflag:s10] =	ssyncadd.s32 $0xFFFFFFB0  }
0xbc: {  	_ =	swait.ge [sflag:s10], $0x1400  }
0xbd: {  	p0 =	seq.s32 s24, $0x99C0;
	[sflag:s10] =	ssyncset.done $0x0  }
.Ltmp3:
0xbe: {  	[sflag:s10] =	ssyncadd.s32 $0xFFFFEC00;
	(pc) =	sbr.rel @p0 .LBB2_8-.Ltmp3, $4  }
0xbf: {  	[spmem:s1] =	stream.indirect.scatter.add.f32 [tilespmem:s4], [sflag:$0x4], $0x40, s0, s2, $0xb8;
	[tilespmem:$0x10400] =	vst v63  }
0xc0: {  	_ =	swait.ge [sflag:s31], $0x1400  }
0xc1: {  	[sflag:s31] =	ssyncset.done $0x0  }
0xc2: {  	[sflag:s31] =	ssyncadd.s32 $0xFFFFEC00  }
0xc3: {  	s30 =	sshrl.u32 s28, $0x3  }
0xc4: {  	s16 =	sshra.s32 s24, $0x2;
	s30 =	sadd.s32 s13, s30  }
0xc5: {  	[tilespmem:s0], [sflag:$0x1] =	stream.linear.gather [hbm4b:s30+s3], $0x50, $0x38;
	[tilespmem:$0x10400] =	vst v63  }
0xc6: {  	s15 =	sadd.s32 $0xF0, s16  }
0xc7: {  	[tilespmem:s4], [sflag:$0x1] =	stream.indirect.gather [hbm4b:s12+s2], $0x40, s15, s2, $0xb8;
	[tilespmem:$0x10400] =	vst v63  }
0xc8: {  	_ =	swait.ge [sflag:s8], $0x50  }
0xc9: {  	[sflag:s8] =	ssyncset.done $0x0  }
0xca: {  	[sflag:s8] =	ssyncadd.s32 $0xFFFFFFB0  }
0xcb: {  	_ =	swait.ge [sflag:s8], $0x1400  }
0xcc: {  	[sflag:s8] =	ssyncset.done $0x0  }
0xcd: {  	[sflag:s8] =	ssyncadd.s32 $0xFFFFEC00  }
0xce: {  	[spmem:s1] =	stream.indirect.scatter.add.f32 [tilespmem:s5], [sflag:$0x4], $0x40, s9, s2, $0xb8;
	[tilespmem:$0x10400] =	vst v63  }
0xcf: {  	_ =	swait.ge [sflag:s31], $0x1400  }
0xd0: {  	[sflag:s31] =	ssyncset.done $0x0  }
0xd1: {  	[sflag:s31] =	ssyncadd.s32 $0xFFFFEC00  }
0xd2: {  	[tilespmem:s9], [sflag:$0x2] =	stream.linear.gather [hbm4b:s29+s3], $0x50, $0x38;
	[tilespmem:$0x10400] =	vst v63  }
0xd3: {  	s30 =	sadd.s32 $0x140, s16  }
0xd4: {  	[tilespmem:s5], [sflag:$0x2] =	stream.indirect.gather [hbm4b:s12+s2], $0x40, s30, s2, $0xb8;
	[tilespmem:$0x10400] =	vst v63  }
0xd5: {  	_ =	swait.ge [sflag:s11], $0x50  }
0xd6: {  	[sflag:s11] =	ssyncset.done $0x0  }
0xd7: {  	[sflag:s11] =	ssyncadd.s32 $0xFFFFFFB0  }
0xd8: {  	_ =	swait.ge [sflag:s11], $0x1400  }
0xd9: {  	[sflag:s11] =	ssyncset.done $0x0  }
0xda: {  	[sflag:s11] =	ssyncadd.s32 $0xFFFFEC00  }
0xdb: {  	[spmem:s1] =	stream.indirect.scatter.add.f32 [tilespmem:s7], [sflag:$0x4], $0x40, s6, s2, $0xb8;
	[tilespmem:$0x10400] =	vst v63  }
0xdc: {  	_ =	swait.ge [sflag:s31], $0x1400  }
0xdd: {  	p0 =	sgt.u32 s25, $0x27;
	[sflag:s31] =	ssyncset.done $0x0  }
0xde: {  	s15 =	simm.s32 @!p0 $0x0;
	s30 =	simm.s32 @!p0 $0x27B0;
	[sflag:s31] =	ssyncadd.s32 $0xFFFFEC00  }
0xdf: {  	[tilespmem:s30], [sflag:$0x3] =	stream.linear.gather @!p0 [hbm4b:s26+s15], $0x50, $0x38;
	[tilespmem:$0x10400] =	vst v63  }
0xe0: {  	s16 =	simm.s32 @!p0 $0x5000;
	s15 =	sshra.s32 @!p0 s24, $0x2  }
0xe1: {  	s30 =	simm.s32 @!p0 $0x50;
	s24 =	sadd.s32 $0x3C0, s24;
	s15 =	sadd.s32 @!p0 $0x190, s15  }
0xe2: {  	[tilespmem:s16], [sflag:$0x3] =	stream.indirect.gather @!p0 [hbm4b:s12+s30], $0x40, s15, s30, $0xb8;
	[tilespmem:$0x10400] =	vst v63  }
0xe3: {  	p0 =	sne.s32 s24, $0x9D80  }
.Ltmp4:
0xe4: {  	_ = 	snop;
	(pc) =	sbr.rel @p0 .LBB2_4-.Ltmp4, $4  }
.Ltmp5:
0xe5: {  	_ = 	snop;
	(pc) =	sbr.rel @!p0 .LBB2_6-.Ltmp5, $4  }
0xe6: {  	_ = 	snop  }
0xe7: {  	s25 =	sadd.s32 $0x1, s25  }
0xe8: {  	s28 =	sadd.s32 $0xF0, s28;
	s29 =	sadd.s32 $0x1E, s29;
	s26 =	sadd.s32 $0x1E, s26  }
0xe9: {  	_ = 	snop  }
.LBB2_7:
0xea: {  	_ =	sfence.sel $0x180000  }
0xeb: {  	[bflag:$0x0] =	sbarrier.arrive $0xFFFF  }
0xec: {  	_ =	strace $0x9000004D  }
0xed: {  	s0 =	stileid.u32;
	[bflag:$0x2] =	sbarrier.arrive $0xFFFF  }
0xee: {  	p0 =	sne.s32 s0, $0x0;
	s0 =	rddreg [dreg:$0x2]  }
0xef: {  	s0 =	sadd.s32 @!p0 $0x100000, s0  }
0xf0: {  	[sflag:s0] =	ssyncadd.tile.s32 @!p0 $0x1;
	_ =	shalt  }
.Lfunc_end2:
_tile_overlayer_lowered:
.L_overlay_start_2:
0xf1: {  	(tag) =	ssettag $0x2  }
0xf2: {  	s0 =	rddreg [dreg:$0x0];
	s2 =	stileid.u32  }
0xf3: {  	s1 =	rddreg [dreg:$0x1];
	p0 =	sne.s32 s2, $0x0  }
0xf4: {  	s3 =	rddreg [dreg:$0x2];
	[bflag:$0x3] =	sbarrier.arrive $0xFFFF;
	s2 =	simm.s32 @!p0 $0x1C04  }
0xf5: {  	[timem:s3], [sflag:s2] =	dma.local @!p0 [hbm:s0], s1  }
0xf6: {  	s0 =	simm.s32 @!p0 $0x4  }
0xf7: {  	_ =	swait.ge @!p0 [sflag:s0], s1  }
0xf8: {  	s1 =	ssub.s32 @!p0 $0x0, s1;
	[sflag:s0] =	ssyncset.done @!p0 $0x0  }
0xf9: {  	[sflag:s0] =	ssyncadd.s32 @!p0 s1  }
0xfa: {  	[bflag:$0x3] =	sbarrier.arrive $0xFFFF  }
0xfb: {  	_ =	shalt  }

// kernel: kernel.9.cloned.1.call-start
scs
__scs_entry_jumppad:
0x0: {  	(pc) =	sbr.rel $0x88, $3  }
0x1: {  	(tag) =	ssettag $0x0;
	lr =	simm.s32 $0x1  }
0x2: {  	[smem:$0x3F99] =	sst lr;
	_ =	strace $0xD0000000  }
0x3: {  	_ = 	snop  }
0x4: {  	_ = 	snop  }
0x5: {  	_ = 	snop  }
0x6: {  	_ = 	snop  }
0x7: {  	_ = 	snop  }
__scs_overlays_trampoline_lowered:
0x8: {  	[smem:$0x3FA8] =	sst s0  }
0x9: {  	[smem:$0x3FA9] =	sst s1  }
0xa: {  	[smem:$0x3FAA] =	sst s2  }
0xb: {  	[smem:$0x3FAB] =	sst s3  }
0xc: {  	[smem:$0x3FAC] =	sst s4  }
0xd: {  	[smem:$0x3FAD] =	sst s5  }
0xe: {  	[smem:$0x3FAE] =	sst s6  }
0xf: {  	[smem:$0x3FAF] =	sst s7  }
0x10: {  	[smem:$0x3FB0] =	sst s8  }
0x11: {  	[smem:$0x3FB1] =	sst s9;
	s0 =	simm.s32 @!p0 $0x0  }
0x12: {  	s1 =	sld [smem:$0x3F97];
	s0 =	simm.s32 @p0 $0x1  }
0x13: {  	[smem:$0x3FB2] =	sst s0;
	s0 =	simm.s32 @!p1 $0x0  }
0x14: {  	s2 =	sld [smem:$0x3F96];
	s0 =	simm.s32 @p1 $0x1  }
0x15: {  	[smem:$0x3FB3] =	sst s0;
	s0 =	simm.s32 @!p2 $0x0  }
0x16: {  	s3 =	sld [smem:$0x3FDB];
	s0 =	simm.s32 @p2 $0x1  }
0x17: {  	s4 =	simm.s32 $0x1BF5;
	[smem:$0x3FB5] =	sst s0  }
0x18: {  	s0 =	sld [smem:$0x3F98];
	_ =	swait.ge [sflag:s4], $0x0  }
0x19: {  	s7 =	sld [smem:$0x3F99]  }
0x1a: {  	s8 =	sadd.s32 $0xFFFFE003, lr  }
0x1b: {  	s9 =	sadd.s32 $0xFFFFFEF7, lr;
	s5 =	simm.s32 $0xFFFFFFFF;
	p2 =	slt.u32 s8, $0xFFFFF086  }
0x1c: {  	p1 =	slt.u32 s9, $0xF7A;
	s5 =	simm.s32 @!p2 $0x0  }
0x1d: {  	s5 =	simm.s32 @p1 $0x1;
	p0 =	seq.s32 s7, s2  }
0x1e: {  	s7 =	smul.u32 @!p0 $0xF7A, s2;
	p2 =	seq.s32 @!p0 s5, $0x0  }
0x1f: {  	s9 =	smul.u32 $0xF7A, s1;
	s8 =	simm.s32 @!p0 $0x1BF5;
	p2 =	por !p2, p0  }
0x20: {  	[sflag:s8] =	ssyncset.s32 @!p0 $0xFFFFF086;
	s6 =	sadd.s32 @!p0 s3, s7;
	s7 =	simm.s32 @!p0 $0x108  }
0x21: {  	s3 =	sadd.s32 s3, s9;
	s6 =	sadd.s32 @!p0 $0x88, s6;
	s7 =	simm.s32 @p2 $0x1082  }
0x22: {  	[simem:s7], [sflag:s8] =	dma.local @!p0 [hbm:s6], $0xF7A  }
0x23: {  	s9 =	sor.u32 $0xD0000000, s2;
	s6 =	simm.s32 $0x108;
	_ =	swait.ge @!p0 [sflag:s8], $0x0  }
0x24: {  	s3 =	sadd.s32 $0x88, s3;
	s6 =	simm.s32 @!p1 $0x1082;
	[sflag:s4] =	ssyncset.s32 $0xFFFFF086  }
0x25: {  	[simem:s6], [sflag:s4] =	dma.local [hbm:s3], $0xF7A  }
0x26: {  	[smem:$0x3F99] =	sst s1;
	(tag) =	ssettag s2;
	_ =	strace s9  }
0x27: {  	s1 =	sld [smem:$0x3FA9]  }
0x28: {  	s2 =	sld [smem:$0x3FAA]  }
0x29: {  	s4 =	sld [smem:$0x3FAC]  }
0x2a: {  	p0 =	seq.s32 s5, $0x0;
	s5 =	sld [smem:$0x3FAD]  }
0x2b: {  	s6 =	sld [smem:$0x3FAE]  }
0x2c: {  	s7 =	sld [smem:$0x3FAF]  }
0x2d: {  	s3 =	simm.s32 $0x108;
	s8 =	sld [smem:$0x3FB0]  }
0x2e: {  	s3 =	simm.s32 @!p0 $0x1082;
	s9 =	sld [smem:$0x3FB1]  }
0x2f: {  	lr =	sadd.s32 s0, s3;
	s0 =	sld [smem:$0x3FA8]  }
0x30: {  	s3 =	sld [smem:$0x3FAB]  }
0x31: {  	[smem:$0x3FB4] =	sst s10  }
0x32: {  	s10 =	sld [smem:$0x3FB2];
	_ =	sdelay $0x3  }
0x33: {  	p0 =	seq.s32 s10, $0x1;
	s10 =	sld [smem:$0x3FB4];
	_ =	sdelay $0x3  }
0x34: {  	[smem:$0x3FB4] =	sst s10  }
0x35: {  	s10 =	sld [smem:$0x3FB3];
	_ =	sdelay $0x3  }
0x36: {  	p1 =	seq.s32 s10, $0x1;
	s10 =	sld [smem:$0x3FB4];
	_ =	sdelay $0x3  }
0x37: {  	[smem:$0x3FB4] =	sst s10  }
0x38: {  	s10 =	sld [smem:$0x3FB5]  }
0x39: {  	_ = 	snop;
	(pc) =	sbr.ind lr, $3  }
0x3a: {  	_ = 	snop  }
0x3b: {  	_ = 	snop  }
0x3c: {  	p2 =	seq.s32 s10, $0x1;
	s10 =	sld [smem:$0x3FB4]  }
0x3d: {  	_ =	shalt  }
0x3e: {  	_ =	shalt  }
0x3f: {  	_ =	shalt  }
0x40: {  	_ =	shalt  }
0x41: {  	_ =	shalt  }
0x42: {  	_ =	shalt  }
0x43: {  	_ =	shalt  }
0x44: {  	_ =	shalt  }
0x45: {  	_ =	shalt  }
0x46: {  	_ =	shalt  }
0x47: {  	_ =	shalt  }
0x48: {  	_ =	shalt  }
0x49: {  	_ =	shalt  }
0x4a: {  	_ =	shalt  }
0x4b: {  	_ =	shalt  }
0x4c: {  	_ =	shalt  }
0x4d: {  	_ =	shalt  }
0x4e: {  	_ =	shalt  }
0x4f: {  	_ =	shalt  }
0x50: {  	_ =	shalt  }
0x51: {  	_ =	shalt  }
0x52: {  	_ =	shalt  }
0x53: {  	_ =	shalt  }
0x54: {  	_ =	shalt  }
0x55: {  	_ =	shalt  }
0x56: {  	_ =	shalt  }
0x57: {  	_ =	shalt  }
0x58: {  	_ =	shalt  }
0x59: {  	_ =	shalt  }
0x5a: {  	_ =	shalt  }
0x5b: {  	_ =	shalt  }
0x5c: {  	_ =	shalt  }
0x5d: {  	_ =	shalt  }
0x5e: {  	_ =	shalt  }
0x5f: {  	_ =	shalt  }
0x60: {  	_ =	shalt  }
0x61: {  	_ =	shalt  }
0x62: {  	_ =	shalt  }
0x63: {  	_ =	shalt  }
0x64: {  	_ =	shalt  }
0x65: {  	_ =	shalt  }
0x66: {  	_ =	shalt  }
0x67: {  	_ =	shalt  }
0x68: {  	_ =	shalt  }
0x69: {  	_ =	shalt  }
0x6a: {  	_ =	shalt  }
0x6b: {  	_ =	shalt  }
0x6c: {  	_ =	shalt  }
0x6d: {  	_ =	shalt  }
0x6e: {  	_ =	shalt  }
0x6f: {  	_ =	shalt  }
0x70: {  	_ =	shalt  }
0x71: {  	_ =	shalt  }
0x72: {  	_ =	shalt  }
0x73: {  	_ =	shalt  }
0x74: {  	_ =	shalt  }
0x75: {  	_ =	shalt  }
0x76: {  	_ =	shalt  }
0x77: {  	_ =	shalt  }
0x78: {  	_ =	shalt  }
0x79: {  	_ =	shalt  }
0x7a: {  	_ =	shalt  }
0x7b: {  	_ =	shalt  }
0x7c: {  	_ =	shalt  }
0x7d: {  	_ =	shalt  }
0x7e: {  	_ =	shalt  }
0x7f: {  	_ =	shalt  }
0x80: {  	_ =	shalt  }
0x81: {  	_ =	shalt  }
0x82: {  	_ =	shalt  }
0x83: {  	_ =	shalt  }
0x84: {  	_ =	shalt  }
0x85: {  	_ =	shalt  }
0x86: {  	_ =	shalt  }
0x87: {  	_ =	shalt  }
.Lfunc_end0:
.L_simem_size_0:
called_computation_lowered:
.L_overlay_start_0:
0x88: {  	s2 =	sld [smem:$0x3FD9]  }
0x89: {  	s3 =	sld [smem:$0x3FFE];
	_ =	sdelay $0x1  }
0x8a: {  	s1 =	srdreg.scid  }
0x8b: {  	s0 =	sand.u32 $0x1, s1  }
0x8c: {  	s16 =	sshll.u32 s0, $0xA;
	s2 =	sadd.s32 s3, s2  }
0x8d: {  	s2 =	sadd.s32 s2, s16  }
0x8e: {  	[smem:$0x3FC0] =	sst s2  }
0x8f: {  	_ = 	snop  }
0x90: {  	(tm) =	ssettm $0x1  }
0x91: {  	s17 =	sld [smem:$0x3FFB];
	_ =	sdelay $0x3  }
0x92: {  	_ =	strace s17  }
0x93: {  	s2 =	sld [smem:$0x3FFC];
	_ =	sdelay $0x3  }
0x94: {  	_ =	strace s2  }
0x95: {  	s2 =	sld [smem:$0x3FFD];
	_ =	sdelay $0x3  }
0x96: {  	_ =	strace s2  }
0x97: {  	_ =	strace $0x8FFFFFFF  }
0x98: {  	s18 =	sld [smem:$0x3FDB];
	_ =	sdelay $0x1  }
0x99: {  	s19 =	simm.s32 $_scs_section_size  }
0x9a: {  	s4 =	simm.s32 $_size__tile_overlayer_lowered;
	s5 =	simm.s32 $_tile_overlayer_lowered  }
0x9b: {  	s22 =	simm.s32 $0x1BFF;
	s21 =	sshll.u32 s5, $0x1;
	s2 =	sadd.s32 s19, s18  }
0x9c: {  	s6 =	simm.s32 $0x0;
	s20 =	sshll.u32 s4, $0x1;
	s4 =	sadd.s32 s21, s2  }
0x9d: {  	[timem:s6], [sflag:s22] =	dma.local [hbm:s4], s20  }
0x9e: {  	_ =	swait.ge [sflag:s22], s20  }
0x9f: {  	s3 =	ssub.s32 $0x0, s20;
	[sflag:s22] =	ssyncset.done $0x0  }
0xa0: {  	[sflag:s22] =	ssyncadd.s32 s3;
	_ =	sdelay $0x1  }
0xa1: {  	s23 =	simm.s32 $0x1B8B  }
0xa2: {  	_ =	swait.ge [sflag:s23], $0x1  }
0xa3: {  	[sflag:s23] =	ssyncset.done $0x0  }
0xa4: {  	s25 =	simm.s32 $0x1B8E;
	s24 =	sld [smem:$0x3FFE];
	[sflag:s23] =	ssyncadd.s32 $0xFFFFFFFF  }
0xa5: {  	s26 =	simm.s32 $execute0_lowered;
	[smem:$0x3FD2] =	sst s25  }
0xa6: {  	s4 =	sshll.u32 s26, $0x1;
	_ =	strace $0x80000046;
	[dreg:$0x1] =	wrdreg $0xFFFFFFFF  }
0xa7: {  	s28 =	simm.s32 $_size_execute0_lowered;
	s2 =	sadd.s32 s2, s4;
	[dreg:$0x0] =	wrdreg $0x0  }
0xa8: {  	s4 =	sshll.u32 s28, $0x1;
	[dreg:$0x2] =	wrdreg s2  }
0xa9: {  	[dreg:$0x3] =	wrdreg s4  }
0xaa: {  	[dreg:$0x4] =	wrdreg $0xC0  }
0xab: {  	_ =	task [dreg:s6], $0x5FFFF  }
0xac: {  	[dreg:$0x1] =	wrdreg $0xFFFFFFFF  }
0xad: {  	[dreg:$0x0] =	wrdreg $0x60  }
0xae: {  	[dreg:$0x2] =	wrdreg s24  }
0xaf: {  	[dreg:$0x3] =	wrdreg $0x9  }
0xb0: {  	_ =	task.clear_ibuf [dreg:s6], $0x4FFFF;
	_ =	strace $0x90000046  }
0xb1: {  	s29 =	simm.s32 $0x9;
	_ =	strace $0x80000048  }
0xb2: {  	_ =	swait.ge [sflag:s29], $0x1  }
0xb3: {  	[sflag:s29] =	ssyncadd.s32 $0xFFFFFFFF  }
0xb4: {  	_ =	strace $0x90000048  }
0xb5: {  	_ =	sfence  }
0xb6: {  	s30 =	sld [smem:$0x0];
	_ =	sdelay $0x2  }
0xb7: {  	s31 =	sshll.u32 s1, $0xD;
	s1 =	sshrl.u32 s1, $0x2  }
0xb8: {  	s3 =	sand.u32 $0x4000, s31;
	s1 =	sadd.s32 s1, s30  }
0xb9: {  	s0 =	sor.u32 s3, s0;
	s1 =	sshll.u32 s1, $0x11  }
0xba: {  	s0 =	sor.u32 s1, s0  }
0xbb: {  	s0 =	sadd.s32 $0x8F2B, s0  }
0xbc: {  	[sflag:s0] =	ssyncadd.remote.s32 $0x1  }
0xbd: {  	_ =	sfence.sel $0xFFFF  }
0xbe: {  	[dreg:$0x0] =	wrdreg $0xFFFFFFFF;
	(pc) =	sbr.abs _section_cstart, $3  }
0xbf: {  	[dreg:$0x1] =	wrdreg $0xFFFFFFFF  }
0xc0: {  	_ =	task.clear_ibuf [dreg:s6], $0x2FFFF;
	_ =	strace $0x9FFFFFFF  }
0xc1: {  	(tm) =	ssettm $0x7FFFFFFF  }
tec
execute0_lowered:
.L_overlay_start_1:
0x0: {  	(tag) =	ssettag $0x1  }
0x1: {  	s1 =	srdreg.scid;
	s0 =	stileid.u32  }
0x2: {  	s3 =	rddreg [dreg:$0x0];
	s2 =	simm.s32 $0x0;
	s8 =	simm.s32 $0x0  }
0x3: {  	s4 =	sand.u32 $0x1, s1;
	s5 =	sshll.u32 s0, $0x1;
	s1 =	rddreg [dreg:$0x1]  }
0x4: {  	[smem:$0x7FF] =	sst s2;
	s5 =	sor.u32 s4, s5;
	s4 =	ssub.s32 $0x2, s4  }
0x5: {  	s6 =	smul.u32 $0x2780, s5;
	s5 =	sshll.u32 s5, $0xB;
	s7 =	sshrl.u32 s4, $0x1  }
0x6: {  	_ =	strace $0x80000047;
	s5 =	sadd.s32 s5, s3;
	s7 =	ssub.s32 s4, s7  }
0x7: {  	s6 =	sadd.s32 s6, s3;
	s3 =	sadd.s32 $0x16200, s5;
	s5 =	smax.u32 s7, $0x1  }
0x8: {  	v0 =	vimm.f32 $0.0e+00;
	v1 =	vimm.f32 $1.000000000e+00;
	s7 =	simm.s32 $0x4000;
	s4 =	sadd.s32 $0x26200, s6;
	s6 =	simm.s32 $0x1  }
.LBB2_1:
0x9: {  	s9 =	simm.s32 $0x200;
	s10 =	simm.s32 $0x0  }
.LBB2_2:
0xa: {  	p0 =	sne.s32 s9, $0x4E000;
	[tilespmem:s10+$0x4000] =	vst v0;
	s10 =	smov.u32 s9;
	s9 =	sadd.s32 $0x200, s9  }
.Ltmp0:
0xb: {  	(pc) =	sbr.rel @p0 .LBB2_2-.Ltmp0, $2  }
0xc: {  	_ =	sdelay $0x2  }
0xd: {  	s10 =	sshra.s32 s10, $0x2  }
0xe: {  	[tilespmem:s10+$0x4000] =	vst v0  }
0xf: {  	[tilespmem:s2], [sflag:$0x1] =	stream.linear.gather [hbm4b:s3+s2], $0x3E80, $0x38;
	[tilespmem:$0x17C00] =	vst v63  }
0x10: {  	_ =	swait.ge [sflag:s6], $0x3E80  }
0x11: {  	[sflag:s6] =	ssyncset.done $0x0  }
0x12: {  	s9 =	simm.s32 $0x100;
	[sflag:s6] =	ssyncadd.s32 $0xFFFFC180  }
.LBB2_4:
0x13: {  	s10 =	sshra.s32 s9, $0x2  }
0x14: {  	v2 =	vld [tilespmem:s10+$0xFFFFFFC0];
	_ =	sdelay $0x4  }
0x15: {  	v3 =	vshll.u32 v2, $0x3  }
0x16: {  	v2 =	vand.u32 $0xF, v2;
	v3 =	vand.u32 $0xFFFFFF80, v3  }
0x17: {  	v2 =	vor.u32 v2, v3;
	_ =	sdelay $0x4  }
0x18: {  	[tilespmem:v2+s7+$0x0] =	vst.idx.add.f32.msk $0xffff, v1  }
0x19: {  	v2 =	vld [tilespmem:s10+$0xFFFFFFD0];
	_ =	sdelay $0x4  }
0x1a: {  	v3 =	vshll.u32 v2, $0x3  }
0x1b: {  	v2 =	vand.u32 $0xF, v2;
	v3 =	vand.u32 $0xFFFFFF80, v3  }
0x1c: {  	v2 =	vor.u32 v2, v3;
	_ =	sdelay $0x4  }
0x1d: {  	[tilespmem:v2+s7+$0x0] =	vst.idx.add.f32.msk $0xffff, v1  }
0x1e: {  	v2 =	vld [tilespmem:s10+$0xFFFFFFE0];
	_ =	sdelay $0x4  }
0x1f: {  	v3 =	vshll.u32 v2, $0x3  }
0x20: {  	v2 =	vand.u32 $0xF, v2;
	v3 =	vand.u32 $0xFFFFFF80, v3  }
0x21: {  	v2 =	vor.u32 v2, v3;
	_ =	sdelay $0x4  }
0x22: {  	[tilespmem:v2+s7+$0x0] =	vst.idx.add.f32.msk $0xffff, v1  }
0x23: {  	v2 =	vld [tilespmem:s10+$0xFFFFFFF0];
	_ =	sdelay $0x4  }
0x24: {  	v3 =	vshll.u32 v2, $0x3  }
0x25: {  	v2 =	vand.u32 $0xF, v2;
	v3 =	vand.u32 $0xFFFFFF80, v3  }
0x26: {  	v2 =	vor.u32 v2, v3;
	_ =	sdelay $0x4  }
0x27: {  	[tilespmem:v2+s7+$0x0] =	vst.idx.add.f32.msk $0xffff, v1  }
0x28: {  	v2 =	vld [tilespmem:s10+$0x0];
	_ =	sdelay $0x4  }
0x29: {  	v3 =	vshll.u32 v2, $0x3  }
0x2a: {  	v2 =	vand.u32 $0xF, v2;
	v3 =	vand.u32 $0xFFFFFF80, v3  }
0x2b: {  	p0 =	sne.s32 s9, $0xF900;
	v2 =	vor.u32 v2, v3  }
.Ltmp1:
0x2c: {  	_ = 	snop;
	(pc) =	sbr.rel @p0 .LBB2_4-.Ltmp1, $2  }
0x2d: {  	_ =	sdelay $0x2  }
0x2e: {  	s9 =	sadd.s32 $0x200, s9;
	[tilespmem:v2+s7+$0x0] =	vst.idx.add.f32.msk $0xffff, v1  }
0x2f: {  	s8 =	sadd.s32 $0x1, s8  }
0x30: {  	p0 =	sne.s32 s8, s5  }
.Ltmp2:
0x31: {  	_ = 	snop;
	(pc) =	sbr.rel @p0 .LBB2_1-.Ltmp2, $4  }
0x32: {  	[hbm4b:s4+s2] =	stream.linear.scatter [tilespmem:s7], [sflag:$0x1], $0x13880, $0x38;
	[tilespmem:$0x17C00] =	vst v63  }
0x33: {  	_ =	swait.ge [sflag:s6], $0x13880  }
0x34: {  	[sflag:s6] =	ssyncset.done $0x0  }
0x35: {  	[sflag:s6] =	ssyncadd.s32 $0xFFFEC780  }
0x36: {  	_ =	sfence.sel $0x180000  }
0x37: {  	[bflag:$0x0] =	sbarrier.arrive $0xFFFF  }
0x38: {  	p0 =	sne.s32 s0, $0x0;
	_ =	strace $0x90000047  }
0x39: {  	s0 =	sadd.s32 @!p0 $0x100000, s1;
	[bflag:$0x2] =	sbarrier.arrive $0xFFFF  }
0x3a: {  	[sflag:s0] =	ssyncadd.tile.s32 @!p0 $0x1;
	_ =	shalt  }
.Lfunc_end2:
_tile_overlayer_lowered:
.L_overlay_start_2:
0x3b: {  	(tag) =	ssettag $0x2  }
0x3c: {  	s0 =	rddreg [dreg:$0x0];
	s2 =	stileid.u32  }
0x3d: {  	s1 =	rddreg [dreg:$0x1];
	p0 =	sne.s32 s2, $0x0  }
0x3e: {  	s3 =	rddreg [dreg:$0x2];
	[bflag:$0x3] =	sbarrier.arrive $0xFFFF;
	s2 =	simm.s32 @!p0 $0x1C01  }
0x3f: {  	[timem:s3], [sflag:s2] =	dma.local @!p0 [hbm:s0], s1  }
0x40: {  	s0 =	simm.s32 @!p0 $0x1  }
0x41: {  	_ =	swait.ge @!p0 [sflag:s0], s1  }
0x42: {  	s1 =	ssub.s32 @!p0 $0x0, s1;
	[sflag:s0] =	ssyncset.done @!p0 $0x0  }
0x43: {  	[sflag:s0] =	ssyncadd.s32 @!p0 s1  }
0x44: {  	[bflag:$0x3] =	sbarrier.arrive $0xFFFF  }
0x45: {  	_ =	shalt  }

</sc_bundles>
